<compile_context>
chip_gen: v7x
topology: tpu7x:2x2x1
jax: 0.10.2.dev20260603
libtpu: 0.0.44.dev20260713+nightly
codegen_flags: <defaults>
</compile_context>

<pallas_src>
import functools

import jax
import jax.numpy as jnp
from jax import lax
from jax.experimental import pallas as pl
from jax.experimental.pallas import tpu as pltpu
from jax.experimental.pallas import tpu_sc as plsc

N = 10000
E = 320000
NC = 2
NS = 16
NW = NC * NS
EB = 128
E2 = 327680
NB = E2 // EB // NW
NBH = NB // 2
NPAD = NS * 640
RCH = 40
DGW = 128

_mesh = plsc.VectorSubcoreMesh(core_axis_name="c", subcore_axis_name="s")


@functools.partial(
    pl.kernel,
    mesh=_mesh,
    out_type=jax.ShapeDtypeStruct((NC, NPAD, DGW), jnp.float32),
    scratch_types=[
        pltpu.VMEM((NB, EB), jnp.int32),
        pltpu.VMEM((EB, DGW), jnp.float32),
        pltpu.VMEM((RCH, DGW), jnp.float32),
        pltpu.VMEM_SHARED((NPAD, DGW), jnp.float32),
    ],
)
def _deg_sc(dst_hbm, ones_hbm, zeros_hbm, degp_hbm, didx_v, ones_v, chunk_v,
            acc_sp):
    cid = lax.axis_index("c")
    sid = lax.axis_index("s")
    wid = sid * NC + cid

    pltpu.sync_copy(ones_hbm, ones_v)
    pltpu.sync_copy(zeros_hbm, chunk_v)

    def zchunk(k, _):
        pltpu.sync_copy(chunk_v, acc_sp.at[pl.ds(sid * 640 + k * RCH, RCH)])
        return 0

    lax.fori_loop(0, 640 // RCH, zchunk, 0)
    plsc.subcore_barrier()

    pltpu.sync_copy(dst_hbm.at[pl.ds(wid * NB, NB)], didx_v)

    def body(j, _):
        pltpu.sync_copy(ones_v, acc_sp.at[didx_v.at[j]], add=True)
        return 0

    lax.fori_loop(0, NB, body, 0)
    plsc.subcore_barrier()

    def wout(k, _):
        r0 = sid * 640 + k * RCH
        pltpu.sync_copy(acc_sp.at[pl.ds(r0, RCH)], chunk_v)
        pltpu.sync_copy(chunk_v, degp_hbm.at[cid, pl.ds(r0, RCH)])
        return 0

    lax.fori_loop(0, 640 // RCH, wout, 0)


U = 2
ROUNDS_H = NBH // U


def _make_prop(d):
    @functools.partial(
        pl.kernel,
        mesh=_mesh,
        out_type=jax.ShapeDtypeStruct((NC, NPAD, d), jnp.float32),
        scratch_types=[
            pltpu.VMEM((NBH, EB), jnp.int32),
            pltpu.VMEM((NBH, EB), jnp.int32),
            pltpu.VMEM((EB, d), jnp.float32),
            pltpu.VMEM((EB, d), jnp.float32),
            pltpu.VMEM((RCH, d), jnp.float32),
            pltpu.SemaphoreType.DMA,
            pltpu.SemaphoreType.DMA,
            pltpu.SemaphoreType.DMA,
            pltpu.SemaphoreType.DMA,
            pltpu.VMEM_SHARED((NPAD, d), jnp.float32),
        ],
    )
    def _prop_sc(src_hbm, dst_hbm, y_hbm, zeros_hbm, zp_hbm,
                 sidx_v, didx_v, rows0, rows1, chunk_v,
                 gsem0, gsem1, ssem0, ssem1, acc_sp):
        rows = (rows0, rows1)
        gsem = (gsem0, gsem1)
        ssem = (ssem0, ssem1)
        cid = lax.axis_index("c")
        sid = lax.axis_index("s")
        wid = sid * NC + cid

        pltpu.sync_copy(zeros_hbm, chunk_v)

        def zchunk(k, _):
            pltpu.sync_copy(chunk_v,
                            acc_sp.at[pl.ds(sid * 640 + k * RCH, RCH)])
            return 0

        lax.fori_loop(0, 640 // RCH, zchunk, 0)
        plsc.subcore_barrier()

        for half in range(2):
            base = wid * NB + half * NBH
            pltpu.sync_copy(src_hbm.at[pl.ds(base, NBH)], sidx_v)
            pltpu.sync_copy(dst_hbm.at[pl.ds(base, NBH)], didx_v)

            pltpu.async_copy(y_hbm.at[sidx_v.at[0]], rows[0], gsem[0])

            def round_body(k, _):
                j0 = 2 * k
                j1 = 2 * k + 1
                jn = jnp.minimum(j0 + 2, NBH - 1)
                pltpu.make_async_copy(
                    y_hbm.at[sidx_v.at[j0]], rows[0], gsem[0]).wait()
                pltpu.async_copy(y_hbm.at[sidx_v.at[j1]], rows[1], gsem[1])
                pltpu.sync_copy(rows[0], acc_sp.at[didx_v.at[j0]], add=True)
                pltpu.make_async_copy(
                    y_hbm.at[sidx_v.at[j1]], rows[1], gsem[1]).wait()
                pltpu.async_copy(y_hbm.at[sidx_v.at[jn]], rows[0], gsem[0])
                pltpu.sync_copy(rows[1], acc_sp.at[didx_v.at[j1]], add=True)
                return 0

            lax.fori_loop(0, ROUNDS_H, round_body, 0)
            pltpu.make_async_copy(
                y_hbm.at[sidx_v.at[NBH - 1]], rows[0], gsem[0]).wait()
        plsc.subcore_barrier()

        def wout(k, _):
            r0 = sid * 640 + k * RCH
            pltpu.sync_copy(acc_sp.at[pl.ds(r0, RCH)], chunk_v)
            pltpu.sync_copy(chunk_v, zp_hbm.at[cid, pl.ds(r0, RCH)])
            return 0

        lax.fori_loop(0, 640 // RCH, wout, 0)

    return _prop_sc


_prop128 = _make_prop(128)


BR = 1000
GRID = N // BR


def _dis_from(degp_ref):
    deg = degp_ref[0, :, 0] + degp_ref[1, :, 0] + 1.0
    return lax.rsqrt(deg)[:, None]


def _tc1_body(degp_ref, x_ref, w_ref, y_ref):
    dis = _dis_from(degp_ref)
    xw = jnp.dot(x_ref[...], w_ref[...], preferred_element_type=jnp.float32)
    y_ref[...] = xw * dis


def _tc_mid_body(degp_ref, zp_ref, y_ref, b_ref, w_ref, o_ref):
    dis = _dis_from(degp_ref)
    h = jnp.maximum(dis * (zp_ref[0] + zp_ref[1] + y_ref[...]) + b_ref[...], 0.0)
    o_ref[...] = jnp.dot(h, w_ref[...], preferred_element_type=jnp.float32) * dis


def _tc4_body(degp_ref, zp_ref, y_ref, b_ref, o_ref):
    dis = _dis_from(degp_ref)
    o = dis * (zp_ref[0] + zp_ref[1] + y_ref[...]) + b_ref[...]
    col = lax.broadcasted_iota(jnp.int32, o.shape, 1)
    valid = col < 40
    om = jnp.where(valid, o, -1e30)
    m = jnp.max(om, axis=1, keepdims=True)
    e = jnp.where(valid, jnp.exp(o - m), 0.0)
    lse = jnp.log(jnp.sum(e, axis=1, keepdims=True))
    o_ref[...] = (o - m - lse)[:, :40]


def _degp_spec():
    return pl.BlockSpec((2, BR, DGW), lambda i: (0, i, 0))


def _tc1(degp, x, w):
    d = x.shape[1]
    dn = w.shape[1]
    return pl.pallas_call(
        _tc1_body,
        grid=(GRID,),
        in_specs=[
            _degp_spec(),
            pl.BlockSpec((BR, d), lambda i: (i, 0)),
            pl.BlockSpec((d, dn), lambda i: (0, 0)),
        ],
        out_specs=pl.BlockSpec((BR, dn), lambda i: (i, 0)),
        out_shape=jax.ShapeDtypeStruct((N, dn), jnp.float32),
    )(degp, x, w)


def _tc_mid(degp, zp, y, b, w):
    d = y.shape[1]
    dn = w.shape[1]
    return pl.pallas_call(
        _tc_mid_body,
        grid=(GRID,),
        in_specs=[
            _degp_spec(),
            pl.BlockSpec((2, BR, d), lambda i: (0, i, 0)),
            pl.BlockSpec((BR, d), lambda i: (i, 0)),
            pl.BlockSpec((1, d), lambda i: (0, 0)),
            pl.BlockSpec((d, dn), lambda i: (0, 0)),
        ],
        out_specs=pl.BlockSpec((BR, dn), lambda i: (i, 0)),
        out_shape=jax.ShapeDtypeStruct((N, dn), jnp.float32),
    )(degp, zp, y, b, w)


def _tc4(degp, zp, y, b):
    d = y.shape[1]
    return pl.pallas_call(
        _tc4_body,
        grid=(GRID,),
        in_specs=[
            _degp_spec(),
            pl.BlockSpec((2, BR, d), lambda i: (0, i, 0)),
            pl.BlockSpec((BR, d), lambda i: (i, 0)),
            pl.BlockSpec((1, d), lambda i: (0, 0)),
        ],
        out_specs=pl.BlockSpec((BR, 40), lambda i: (i, 0)),
        out_shape=jax.ShapeDtypeStruct((N, 40), jnp.float32),
    )(degp, zp, y, b)


def _padn(y):
    return jnp.pad(y, ((0, NPAD - N), (0, 0)))


def kernel(x, edge_index, W1, b1, W2, b2, W3, b3):
    fake = jnp.arange(E2 - E, dtype=jnp.int32) % (NPAD - N) + N
    eix = jnp.concatenate([edge_index, jnp.stack([fake, fake])], axis=1)
    src2d = eix[0].reshape(E2 // EB, EB)
    dst2d = eix[1].reshape(E2 // EB, EB)
    ones_c = jnp.ones((EB, DGW), jnp.float32)
    zeros_c = jnp.zeros((RCH, 128), jnp.float32)

    degp = _deg_sc(dst2d, ones_c, zeros_c)

    y1 = _tc1(degp, x, W1)
    zp1 = _prop128(src2d, dst2d, _padn(y1), zeros_c)

    y2 = _tc_mid(degp, zp1, y1, b1.reshape(1, -1), W2)
    zp2 = _prop128(src2d, dst2d, _padn(y2), zeros_c)

    W3p = jnp.pad(W3, ((0, 0), (0, 128 - W3.shape[1])))
    b3p = jnp.pad(b3, (0, 128 - b3.shape[0]))
    y3 = _tc_mid(degp, zp2, y2, b2.reshape(1, -1), W3p)
    zp3 = _prop128(src2d, dst2d, _padn(y3), zeros_c)

    return _tc4(degp, zp3, y3, b3p.reshape(1, -1))

# --- scband reference (transcript-rebuilt; emitter-appended) ---
"""Pipeline reference for scband-tag-ncmodel-bgbbase-17437567221947 (READ-ONLY COPY).

The authoritative reference and input builder live on the scoring server;
editing this copy changes nothing except your own understanding.
"""

import jax, jax.numpy as jnp
import numpy as np

N = 10000
E = 320000
D_IN = 128
D_HID = 128
N_CLASS = 40


def setup_inputs(seed: int = 0) -> dict:
    key = jax.random.key(seed)
    ks = jax.random.split(key, 10)
    x = jax.random.normal(ks[0], (N, D_IN), dtype=jnp.float32)
    edge_index = jax.random.randint(ks[1], (2, E), 0, N, dtype=jnp.int32)
    W1 = jax.random.normal(ks[2], (D_IN, D_HID), dtype=jnp.float32) * (1.0 / np.sqrt(D_IN))
    b1 = jnp.zeros((D_HID,), dtype=jnp.float32)
    W2 = jax.random.normal(ks[3], (D_HID, D_HID), dtype=jnp.float32) * (1.0 / np.sqrt(D_HID))
    b2 = jnp.zeros((D_HID,), dtype=jnp.float32)
    W3 = jax.random.normal(ks[4], (D_HID, N_CLASS), dtype=jnp.float32) * (1.0 / np.sqrt(D_HID))
    b3 = jnp.zeros((N_CLASS,), dtype=jnp.float32)
    return {"x": x, "edge_index": edge_index, "W1": W1, "b1": b1, "W2": W2, "b2": b2, "W3": W3, "b3": b3}


def _gcn_conv(x, edge_index, W, b):
    # Faithful PyG GCNConv: add self-loops, symmetric deg normalization, linear transform, scatter-add.
    src = edge_index[0]
    dst = edge_index[1]
    loop = jnp.arange(N, dtype=src.dtype)
    s = jnp.concatenate([src, loop])
    d = jnp.concatenate([dst, loop])
    ones = jnp.ones(s.shape[0], dtype=x.dtype)
    deg = jax.ops.segment_sum(ones, d, num_segments=N)
    deg_inv_sqrt = jnp.where(deg > 0, 1.0 / jnp.sqrt(deg), 0.0)
    norm = deg_inv_sqrt[s] * deg_inv_sqrt[d]
    xw = x @ W
    msg = jnp.take(xw, s, axis=0) * norm[:, None]
    out = jax.ops.segment_sum(msg, d, num_segments=N)
    return out + b


def reference(x, edge_index, W1, b1, W2, b2, W3, b3):
    h = _gcn_conv(x, edge_index, W1, b1)
    h = jax.nn.relu(h)
    # dropout is identity in eval mode (training=False)
    h = _gcn_conv(h, edge_index, W2, b2)
    h = jax.nn.relu(h)
    h = _gcn_conv(h, edge_index, W3, b3)
    return jax.nn.log_softmax(h, axis=1)

if __name__ == "__main__":
    import jax
    _d = setup_inputs()
    print(jax.jit(kernel)(*tuple(_d.values())))

</pallas_src>

<mosaic_0001>
#map = affine_map<(d0, d1) -> (0, 0)>
#map1 = affine_map<(d0, d1) -> (0, 0, 0)>
module attributes {stable_mosaic.version = 14 : i64} {
  func.func @_prop_sc(%arg0: i32, %arg1: i32, %arg2: memref<2560x128xi32, #tpu.memory_space<hbm>>, %arg3: memref<2560x128xi32, #tpu.memory_space<hbm>>, %arg4: memref<10240x128xf32, #tpu.memory_space<hbm>>, %arg5: memref<40x128xf32, #tpu.memory_space<hbm>>, %arg6: memref<2x10240x128xf32, #tpu.memory_space<hbm>>, %arg7: memref<40x128xi32, #tpu.memory_space<vmem>>, %arg8: memref<40x128xi32, #tpu.memory_space<vmem>>, %arg9: memref<128x128xf32, #tpu.memory_space<vmem>>, %arg10: memref<128x128xf32, #tpu.memory_space<vmem>>, %arg11: memref<40x128xf32, #tpu.memory_space<vmem>>, %arg12: memref<!tpu.dma_semaphore, #tpu.memory_space<semaphore_mem>>, %arg13: memref<!tpu.dma_semaphore, #tpu.memory_space<semaphore_mem>>, %arg14: memref<!tpu.dma_semaphore, #tpu.memory_space<semaphore_mem>>, %arg15: memref<!tpu.dma_semaphore, #tpu.memory_space<semaphore_mem>>, %arg16: memref<10240x128xf32, #tpu.memory_space<vmem_shared>>) attributes {dimension_semantics = [#tpu.dimension_semantics<core_parallel>, #tpu.dimension_semantics<subcore_parallel>], iteration_bounds = array<i64: 2, 16>, scalar_prefetch = 0 : i64, scratch_operands = 10 : i64, tpu.core_type = #tpu.core_type<sc_vector_subcore>, window_params = [{transform_indices = #map}, {transform_indices = #map}, {transform_indices = #map}, {transform_indices = #map}, {transform_indices = #map1}]} {
    %mul3A = arith.constant 2 : i32
    %mul3A_0 = arith.muli %arg1, %mul3A : i32
    %add3A = arith.addi %mul3A_0, %arg0 : i32
    "tpu.region"() ({
      %run_scoped3A = tpu.sem_alloc : memref<!tpu.dma_semaphore, #tpu.memory_space<semaphore_mem>>
      tpu.enqueue_dma source(%arg5 : memref<40x128xf32, #tpu.memory_space<hbm>>) target(%arg11 : memref<40x128xf32, #tpu.memory_space<vmem>>) target_semaphore(%run_scoped3A : memref<!tpu.dma_semaphore, #tpu.memory_space<semaphore_mem>>)
      tpu.wait_dma2 semaphore(%run_scoped3A : memref<!tpu.dma_semaphore, #tpu.memory_space<semaphore_mem>>) src(%arg5 : memref<40x128xf32, #tpu.memory_space<hbm>>) dst(%arg11 : memref<40x128xf32, #tpu.memory_space<vmem>>)
      tpu.yield
    }) : () -> ()
    %scan3A = arith.constant 0 : i32
    %scan3A_1 = arith.constant 0 : i32
    %scan3A_2 = arith.constant 16 : i32
    %scan3A_3 = arith.addi %scan3A_1, %scan3A_2 : i32
    %scan3A_4 = arith.constant 1 : i32
    %scan3A_5 = scf.for %scan3A_63 = %scan3A_1 to %scan3A_3 step %scan3A_4 iter_args(%scan3A_64 = %scan3A) -> (i32)  : i32 {
      %mul3A_65 = arith.constant 640 : i32
      %mul3A_66 = arith.muli %arg1, %mul3A_65 : i32
      %mul3A_67 = arith.constant 40 : i32
      %mul3A_68 = arith.muli %scan3A_63, %mul3A_67 : i32
      %add3A_69 = arith.addi %mul3A_66, %mul3A_68 : i32
      "tpu.region"() ({
        %run_scoped3A = tpu.sem_alloc : memref<!tpu.dma_semaphore, #tpu.memory_space<semaphore_mem>>
        %dma_start3A_71 = arith.constant 0 : i32
        %dma_start3A_72 = tpu.memref_slice %arg16[%add3A_69, %dma_start3A_71] : memref<10240x128xf32, #tpu.memory_space<vmem_shared>> -> memref<40x128xf32, #tpu.memory_space<vmem_shared>>
        %dma_start3A_73 = arith.constant 0 : i32
        %dma_start3A_74 = tpu.memref_slice %arg16[%add3A_69, %dma_start3A_73] : memref<10240x128xf32, #tpu.memory_space<vmem_shared>> -> memref<40x128xf32, #tpu.memory_space<vmem_shared>>
        tpu.enqueue_dma source(%arg11 : memref<40x128xf32, #tpu.memory_space<vmem>>) target(%dma_start3A_74 : memref<40x128xf32, #tpu.memory_space<vmem_shared>>) target_semaphore(%run_scoped3A : memref<!tpu.dma_semaphore, #tpu.memory_space<semaphore_mem>>)
        %dma_wait3A_75 = arith.constant 0 : i32
        %dma_wait3A_76 = tpu.memref_slice %arg16[%add3A_69, %dma_wait3A_75] : memref<10240x128xf32, #tpu.memory_space<vmem_shared>> -> memref<40x128xf32, #tpu.memory_space<vmem_shared>>
        %dma_wait3A_77 = arith.constant 0 : i32
        %dma_wait3A_78 = tpu.memref_slice %arg16[%add3A_69, %dma_wait3A_77] : memref<10240x128xf32, #tpu.memory_space<vmem_shared>> -> memref<40x128xf32, #tpu.memory_space<vmem_shared>>
        tpu.wait_dma2 semaphore(%run_scoped3A : memref<!tpu.dma_semaphore, #tpu.memory_space<semaphore_mem>>) src(%arg11 : memref<40x128xf32, #tpu.memory_space<vmem>>) dst(%dma_wait3A_78 : memref<40x128xf32, #tpu.memory_space<vmem_shared>>)
        tpu.yield
      }) : () -> ()
      %scan3A_70 = arith.constant 0 : i32
      scf.yield %scan3A_70 : i32
    }
    %scan3A_6 = arith.constant 16 : i32
    %barrier3A = arith.constant 0 : index
    tpu.barrier barrier_id(%barrier3A)
    %mul3A_7 = arith.constant 80 : i32
    %mul3A_8 = arith.muli %add3A, %mul3A_7 : i32
    %add3A_9 = arith.constant 0 : i32
    %add3A_10 = arith.addi %mul3A_8, %add3A_9 : i32
    "tpu.region"() ({
      %run_scoped3A = tpu.sem_alloc : memref<!tpu.dma_semaphore, #tpu.memory_space<semaphore_mem>>
      %dma_start3A_63 = arith.constant 0 : i32
      %dma_start3A_64 = tpu.memref_slice %arg2[%add3A_10, %dma_start3A_63] : memref<2560x128xi32, #tpu.memory_space<hbm>> -> memref<40x128xi32, #tpu.memory_space<hbm>>
      %dma_start3A_65 = arith.constant 0 : i32
      %dma_start3A_66 = tpu.memref_slice %arg2[%add3A_10, %dma_start3A_65] : memref<2560x128xi32, #tpu.memory_space<hbm>> -> memref<40x128xi32, #tpu.memory_space<hbm>>
      tpu.enqueue_dma source(%dma_start3A_66 : memref<40x128xi32, #tpu.memory_space<hbm>>) target(%arg7 : memref<40x128xi32, #tpu.memory_space<vmem>>) target_semaphore(%run_scoped3A : memref<!tpu.dma_semaphore, #tpu.memory_space<semaphore_mem>>)
      %dma_wait3A_67 = arith.constant 0 : i32
      %dma_wait3A_68 = tpu.memref_slice %arg2[%add3A_10, %dma_wait3A_67] : memref<2560x128xi32, #tpu.memory_space<hbm>> -> memref<40x128xi32, #tpu.memory_space<hbm>>
      %dma_wait3A_69 = arith.constant 0 : i32
      %dma_wait3A_70 = tpu.memref_slice %arg2[%add3A_10, %dma_wait3A_69] : memref<2560x128xi32, #tpu.memory_space<hbm>> -> memref<40x128xi32, #tpu.memory_space<hbm>>
      tpu.wait_dma2 semaphore(%run_scoped3A : memref<!tpu.dma_semaphore, #tpu.memory_space<semaphore_mem>>) src(%dma_wait3A_70 : memref<40x128xi32, #tpu.memory_space<hbm>>) dst(%arg7 : memref<40x128xi32, #tpu.memory_space<vmem>>)
      tpu.yield
    }) : () -> ()
    "tpu.region"() ({
      %run_scoped3A = tpu.sem_alloc : memref<!tpu.dma_semaphore, #tpu.memory_space<semaphore_mem>>
      %dma_start3A_63 = arith.constant 0 : i32
      %dma_start3A_64 = tpu.memref_slice %arg3[%add3A_10, %dma_start3A_63] : memref<2560x128xi32, #tpu.memory_space<hbm>> -> memref<40x128xi32, #tpu.memory_space<hbm>>
      %dma_start3A_65 = arith.constant 0 : i32
      %dma_start3A_66 = tpu.memref_slice %arg3[%add3A_10, %dma_start3A_65] : memref<2560x128xi32, #tpu.memory_space<hbm>> -> memref<40x128xi32, #tpu.memory_space<hbm>>
      tpu.enqueue_dma source(%dma_start3A_66 : memref<40x128xi32, #tpu.memory_space<hbm>>) target(%arg8 : memref<40x128xi32, #tpu.memory_space<vmem>>) target_semaphore(%run_scoped3A : memref<!tpu.dma_semaphore, #tpu.memory_space<semaphore_mem>>)
      %dma_wait3A_67 = arith.constant 0 : i32
      %dma_wait3A_68 = tpu.memref_slice %arg3[%add3A_10, %dma_wait3A_67] : memref<2560x128xi32, #tpu.memory_space<hbm>> -> memref<40x128xi32, #tpu.memory_space<hbm>>
      %dma_wait3A_69 = arith.constant 0 : i32
      %dma_wait3A_70 = tpu.memref_slice %arg3[%add3A_10, %dma_wait3A_69] : memref<2560x128xi32, #tpu.memory_space<hbm>> -> memref<40x128xi32, #tpu.memory_space<hbm>>
      tpu.wait_dma2 semaphore(%run_scoped3A : memref<!tpu.dma_semaphore, #tpu.memory_space<semaphore_mem>>) src(%dma_wait3A_70 : memref<40x128xi32, #tpu.memory_space<hbm>>) dst(%arg8 : memref<40x128xi32, #tpu.memory_space<vmem>>)
      tpu.yield
    }) : () -> ()
    %dma_start3A = arith.constant 0 : i32
    %dma_start3A_11 = arith.constant 0 : i32
    %dma_start3A_12 = tpu.memref_slice %arg7[%dma_start3A, %dma_start3A_11] : memref<40x128xi32, #tpu.memory_space<vmem>> -> memref<1x128xi32, #tpu.memory_space<vmem>>
    %dma_start3A_13 = tpu.memref_squeeze %dma_start3A_12 : memref<1x128xi32, #tpu.memory_space<vmem>> -> memref<128xi32, #tpu.memory_space<vmem>>
    %dma_start3A_14 = arith.constant 0 : i32
    %dma_start3A_15 = arith.constant 0 : i32
    %dma_start3A_16 = tpu.memref_slice %arg4[%dma_start3A_14, %dma_start3A_15] : memref<10240x128xf32, #tpu.memory_space<hbm>> -> memref<10240x128xf32, #tpu.memory_space<hbm>>
    tpu.enqueue_indirect_dma source(%dma_start3A_16 : memref<10240x128xf32, #tpu.memory_space<hbm>>) target(%arg9 : memref<128x128xf32, #tpu.memory_space<vmem>>) offsets(%dma_start3A_13 : memref<128xi32, #tpu.memory_space<vmem>>) semaphore(%arg12 : memref<!tpu.dma_semaphore, #tpu.memory_space<semaphore_mem>>)
    %scan3A_17 = arith.constant 0 : i32
    %scan3A_18 = arith.constant 0 : i32
    %scan3A_19 = arith.constant 20 : i32
    %scan3A_20 = arith.addi %scan3A_18, %scan3A_19 : i32
    %scan3A_21 = arith.constant 1 : i32
    %scan3A_22 = scf.for %scan3A_63 = %scan3A_18 to %scan3A_20 step %scan3A_21 iter_args(%scan3A_64 = %scan3A_17) -> (i32)  : i32 {
      %mul3A_65 = arith.constant 2 : i32
      %mul3A_66 = arith.muli %mul3A_65, %scan3A_63 : i32
      %mul3A_67 = arith.constant 2 : i32
      %mul3A_68 = arith.muli %mul3A_67, %scan3A_63 : i32
      %add3A_69 = arith.constant 1 : i32
      %add3A_70 = arith.addi %mul3A_68, %add3A_69 : i32
      %add3A_71 = arith.constant 2 : i32
      %add3A_72 = arith.addi %mul3A_66, %add3A_71 : i32
      %min3A = arith.constant 39 : i32
      %min3A_73 = arith.minsi %add3A_72, %min3A : i32
      %dma_wait3A_74 = arith.constant 0 : i32
      %dma_wait3A_75 = tpu.memref_slice %arg7[%mul3A_66, %dma_wait3A_74] : memref<40x128xi32, #tpu.memory_space<vmem>> -> memref<1x128xi32, #tpu.memory_space<vmem>>
      %dma_wait3A_76 = tpu.memref_squeeze %dma_wait3A_75 : memref<1x128xi32, #tpu.memory_space<vmem>> -> memref<128xi32, #tpu.memory_space<vmem>>
      %dma_wait3A_77 = arith.constant 0 : i32
      %dma_wait3A_78 = arith.constant 0 : i32
      %dma_wait3A_79 = tpu.memref_slice %arg4[%dma_wait3A_77, %dma_wait3A_78] : memref<10240x128xf32, #tpu.memory_space<hbm>> -> memref<10240x128xf32, #tpu.memory_space<hbm>>
      tpu.wait_indirect_dma semaphore(%arg12 : memref<!tpu.dma_semaphore, #tpu.memory_space<semaphore_mem>>) src(%dma_wait3A_79 : memref<10240x128xf32, #tpu.memory_space<hbm>>) dst(%arg9 : memref<128x128xf32, #tpu.memory_space<vmem>>)
      %dma_start3A_80 = arith.constant 0 : i32
      %dma_start3A_81 = tpu.memref_slice %arg7[%add3A_70, %dma_start3A_80] : memref<40x128xi32, #tpu.memory_space<vmem>> -> memref<1x128xi32, #tpu.memory_space<vmem>>
      %dma_start3A_82 = tpu.memref_squeeze %dma_start3A_81 : memref<1x128xi32, #tpu.memory_space<vmem>> -> memref<128xi32, #tpu.memory_space<vmem>>
      %dma_start3A_83 = arith.constant 0 : i32
      %dma_start3A_84 = arith.constant 0 : i32
      %dma_start3A_85 = tpu.memref_slice %arg4[%dma_start3A_83, %dma_start3A_84] : memref<10240x128xf32, #tpu.memory_space<hbm>> -> memref<10240x128xf32, #tpu.memory_space<hbm>>
      tpu.enqueue_indirect_dma source(%dma_start3A_85 : memref<10240x128xf32, #tpu.memory_space<hbm>>) target(%arg10 : memref<128x128xf32, #tpu.memory_space<vmem>>) offsets(%dma_start3A_82 : memref<128xi32, #tpu.memory_space<vmem>>) semaphore(%arg13 : memref<!tpu.dma_semaphore, #tpu.memory_space<semaphore_mem>>)
      "tpu.region"() ({
        %run_scoped3A = tpu.sem_alloc : memref<!tpu.dma_semaphore, #tpu.memory_space<semaphore_mem>>
        %dma_start3A_99 = arith.constant 0 : i32
        %dma_start3A_100 = tpu.memref_slice %arg8[%mul3A_66, %dma_start3A_99] : memref<40x128xi32, #tpu.memory_space<vmem>> -> memref<1x128xi32, #tpu.memory_space<vmem>>
        %dma_start3A_101 = tpu.memref_squeeze %dma_start3A_100 : memref<1x128xi32, #tpu.memory_space<vmem>> -> memref<128xi32, #tpu.memory_space<vmem>>
        %dma_start3A_102 = arith.constant 0 : i32
        %dma_start3A_103 = arith.constant 0 : i32
        %dma_start3A_104 = tpu.memref_slice %arg16[%dma_start3A_102, %dma_start3A_103] : memref<10240x128xf32, #tpu.memory_space<vmem_shared>> -> memref<10240x128xf32, #tpu.memory_space<vmem_shared>>
        tpu.enqueue_indirect_dma source(%arg9 : memref<128x128xf32, #tpu.memory_space<vmem>>) target(%dma_start3A_104 : memref<10240x128xf32, #tpu.memory_space<vmem_shared>>) offsets(%dma_start3A_101 : memref<128xi32, #tpu.memory_space<vmem>>) semaphore(%run_scoped3A : memref<!tpu.dma_semaphore, #tpu.memory_space<semaphore_mem>>) {add = true}
        %dma_wait3A_105 = arith.constant 0 : i32
        %dma_wait3A_106 = tpu.memref_slice %arg8[%mul3A_66, %dma_wait3A_105] : memref<40x128xi32, #tpu.memory_space<vmem>> -> memref<1x128xi32, #tpu.memory_space<vmem>>
        %dma_wait3A_107 = tpu.memref_squeeze %dma_wait3A_106 : memref<1x128xi32, #tpu.memory_space<vmem>> -> memref<128xi32, #tpu.memory_space<vmem>>
        %dma_wait3A_108 = arith.constant 0 : i32
        %dma_wait3A_109 = arith.constant 0 : i32
        %dma_wait3A_110 = tpu.memref_slice %arg16[%dma_wait3A_108, %dma_wait3A_109] : memref<10240x128xf32, #tpu.memory_space<vmem_shared>> -> memref<10240x128xf32, #tpu.memory_space<vmem_shared>>
        tpu.wait_indirect_dma semaphore(%run_scoped3A : memref<!tpu.dma_semaphore, #tpu.memory_space<semaphore_mem>>) src(%arg9 : memref<128x128xf32, #tpu.memory_space<vmem>>) dst(%dma_wait3A_110 : memref<10240x128xf32, #tpu.memory_space<vmem_shared>>)
        tpu.yield
      }) : () -> ()
      %dma_wait3A_86 = arith.constant 0 : i32
      %dma_wait3A_87 = tpu.memref_slice %arg7[%add3A_70, %dma_wait3A_86] : memref<40x128xi32, #tpu.memory_space<vmem>> -> memref<1x128xi32, #tpu.memory_space<vmem>>
      %dma_wait3A_88 = tpu.memref_squeeze %dma_wait3A_87 : memref<1x128xi32, #tpu.memory_space<vmem>> -> memref<128xi32, #tpu.memory_space<vmem>>
      %dma_wait3A_89 = arith.constant 0 : i32
      %dma_wait3A_90 = arith.constant 0 : i32
      %dma_wait3A_91 = tpu.memref_slice %arg4[%dma_wait3A_89, %dma_wait3A_90] : memref<10240x128xf32, #tpu.memory_space<hbm>> -> memref<10240x128xf32, #tpu.memory_space<hbm>>
      tpu.wait_indirect_dma semaphore(%arg13 : memref<!tpu.dma_semaphore, #tpu.memory_space<semaphore_mem>>) src(%dma_wait3A_91 : memref<10240x128xf32, #tpu.memory_space<hbm>>) dst(%arg10 : memref<128x128xf32, #tpu.memory_space<vmem>>)
      %dma_start3A_92 = arith.constant 0 : i32
      %dma_start3A_93 = tpu.memref_slice %arg7[%min3A_73, %dma_start3A_92] : memref<40x128xi32, #tpu.memory_space<vmem>> -> memref<1x128xi32, #tpu.memory_space<vmem>>
      %dma_start3A_94 = tpu.memref_squeeze %dma_start3A_93 : memref<1x128xi32, #tpu.memory_space<vmem>> -> memref<128xi32, #tpu.memory_space<vmem>>
      %dma_start3A_95 = arith.constant 0 : i32
      %dma_start3A_96 = arith.constant 0 : i32
      %dma_start3A_97 = tpu.memref_slice %arg4[%dma_start3A_95, %dma_start3A_96] : memref<10240x128xf32, #tpu.memory_space<hbm>> -> memref<10240x128xf32, #tpu.memory_space<hbm>>
      tpu.enqueue_indirect_dma source(%dma_start3A_97 : memref<10240x128xf32, #tpu.memory_space<hbm>>) target(%arg9 : memref<128x128xf32, #tpu.memory_space<vmem>>) offsets(%dma_start3A_94 : memref<128xi32, #tpu.memory_space<vmem>>) semaphore(%arg12 : memref<!tpu.dma_semaphore, #tpu.memory_space<semaphore_mem>>)
      "tpu.region"() ({
        %run_scoped3A = tpu.sem_alloc : memref<!tpu.dma_semaphore, #tpu.memory_space<semaphore_mem>>
        %dma_start3A_99 = arith.constant 0 : i32
        %dma_start3A_100 = tpu.memref_slice %arg8[%add3A_70, %dma_start3A_99] : memref<40x128xi32, #tpu.memory_space<vmem>> -> memref<1x128xi32, #tpu.memory_space<vmem>>
        %dma_start3A_101 = tpu.memref_squeeze %dma_start3A_100 : memref<1x128xi32, #tpu.memory_space<vmem>> -> memref<128xi32, #tpu.memory_space<vmem>>
        %dma_start3A_102 = arith.constant 0 : i32
        %dma_start3A_103 = arith.constant 0 : i32
        %dma_start3A_104 = tpu.memref_slice %arg16[%dma_start3A_102, %dma_start3A_103] : memref<10240x128xf32, #tpu.memory_space<vmem_shared>> -> memref<10240x128xf32, #tpu.memory_space<vmem_shared>>
        tpu.enqueue_indirect_dma source(%arg10 : memref<128x128xf32, #tpu.memory_space<vmem>>) target(%dma_start3A_104 : memref<10240x128xf32, #tpu.memory_space<vmem_shared>>) offsets(%dma_start3A_101 : memref<128xi32, #tpu.memory_space<vmem>>) semaphore(%run_scoped3A : memref<!tpu.dma_semaphore, #tpu.memory_space<semaphore_mem>>) {add = true}
        %dma_wait3A_105 = arith.constant 0 : i32
        %dma_wait3A_106 = tpu.memref_slice %arg8[%add3A_70, %dma_wait3A_105] : memref<40x128xi32, #tpu.memory_space<vmem>> -> memref<1x128xi32, #tpu.memory_space<vmem>>
        %dma_wait3A_107 = tpu.memref_squeeze %dma_wait3A_106 : memref<1x128xi32, #tpu.memory_space<vmem>> -> memref<128xi32, #tpu.memory_space<vmem>>
        %dma_wait3A_108 = arith.constant 0 : i32
        %dma_wait3A_109 = arith.constant 0 : i32
        %dma_wait3A_110 = tpu.memref_slice %arg16[%dma_wait3A_108, %dma_wait3A_109] : memref<10240x128xf32, #tpu.memory_space<vmem_shared>> -> memref<10240x128xf32, #tpu.memory_space<vmem_shared>>
        tpu.wait_indirect_dma semaphore(%run_scoped3A : memref<!tpu.dma_semaphore, #tpu.memory_space<semaphore_mem>>) src(%arg10 : memref<128x128xf32, #tpu.memory_space<vmem>>) dst(%dma_wait3A_110 : memref<10240x128xf32, #tpu.memory_space<vmem_shared>>)
        tpu.yield
      }) : () -> ()
      %scan3A_98 = arith.constant 0 : i32
      scf.yield %scan3A_98 : i32
    }
    %scan3A_23 = arith.constant 20 : i32
    %dma_wait3A = arith.constant 39 : i32
    %dma_wait3A_24 = arith.constant 0 : i32
    %dma_wait3A_25 = tpu.memref_slice %arg7[%dma_wait3A, %dma_wait3A_24] : memref<40x128xi32, #tpu.memory_space<vmem>> -> memref<1x128xi32, #tpu.memory_space<vmem>>
    %dma_wait3A_26 = tpu.memref_squeeze %dma_wait3A_25 : memref<1x128xi32, #tpu.memory_space<vmem>> -> memref<128xi32, #tpu.memory_space<vmem>>
    %dma_wait3A_27 = arith.constant 0 : i32
    %dma_wait3A_28 = arith.constant 0 : i32
    %dma_wait3A_29 = tpu.memref_slice %arg4[%dma_wait3A_27, %dma_wait3A_28] : memref<10240x128xf32, #tpu.memory_space<hbm>> -> memref<10240x128xf32, #tpu.memory_space<hbm>>
    tpu.wait_indirect_dma semaphore(%arg12 : memref<!tpu.dma_semaphore, #tpu.memory_space<semaphore_mem>>) src(%dma_wait3A_29 : memref<10240x128xf32, #tpu.memory_space<hbm>>) dst(%arg9 : memref<128x128xf32, #tpu.memory_space<vmem>>)
    %mul3A_30 = arith.constant 80 : i32
    %mul3A_31 = arith.muli %add3A, %mul3A_30 : i32
    %add3A_32 = arith.constant 40 : i32
    %add3A_33 = arith.addi %mul3A_31, %add3A_32 : i32
    "tpu.region"() ({
      %run_scoped3A = tpu.sem_alloc : memref<!tpu.dma_semaphore, #tpu.memory_space<semaphore_mem>>
      %dma_start3A_63 = arith.constant 0 : i32
      %dma_start3A_64 = tpu.memref_slice %arg2[%add3A_33, %dma_start3A_63] : memref<2560x128xi32, #tpu.memory_space<hbm>> -> memref<40x128xi32, #tpu.memory_space<hbm>>
      %dma_start3A_65 = arith.constant 0 : i32
      %dma_start3A_66 = tpu.memref_slice %arg2[%add3A_33, %dma_start3A_65] : memref<2560x128xi32, #tpu.memory_space<hbm>> -> memref<40x128xi32, #tpu.memory_space<hbm>>
      tpu.enqueue_dma source(%dma_start3A_66 : memref<40x128xi32, #tpu.memory_space<hbm>>) target(%arg7 : memref<40x128xi32, #tpu.memory_space<vmem>>) target_semaphore(%run_scoped3A : memref<!tpu.dma_semaphore, #tpu.memory_space<semaphore_mem>>)
      %dma_wait3A_67 = arith.constant 0 : i32
      %dma_wait3A_68 = tpu.memref_slice %arg2[%add3A_33, %dma_wait3A_67] : memref<2560x128xi32, #tpu.memory_space<hbm>> -> memref<40x128xi32, #tpu.memory_space<hbm>>
      %dma_wait3A_69 = arith.constant 0 : i32
      %dma_wait3A_70 = tpu.memref_slice %arg2[%add3A_33, %dma_wait3A_69] : memref<2560x128xi32, #tpu.memory_space<hbm>> -> memref<40x128xi32, #tpu.memory_space<hbm>>
      tpu.wait_dma2 semaphore(%run_scoped3A : memref<!tpu.dma_semaphore, #tpu.memory_space<semaphore_mem>>) src(%dma_wait3A_70 : memref<40x128xi32, #tpu.memory_space<hbm>>) dst(%arg7 : memref<40x128xi32, #tpu.memory_space<vmem>>)
      tpu.yield
    }) : () -> ()
    "tpu.region"() ({
      %run_scoped3A = tpu.sem_alloc : memref<!tpu.dma_semaphore, #tpu.memory_space<semaphore_mem>>
      %dma_start3A_63 = arith.constant 0 : i32
      %dma_start3A_64 = tpu.memref_slice %arg3[%add3A_33, %dma_start3A_63] : memref<2560x128xi32, #tpu.memory_space<hbm>> -> memref<40x128xi32, #tpu.memory_space<hbm>>
      %dma_start3A_65 = arith.constant 0 : i32
      %dma_start3A_66 = tpu.memref_slice %arg3[%add3A_33, %dma_start3A_65] : memref<2560x128xi32, #tpu.memory_space<hbm>> -> memref<40x128xi32, #tpu.memory_space<hbm>>
      tpu.enqueue_dma source(%dma_start3A_66 : memref<40x128xi32, #tpu.memory_space<hbm>>) target(%arg8 : memref<40x128xi32, #tpu.memory_space<vmem>>) target_semaphore(%run_scoped3A : memref<!tpu.dma_semaphore, #tpu.memory_space<semaphore_mem>>)
      %dma_wait3A_67 = arith.constant 0 : i32
      %dma_wait3A_68 = tpu.memref_slice %arg3[%add3A_33, %dma_wait3A_67] : memref<2560x128xi32, #tpu.memory_space<hbm>> -> memref<40x128xi32, #tpu.memory_space<hbm>>
      %dma_wait3A_69 = arith.constant 0 : i32
      %dma_wait3A_70 = tpu.memref_slice %arg3[%add3A_33, %dma_wait3A_69] : memref<2560x128xi32, #tpu.memory_space<hbm>> -> memref<40x128xi32, #tpu.memory_space<hbm>>
      tpu.wait_dma2 semaphore(%run_scoped3A : memref<!tpu.dma_semaphore, #tpu.memory_space<semaphore_mem>>) src(%dma_wait3A_70 : memref<40x128xi32, #tpu.memory_space<hbm>>) dst(%arg8 : memref<40x128xi32, #tpu.memory_space<vmem>>)
      tpu.yield
    }) : () -> ()
    %dma_start3A_34 = arith.constant 0 : i32
    %dma_start3A_35 = arith.constant 0 : i32
    %dma_start3A_36 = tpu.memref_slice %arg7[%dma_start3A_34, %dma_start3A_35] : memref<40x128xi32, #tpu.memory_space<vmem>> -> memref<1x128xi32, #tpu.memory_space<vmem>>
    %dma_start3A_37 = tpu.memref_squeeze %dma_start3A_36 : memref<1x128xi32, #tpu.memory_space<vmem>> -> memref<128xi32, #tpu.memory_space<vmem>>
    %dma_start3A_38 = arith.constant 0 : i32
    %dma_start3A_39 = arith.constant 0 : i32
    %dma_start3A_40 = tpu.memref_slice %arg4[%dma_start3A_38, %dma_start3A_39] : memref<10240x128xf32, #tpu.memory_space<hbm>> -> memref<10240x128xf32, #tpu.memory_space<hbm>>
    tpu.enqueue_indirect_dma source(%dma_start3A_40 : memref<10240x128xf32, #tpu.memory_space<hbm>>) target(%arg9 : memref<128x128xf32, #tpu.memory_space<vmem>>) offsets(%dma_start3A_37 : memref<128xi32, #tpu.memory_space<vmem>>) semaphore(%arg12 : memref<!tpu.dma_semaphore, #tpu.memory_space<semaphore_mem>>)
    %scan3A_41 = arith.constant 0 : i32
    %scan3A_42 = arith.constant 0 : i32
    %scan3A_43 = arith.constant 20 : i32
    %scan3A_44 = arith.addi %scan3A_42, %scan3A_43 : i32
    %scan3A_45 = arith.constant 1 : i32
    %scan3A_46 = scf.for %scan3A_63 = %scan3A_42 to %scan3A_44 step %scan3A_45 iter_args(%scan3A_64 = %scan3A_41) -> (i32)  : i32 {
      %mul3A_65 = arith.constant 2 : i32
      %mul3A_66 = arith.muli %mul3A_65, %scan3A_63 : i32
      %mul3A_67 = arith.constant 2 : i32
      %mul3A_68 = arith.muli %mul3A_67, %scan3A_63 : i32
      %add3A_69 = arith.constant 1 : i32
      %add3A_70 = arith.addi %mul3A_68, %add3A_69 : i32
      %add3A_71 = arith.constant 2 : i32
      %add3A_72 = arith.addi %mul3A_66, %add3A_71 : i32
      %min3A = arith.constant 39 : i32
      %min3A_73 = arith.minsi %add3A_72, %min3A : i32
      %dma_wait3A_74 = arith.constant 0 : i32
      %dma_wait3A_75 = tpu.memref_slice %arg7[%mul3A_66, %dma_wait3A_74] : memref<40x128xi32, #tpu.memory_space<vmem>> -> memref<1x128xi32, #tpu.memory_space<vmem>>
      %dma_wait3A_76 = tpu.memref_squeeze %dma_wait3A_75 : memref<1x128xi32, #tpu.memory_space<vmem>> -> memref<128xi32, #tpu.memory_space<vmem>>
      %dma_wait3A_77 = arith.constant 0 : i32
      %dma_wait3A_78 = arith.constant 0 : i32
      %dma_wait3A_79 = tpu.memref_slice %arg4[%dma_wait3A_77, %dma_wait3A_78] : memref<10240x128xf32, #tpu.memory_space<hbm>> -> memref<10240x128xf32, #tpu.memory_space<hbm>>
      tpu.wait_indirect_dma semaphore(%arg12 : memref<!tpu.dma_semaphore, #tpu.memory_space<semaphore_mem>>) src(%dma_wait3A_79 : memref<10240x128xf32, #tpu.memory_space<hbm>>) dst(%arg9 : memref<128x128xf32, #tpu.memory_space<vmem>>)
      %dma_start3A_80 = arith.constant 0 : i32
      %dma_start3A_81 = tpu.memref_slice %arg7[%add3A_70, %dma_start3A_80] : memref<40x128xi32, #tpu.memory_space<vmem>> -> memref<1x128xi32, #tpu.memory_space<vmem>>
      %dma_start3A_82 = tpu.memref_squeeze %dma_start3A_81 : memref<1x128xi32, #tpu.memory_space<vmem>> -> memref<128xi32, #tpu.memory_space<vmem>>
      %dma_start3A_83 = arith.constant 0 : i32
      %dma_start3A_84 = arith.constant 0 : i32
      %dma_start3A_85 = tpu.memref_slice %arg4[%dma_start3A_83, %dma_start3A_84] : memref<10240x128xf32, #tpu.memory_space<hbm>> -> memref<10240x128xf32, #tpu.memory_space<hbm>>
      tpu.enqueue_indirect_dma source(%dma_start3A_85 : memref<10240x128xf32, #tpu.memory_space<hbm>>) target(%arg10 : memref<128x128xf32, #tpu.memory_space<vmem>>) offsets(%dma_start3A_82 : memref<128xi32, #tpu.memory_space<vmem>>) semaphore(%arg13 : memref<!tpu.dma_semaphore, #tpu.memory_space<semaphore_mem>>)
      "tpu.region"() ({
        %run_scoped3A = tpu.sem_alloc : memref<!tpu.dma_semaphore, #tpu.memory_space<semaphore_mem>>
        %dma_start3A_99 = arith.constant 0 : i32
        %dma_start3A_100 = tpu.memref_slice %arg8[%mul3A_66, %dma_start3A_99] : memref<40x128xi32, #tpu.memory_space<vmem>> -> memref<1x128xi32, #tpu.memory_space<vmem>>
        %dma_start3A_101 = tpu.memref_squeeze %dma_start3A_100 : memref<1x128xi32, #tpu.memory_space<vmem>> -> memref<128xi32, #tpu.memory_space<vmem>>
        %dma_start3A_102 = arith.constant 0 : i32
        %dma_start3A_103 = arith.constant 0 : i32
        %dma_start3A_104 = tpu.memref_slice %arg16[%dma_start3A_102, %dma_start3A_103] : memref<10240x128xf32, #tpu.memory_space<vmem_shared>> -> memref<10240x128xf32, #tpu.memory_space<vmem_shared>>
        tpu.enqueue_indirect_dma source(%arg9 : memref<128x128xf32, #tpu.memory_space<vmem>>) target(%dma_start3A_104 : memref<10240x128xf32, #tpu.memory_space<vmem_shared>>) offsets(%dma_start3A_101 : memref<128xi32, #tpu.memory_space<vmem>>) semaphore(%run_scoped3A : memref<!tpu.dma_semaphore, #tpu.memory_space<semaphore_mem>>) {add = true}
        %dma_wait3A_105 = arith.constant 0 : i32
        %dma_wait3A_106 = tpu.memref_slice %arg8[%mul3A_66, %dma_wait3A_105] : memref<40x128xi32, #tpu.memory_space<vmem>> -> memref<1x128xi32, #tpu.memory_space<vmem>>
        %dma_wait3A_107 = tpu.memref_squeeze %dma_wait3A_106 : memref<1x128xi32, #tpu.memory_space<vmem>> -> memref<128xi32, #tpu.memory_space<vmem>>
        %dma_wait3A_108 = arith.constant 0 : i32
        %dma_wait3A_109 = arith.constant 0 : i32
        %dma_wait3A_110 = tpu.memref_slice %arg16[%dma_wait3A_108, %dma_wait3A_109] : memref<10240x128xf32, #tpu.memory_space<vmem_shared>> -> memref<10240x128xf32, #tpu.memory_space<vmem_shared>>
        tpu.wait_indirect_dma semaphore(%run_scoped3A : memref<!tpu.dma_semaphore, #tpu.memory_space<semaphore_mem>>) src(%arg9 : memref<128x128xf32, #tpu.memory_space<vmem>>) dst(%dma_wait3A_110 : memref<10240x128xf32, #tpu.memory_space<vmem_shared>>)
        tpu.yield
      }) : () -> ()
      %dma_wait3A_86 = arith.constant 0 : i32
      %dma_wait3A_87 = tpu.memref_slice %arg7[%add3A_70, %dma_wait3A_86] : memref<40x128xi32, #tpu.memory_space<vmem>> -> memref<1x128xi32, #tpu.memory_space<vmem>>
      %dma_wait3A_88 = tpu.memref_squeeze %dma_wait3A_87 : memref<1x128xi32, #tpu.memory_space<vmem>> -> memref<128xi32, #tpu.memory_space<vmem>>
      %dma_wait3A_89 = arith.constant 0 : i32
      %dma_wait3A_90 = arith.constant 0 : i32
      %dma_wait3A_91 = tpu.memref_slice %arg4[%dma_wait3A_89, %dma_wait3A_90] : memref<10240x128xf32, #tpu.memory_space<hbm>> -> memref<10240x128xf32, #tpu.memory_space<hbm>>
      tpu.wait_indirect_dma semaphore(%arg13 : memref<!tpu.dma_semaphore, #tpu.memory_space<semaphore_mem>>) src(%dma_wait3A_91 : memref<10240x128xf32, #tpu.memory_space<hbm>>) dst(%arg10 : memref<128x128xf32, #tpu.memory_space<vmem>>)
      %dma_start3A_92 = arith.constant 0 : i32
      %dma_start3A_93 = tpu.memref_slice %arg7[%min3A_73, %dma_start3A_92] : memref<40x128xi32, #tpu.memory_space<vmem>> -> memref<1x128xi32, #tpu.memory_space<vmem>>
      %dma_start3A_94 = tpu.memref_squeeze %dma_start3A_93 : memref<1x128xi32, #tpu.memory_space<vmem>> -> memref<128xi32, #tpu.memory_space<vmem>>
      %dma_start3A_95 = arith.constant 0 : i32
      %dma_start3A_96 = arith.constant 0 : i32
      %dma_start3A_97 = tpu.memref_slice %arg4[%dma_start3A_95, %dma_start3A_96] : memref<10240x128xf32, #tpu.memory_space<hbm>> -> memref<10240x128xf32, #tpu.memory_space<hbm>>
      tpu.enqueue_indirect_dma source(%dma_start3A_97 : memref<10240x128xf32, #tpu.memory_space<hbm>>) target(%arg9 : memref<128x128xf32, #tpu.memory_space<vmem>>) offsets(%dma_start3A_94 : memref<128xi32, #tpu.memory_space<vmem>>) semaphore(%arg12 : memref<!tpu.dma_semaphore, #tpu.memory_space<semaphore_mem>>)
      "tpu.region"() ({
        %run_scoped3A = tpu.sem_alloc : memref<!tpu.dma_semaphore, #tpu.memory_space<semaphore_mem>>
        %dma_start3A_99 = arith.constant 0 : i32
        %dma_start3A_100 = tpu.memref_slice %arg8[%add3A_70, %dma_start3A_99] : memref<40x128xi32, #tpu.memory_space<vmem>> -> memref<1x128xi32, #tpu.memory_space<vmem>>
        %dma_start3A_101 = tpu.memref_squeeze %dma_start3A_100 : memref<1x128xi32, #tpu.memory_space<vmem>> -> memref<128xi32, #tpu.memory_space<vmem>>
        %dma_start3A_102 = arith.constant 0 : i32
        %dma_start3A_103 = arith.constant 0 : i32
        %dma_start3A_104 = tpu.memref_slice %arg16[%dma_start3A_102, %dma_start3A_103] : memref<10240x128xf32, #tpu.memory_space<vmem_shared>> -> memref<10240x128xf32, #tpu.memory_space<vmem_shared>>
        tpu.enqueue_indirect_dma source(%arg10 : memref<128x128xf32, #tpu.memory_space<vmem>>) target(%dma_start3A_104 : memref<10240x128xf32, #tpu.memory_space<vmem_shared>>) offsets(%dma_start3A_101 : memref<128xi32, #tpu.memory_space<vmem>>) semaphore(%run_scoped3A : memref<!tpu.dma_semaphore, #tpu.memory_space<semaphore_mem>>) {add = true}
        %dma_wait3A_105 = arith.constant 0 : i32
        %dma_wait3A_106 = tpu.memref_slice %arg8[%add3A_70, %dma_wait3A_105] : memref<40x128xi32, #tpu.memory_space<vmem>> -> memref<1x128xi32, #tpu.memory_space<vmem>>
        %dma_wait3A_107 = tpu.memref_squeeze %dma_wait3A_106 : memref<1x128xi32, #tpu.memory_space<vmem>> -> memref<128xi32, #tpu.memory_space<vmem>>
        %dma_wait3A_108 = arith.constant 0 : i32
        %dma_wait3A_109 = arith.constant 0 : i32
        %dma_wait3A_110 = tpu.memref_slice %arg16[%dma_wait3A_108, %dma_wait3A_109] : memref<10240x128xf32, #tpu.memory_space<vmem_shared>> -> memref<10240x128xf32, #tpu.memory_space<vmem_shared>>
        tpu.wait_indirect_dma semaphore(%run_scoped3A : memref<!tpu.dma_semaphore, #tpu.memory_space<semaphore_mem>>) src(%arg10 : memref<128x128xf32, #tpu.memory_space<vmem>>) dst(%dma_wait3A_110 : memref<10240x128xf32, #tpu.memory_space<vmem_shared>>)
        tpu.yield
      }) : () -> ()
      %scan3A_98 = arith.constant 0 : i32
      scf.yield %scan3A_98 : i32
    }
    %scan3A_47 = arith.constant 20 : i32
    %dma_wait3A_48 = arith.constant 39 : i32
    %dma_wait3A_49 = arith.constant 0 : i32
    %dma_wait3A_50 = tpu.memref_slice %arg7[%dma_wait3A_48, %dma_wait3A_49] : memref<40x128xi32, #tpu.memory_space<vmem>> -> memref<1x128xi32, #tpu.memory_space<vmem>>
    %dma_wait3A_51 = tpu.memref_squeeze %dma_wait3A_50 : memref<1x128xi32, #tpu.memory_space<vmem>> -> memref<128xi32, #tpu.memory_space<vmem>>
    %dma_wait3A_52 = arith.constant 0 : i32
    %dma_wait3A_53 = arith.constant 0 : i32
    %dma_wait3A_54 = tpu.memref_slice %arg4[%dma_wait3A_52, %dma_wait3A_53] : memref<10240x128xf32, #tpu.memory_space<hbm>> -> memref<10240x128xf32, #tpu.memory_space<hbm>>
    tpu.wait_indirect_dma semaphore(%arg12 : memref<!tpu.dma_semaphore, #tpu.memory_space<semaphore_mem>>) src(%dma_wait3A_54 : memref<10240x128xf32, #tpu.memory_space<hbm>>) dst(%arg9 : memref<128x128xf32, #tpu.memory_space<vmem>>)
    %barrier3A_55 = arith.constant 0 : index
    tpu.barrier barrier_id(%barrier3A_55)
    %scan3A_56 = arith.constant 0 : i32
    %scan3A_57 = arith.constant 0 : i32
    %scan3A_58 = arith.constant 16 : i32
    %scan3A_59 = arith.addi %scan3A_57, %scan3A_58 : i32
    %scan3A_60 = arith.constant 1 : i32
    %scan3A_61 = scf.for %scan3A_63 = %scan3A_57 to %scan3A_59 step %scan3A_60 iter_args(%scan3A_64 = %scan3A_56) -> (i32)  : i32 {
      %mul3A_65 = arith.constant 640 : i32
      %mul3A_66 = arith.muli %arg1, %mul3A_65 : i32
      %mul3A_67 = arith.constant 40 : i32
      %mul3A_68 = arith.muli %scan3A_63, %mul3A_67 : i32
      %add3A_69 = arith.addi %mul3A_66, %mul3A_68 : i32
      "tpu.region"() ({
        %run_scoped3A = tpu.sem_alloc : memref<!tpu.dma_semaphore, #tpu.memory_space<semaphore_mem>>
        %dma_start3A_71 = arith.constant 0 : i32
        %dma_start3A_72 = tpu.memref_slice %arg16[%add3A_69, %dma_start3A_71] : memref<10240x128xf32, #tpu.memory_space<vmem_shared>> -> memref<40x128xf32, #tpu.memory_space<vmem_shared>>
        %dma_start3A_73 = arith.constant 0 : i32
        %dma_start3A_74 = tpu.memref_slice %arg16[%add3A_69, %dma_start3A_73] : memref<10240x128xf32, #tpu.memory_space<vmem_shared>> -> memref<40x128xf32, #tpu.memory_space<vmem_shared>>
        tpu.enqueue_dma source(%dma_start3A_74 : memref<40x128xf32, #tpu.memory_space<vmem_shared>>) target(%arg11 : memref<40x128xf32, #tpu.memory_space<vmem>>) target_semaphore(%run_scoped3A : memref<!tpu.dma_semaphore, #tpu.memory_space<semaphore_mem>>)
        %dma_wait3A_75 = arith.constant 0 : i32
        %dma_wait3A_76 = tpu.memref_slice %arg16[%add3A_69, %dma_wait3A_75] : memref<10240x128xf32, #tpu.memory_space<vmem_shared>> -> memref<40x128xf32, #tpu.memory_space<vmem_shared>>
        %dma_wait3A_77 = arith.constant 0 : i32
        %dma_wait3A_78 = tpu.memref_slice %arg16[%add3A_69, %dma_wait3A_77] : memref<10240x128xf32, #tpu.memory_space<vmem_shared>> -> memref<40x128xf32, #tpu.memory_space<vmem_shared>>
        tpu.wait_dma2 semaphore(%run_scoped3A : memref<!tpu.dma_semaphore, #tpu.memory_space<semaphore_mem>>) src(%dma_wait3A_78 : memref<40x128xf32, #tpu.memory_space<vmem_shared>>) dst(%arg11 : memref<40x128xf32, #tpu.memory_space<vmem>>)
        tpu.yield
      }) : () -> ()
      "tpu.region"() ({
        %run_scoped3A = tpu.sem_alloc : memref<!tpu.dma_semaphore, #tpu.memory_space<semaphore_mem>>
        %dma_start3A_71 = arith.constant 0 : i32
        %dma_start3A_72 = tpu.memref_slice %arg6[%arg0, %add3A_69, %dma_start3A_71] : memref<2x10240x128xf32, #tpu.memory_space<hbm>> -> memref<1x40x128xf32, #tpu.memory_space<hbm>>
        %dma_start3A_73 = tpu.memref_squeeze %dma_start3A_72 : memref<1x40x128xf32, #tpu.memory_space<hbm>> -> memref<40x128xf32, #tpu.memory_space<hbm>>
        %dma_start3A_74 = arith.constant 0 : i32
        %dma_start3A_75 = tpu.memref_slice %arg6[%arg0, %add3A_69, %dma_start3A_74] : memref<2x10240x128xf32, #tpu.memory_space<hbm>> -> memref<1x40x128xf32, #tpu.memory_space<hbm>>
        %dma_start3A_76 = tpu.memref_squeeze %dma_start3A_75 : memref<1x40x128xf32, #tpu.memory_space<hbm>> -> memref<40x128xf32, #tpu.memory_space<hbm>>
        tpu.enqueue_dma source(%arg11 : memref<40x128xf32, #tpu.memory_space<vmem>>) target(%dma_start3A_76 : memref<40x128xf32, #tpu.memory_space<hbm>>) target_semaphore(%run_scoped3A : memref<!tpu.dma_semaphore, #tpu.memory_space<semaphore_mem>>)
        %dma_wait3A_77 = arith.constant 0 : i32
        %dma_wait3A_78 = tpu.memref_slice %arg6[%arg0, %add3A_69, %dma_wait3A_77] : memref<2x10240x128xf32, #tpu.memory_space<hbm>> -> memref<1x40x128xf32, #tpu.memory_space<hbm>>
        %dma_wait3A_79 = tpu.memref_squeeze %dma_wait3A_78 : memref<1x40x128xf32, #tpu.memory_space<hbm>> -> memref<40x128xf32, #tpu.memory_space<hbm>>
        %dma_wait3A_80 = arith.constant 0 : i32
        %dma_wait3A_81 = tpu.memref_slice %arg6[%arg0, %add3A_69, %dma_wait3A_80] : memref<2x10240x128xf32, #tpu.memory_space<hbm>> -> memref<1x40x128xf32, #tpu.memory_space<hbm>>
        %dma_wait3A_82 = tpu.memref_squeeze %dma_wait3A_81 : memref<1x40x128xf32, #tpu.memory_space<hbm>> -> memref<40x128xf32, #tpu.memory_space<hbm>>
        tpu.wait_dma2 semaphore(%run_scoped3A : memref<!tpu.dma_semaphore, #tpu.memory_space<semaphore_mem>>) src(%arg11 : memref<40x128xf32, #tpu.memory_space<vmem>>) dst(%dma_wait3A_82 : memref<40x128xf32, #tpu.memory_space<hbm>>)
        tpu.yield
      }) : () -> ()
      %scan3A_70 = arith.constant 0 : i32
      scf.yield %scan3A_70 : i32
    }
    %scan3A_62 = arith.constant 16 : i32
    return
  }
}

#map = affine_map<(d0, d1) -> (0, 0)>
#map1 = affine_map<(d0, d1) -> (0, 0, 0)>
module attributes {stable_mosaic.version = 14 : i64} {
  func.func @_deg_sc(%arg0: i32, %arg1: i32, %arg2: memref<2560x128xi32, #tpu.memory_space<hbm>>, %arg3: memref<128x128xf32, #tpu.memory_space<hbm>>, %arg4: memref<40x128xf32, #tpu.memory_space<hbm>>, %arg5: memref<2x10240x128xf32, #tpu.memory_space<hbm>>, %arg6: memref<80x128xi32, #tpu.memory_space<vmem>>, %arg7: memref<128x128xf32, #tpu.memory_space<vmem>>, %arg8: memref<40x128xf32, #tpu.memory_space<vmem>>, %arg9: memref<10240x128xf32, #tpu.memory_space<vmem_shared>>) attributes {dimension_semantics = [#tpu.dimension_semantics<core_parallel>, #tpu.dimension_semantics<subcore_parallel>], iteration_bounds = array<i64: 2, 16>, scalar_prefetch = 0 : i64, scratch_operands = 4 : i64, tpu.core_type = #tpu.core_type<sc_vector_subcore>, window_params = [{transform_indices = #map}, {transform_indices = #map}, {transform_indices = #map}, {transform_indices = #map1}]} {
    %mul3A = arith.constant 2 : i32
    %mul3A_0 = arith.muli %arg1, %mul3A : i32
    %add3A = arith.addi %mul3A_0, %arg0 : i32
    "tpu.region"() ({
      %run_scoped3A = tpu.sem_alloc : memref<!tpu.dma_semaphore, #tpu.memory_space<semaphore_mem>>
      tpu.enqueue_dma source(%arg3 : memref<128x128xf32, #tpu.memory_space<hbm>>) target(%arg7 : memref<128x128xf32, #tpu.memory_space<vmem>>) target_semaphore(%run_scoped3A : memref<!tpu.dma_semaphore, #tpu.memory_space<semaphore_mem>>)
      tpu.wait_dma2 semaphore(%run_scoped3A : memref<!tpu.dma_semaphore, #tpu.memory_space<semaphore_mem>>) src(%arg3 : memref<128x128xf32, #tpu.memory_space<hbm>>) dst(%arg7 : memref<128x128xf32, #tpu.memory_space<vmem>>)
      tpu.yield
    }) : () -> ()
    "tpu.region"() ({
      %run_scoped3A = tpu.sem_alloc : memref<!tpu.dma_semaphore, #tpu.memory_space<semaphore_mem>>
      tpu.enqueue_dma source(%arg4 : memref<40x128xf32, #tpu.memory_space<hbm>>) target(%arg8 : memref<40x128xf32, #tpu.memory_space<vmem>>) target_semaphore(%run_scoped3A : memref<!tpu.dma_semaphore, #tpu.memory_space<semaphore_mem>>)
      tpu.wait_dma2 semaphore(%run_scoped3A : memref<!tpu.dma_semaphore, #tpu.memory_space<semaphore_mem>>) src(%arg4 : memref<40x128xf32, #tpu.memory_space<hbm>>) dst(%arg8 : memref<40x128xf32, #tpu.memory_space<vmem>>)
      tpu.yield
    }) : () -> ()
    %scan3A = arith.constant 0 : i32
    %scan3A_1 = arith.constant 0 : i32
    %scan3A_2 = arith.constant 16 : i32
    %scan3A_3 = arith.addi %scan3A_1, %scan3A_2 : i32
    %scan3A_4 = arith.constant 1 : i32
    %scan3A_5 = scf.for %scan3A_24 = %scan3A_1 to %scan3A_3 step %scan3A_4 iter_args(%scan3A_25 = %scan3A) -> (i32)  : i32 {
      %mul3A_26 = arith.constant 640 : i32
      %mul3A_27 = arith.muli %arg1, %mul3A_26 : i32
      %mul3A_28 = arith.constant 40 : i32
      %mul3A_29 = arith.muli %scan3A_24, %mul3A_28 : i32
      %add3A_30 = arith.addi %mul3A_27, %mul3A_29 : i32
      "tpu.region"() ({
        %run_scoped3A = tpu.sem_alloc : memref<!tpu.dma_semaphore, #tpu.memory_space<semaphore_mem>>
        %dma_start3A = arith.constant 0 : i32
        %dma_start3A_32 = tpu.memref_slice %arg9[%add3A_30, %dma_start3A] : memref<10240x128xf32, #tpu.memory_space<vmem_shared>> -> memref<40x128xf32, #tpu.memory_space<vmem_shared>>
        %dma_start3A_33 = arith.constant 0 : i32
        %dma_start3A_34 = tpu.memref_slice %arg9[%add3A_30, %dma_start3A_33] : memref<10240x128xf32, #tpu.memory_space<vmem_shared>> -> memref<40x128xf32, #tpu.memory_space<vmem_shared>>
        tpu.enqueue_dma source(%arg8 : memref<40x128xf32, #tpu.memory_space<vmem>>) target(%dma_start3A_34 : memref<40x128xf32, #tpu.memory_space<vmem_shared>>) target_semaphore(%run_scoped3A : memref<!tpu.dma_semaphore, #tpu.memory_space<semaphore_mem>>)
        %dma_wait3A = arith.constant 0 : i32
        %dma_wait3A_35 = tpu.memref_slice %arg9[%add3A_30, %dma_wait3A] : memref<10240x128xf32, #tpu.memory_space<vmem_shared>> -> memref<40x128xf32, #tpu.memory_space<vmem_shared>>
        %dma_wait3A_36 = arith.constant 0 : i32
        %dma_wait3A_37 = tpu.memref_slice %arg9[%add3A_30, %dma_wait3A_36] : memref<10240x128xf32, #tpu.memory_space<vmem_shared>> -> memref<40x128xf32, #tpu.memory_space<vmem_shared>>
        tpu.wait_dma2 semaphore(%run_scoped3A : memref<!tpu.dma_semaphore, #tpu.memory_space<semaphore_mem>>) src(%arg8 : memref<40x128xf32, #tpu.memory_space<vmem>>) dst(%dma_wait3A_37 : memref<40x128xf32, #tpu.memory_space<vmem_shared>>)
        tpu.yield
      }) : () -> ()
      %scan3A_31 = arith.constant 0 : i32
      scf.yield %scan3A_31 : i32
    }
    %scan3A_6 = arith.constant 16 : i32
    %barrier3A = arith.constant 0 : index
    tpu.barrier barrier_id(%barrier3A)
    %mul3A_7 = arith.constant 80 : i32
    %mul3A_8 = arith.muli %add3A, %mul3A_7 : i32
    "tpu.region"() ({
      %run_scoped3A = tpu.sem_alloc : memref<!tpu.dma_semaphore, #tpu.memory_space<semaphore_mem>>
      %dma_start3A = arith.constant 0 : i32
      %dma_start3A_24 = tpu.memref_slice %arg2[%mul3A_8, %dma_start3A] : memref<2560x128xi32, #tpu.memory_space<hbm>> -> memref<80x128xi32, #tpu.memory_space<hbm>>
      %dma_start3A_25 = arith.constant 0 : i32
      %dma_start3A_26 = tpu.memref_slice %arg2[%mul3A_8, %dma_start3A_25] : memref<2560x128xi32, #tpu.memory_space<hbm>> -> memref<80x128xi32, #tpu.memory_space<hbm>>
      tpu.enqueue_dma source(%dma_start3A_26 : memref<80x128xi32, #tpu.memory_space<hbm>>) target(%arg6 : memref<80x128xi32, #tpu.memory_space<vmem>>) target_semaphore(%run_scoped3A : memref<!tpu.dma_semaphore, #tpu.memory_space<semaphore_mem>>)
      %dma_wait3A = arith.constant 0 : i32
      %dma_wait3A_27 = tpu.memref_slice %arg2[%mul3A_8, %dma_wait3A] : memref<2560x128xi32, #tpu.memory_space<hbm>> -> memref<80x128xi32, #tpu.memory_space<hbm>>
      %dma_wait3A_28 = arith.constant 0 : i32
      %dma_wait3A_29 = tpu.memref_slice %arg2[%mul3A_8, %dma_wait3A_28] : memref<2560x128xi32, #tpu.memory_space<hbm>> -> memref<80x128xi32, #tpu.memory_space<hbm>>
      tpu.wait_dma2 semaphore(%run_scoped3A : memref<!tpu.dma_semaphore, #tpu.memory_space<semaphore_mem>>) src(%dma_wait3A_29 : memref<80x128xi32, #tpu.memory_space<hbm>>) dst(%arg6 : memref<80x128xi32, #tpu.memory_space<vmem>>)
      tpu.yield
    }) : () -> ()
    %scan3A_9 = arith.constant 0 : i32
    %scan3A_10 = arith.constant 0 : i32
    %scan3A_11 = arith.constant 80 : i32
    %scan3A_12 = arith.addi %scan3A_10, %scan3A_11 : i32
    %scan3A_13 = arith.constant 1 : i32
    %scan3A_14 = scf.for %scan3A_24 = %scan3A_10 to %scan3A_12 step %scan3A_13 iter_args(%scan3A_25 = %scan3A_9) -> (i32)  : i32 {
      "tpu.region"() ({
        %run_scoped3A = tpu.sem_alloc : memref<!tpu.dma_semaphore, #tpu.memory_space<semaphore_mem>>
        %dma_start3A = arith.constant 0 : i32
        %dma_start3A_27 = tpu.memref_slice %arg6[%scan3A_24, %dma_start3A] : memref<80x128xi32, #tpu.memory_space<vmem>> -> memref<1x128xi32, #tpu.memory_space<vmem>>
        %dma_start3A_28 = tpu.memref_squeeze %dma_start3A_27 : memref<1x128xi32, #tpu.memory_space<vmem>> -> memref<128xi32, #tpu.memory_space<vmem>>
        %dma_start3A_29 = arith.constant 0 : i32
        %dma_start3A_30 = arith.constant 0 : i32
        %dma_start3A_31 = tpu.memref_slice %arg9[%dma_start3A_29, %dma_start3A_30] : memref<10240x128xf32, #tpu.memory_space<vmem_shared>> -> memref<10240x128xf32, #tpu.memory_space<vmem_shared>>
        tpu.enqueue_indirect_dma source(%arg7 : memref<128x128xf32, #tpu.memory_space<vmem>>) target(%dma_start3A_31 : memref<10240x128xf32, #tpu.memory_space<vmem_shared>>) offsets(%dma_start3A_28 : memref<128xi32, #tpu.memory_space<vmem>>) semaphore(%run_scoped3A : memref<!tpu.dma_semaphore, #tpu.memory_space<semaphore_mem>>) {add = true}
        %dma_wait3A = arith.constant 0 : i32
        %dma_wait3A_32 = tpu.memref_slice %arg6[%scan3A_24, %dma_wait3A] : memref<80x128xi32, #tpu.memory_space<vmem>> -> memref<1x128xi32, #tpu.memory_space<vmem>>
        %dma_wait3A_33 = tpu.memref_squeeze %dma_wait3A_32 : memref<1x128xi32, #tpu.memory_space<vmem>> -> memref<128xi32, #tpu.memory_space<vmem>>
        %dma_wait3A_34 = arith.constant 0 : i32
        %dma_wait3A_35 = arith.constant 0 : i32
        %dma_wait3A_36 = tpu.memref_slice %arg9[%dma_wait3A_34, %dma_wait3A_35] : memref<10240x128xf32, #tpu.memory_space<vmem_shared>> -> memref<10240x128xf32, #tpu.memory_space<vmem_shared>>
        tpu.wait_indirect_dma semaphore(%run_scoped3A : memref<!tpu.dma_semaphore, #tpu.memory_space<semaphore_mem>>) src(%arg7 : memref<128x128xf32, #tpu.memory_space<vmem>>) dst(%dma_wait3A_36 : memref<10240x128xf32, #tpu.memory_space<vmem_shared>>)
        tpu.yield
      }) : () -> ()
      %scan3A_26 = arith.constant 0 : i32
      scf.yield %scan3A_26 : i32
    }
    %scan3A_15 = arith.constant 80 : i32
    %barrier3A_16 = arith.constant 0 : index
    tpu.barrier barrier_id(%barrier3A_16)
    %scan3A_17 = arith.constant 0 : i32
    %scan3A_18 = arith.constant 0 : i32
    %scan3A_19 = arith.constant 16 : i32
    %scan3A_20 = arith.addi %scan3A_18, %scan3A_19 : i32
    %scan3A_21 = arith.constant 1 : i32
    %scan3A_22 = scf.for %scan3A_24 = %scan3A_18 to %scan3A_20 step %scan3A_21 iter_args(%scan3A_25 = %scan3A_17) -> (i32)  : i32 {
      %mul3A_26 = arith.constant 640 : i32
      %mul3A_27 = arith.muli %arg1, %mul3A_26 : i32
      %mul3A_28 = arith.constant 40 : i32
      %mul3A_29 = arith.muli %scan3A_24, %mul3A_28 : i32
      %add3A_30 = arith.addi %mul3A_27, %mul3A_29 : i32
      "tpu.region"() ({
        %run_scoped3A = tpu.sem_alloc : memref<!tpu.dma_semaphore, #tpu.memory_space<semaphore_mem>>
        %dma_start3A = arith.constant 0 : i32
        %dma_start3A_32 = tpu.memref_slice %arg9[%add3A_30, %dma_start3A] : memref<10240x128xf32, #tpu.memory_space<vmem_shared>> -> memref<40x128xf32, #tpu.memory_space<vmem_shared>>
        %dma_start3A_33 = arith.constant 0 : i32
        %dma_start3A_34 = tpu.memref_slice %arg9[%add3A_30, %dma_start3A_33] : memref<10240x128xf32, #tpu.memory_space<vmem_shared>> -> memref<40x128xf32, #tpu.memory_space<vmem_shared>>
        tpu.enqueue_dma source(%dma_start3A_34 : memref<40x128xf32, #tpu.memory_space<vmem_shared>>) target(%arg8 : memref<40x128xf32, #tpu.memory_space<vmem>>) target_semaphore(%run_scoped3A : memref<!tpu.dma_semaphore, #tpu.memory_space<semaphore_mem>>)
        %dma_wait3A = arith.constant 0 : i32
        %dma_wait3A_35 = tpu.memref_slice %arg9[%add3A_30, %dma_wait3A] : memref<10240x128xf32, #tpu.memory_space<vmem_shared>> -> memref<40x128xf32, #tpu.memory_space<vmem_shared>>
        %dma_wait3A_36 = arith.constant 0 : i32
        %dma_wait3A_37 = tpu.memref_slice %arg9[%add3A_30, %dma_wait3A_36] : memref<10240x128xf32, #tpu.memory_space<vmem_shared>> -> memref<40x128xf32, #tpu.memory_space<vmem_shared>>
        tpu.wait_dma2 semaphore(%run_scoped3A : memref<!tpu.dma_semaphore, #tpu.memory_space<semaphore_mem>>) src(%dma_wait3A_37 : memref<40x128xf32, #tpu.memory_space<vmem_shared>>) dst(%arg8 : memref<40x128xf32, #tpu.memory_space<vmem>>)
        tpu.yield
      }) : () -> ()
      "tpu.region"() ({
        %run_scoped3A = tpu.sem_alloc : memref<!tpu.dma_semaphore, #tpu.memory_space<semaphore_mem>>
        %dma_start3A = arith.constant 0 : i32
        %dma_start3A_32 = tpu.memref_slice %arg5[%arg0, %add3A_30, %dma_start3A] : memref<2x10240x128xf32, #tpu.memory_space<hbm>> -> memref<1x40x128xf32, #tpu.memory_space<hbm>>
        %dma_start3A_33 = tpu.memref_squeeze %dma_start3A_32 : memref<1x40x128xf32, #tpu.memory_space<hbm>> -> memref<40x128xf32, #tpu.memory_space<hbm>>
        %dma_start3A_34 = arith.constant 0 : i32
        %dma_start3A_35 = tpu.memref_slice %arg5[%arg0, %add3A_30, %dma_start3A_34] : memref<2x10240x128xf32, #tpu.memory_space<hbm>> -> memref<1x40x128xf32, #tpu.memory_space<hbm>>
        %dma_start3A_36 = tpu.memref_squeeze %dma_start3A_35 : memref<1x40x128xf32, #tpu.memory_space<hbm>> -> memref<40x128xf32, #tpu.memory_space<hbm>>
        tpu.enqueue_dma source(%arg8 : memref<40x128xf32, #tpu.memory_space<vmem>>) target(%dma_start3A_36 : memref<40x128xf32, #tpu.memory_space<hbm>>) target_semaphore(%run_scoped3A : memref<!tpu.dma_semaphore, #tpu.memory_space<semaphore_mem>>)
        %dma_wait3A = arith.constant 0 : i32
        %dma_wait3A_37 = tpu.memref_slice %arg5[%arg0, %add3A_30, %dma_wait3A] : memref<2x10240x128xf32, #tpu.memory_space<hbm>> -> memref<1x40x128xf32, #tpu.memory_space<hbm>>
        %dma_wait3A_38 = tpu.memref_squeeze %dma_wait3A_37 : memref<1x40x128xf32, #tpu.memory_space<hbm>> -> memref<40x128xf32, #tpu.memory_space<hbm>>
        %dma_wait3A_39 = arith.constant 0 : i32
        %dma_wait3A_40 = tpu.memref_slice %arg5[%arg0, %add3A_30, %dma_wait3A_39] : memref<2x10240x128xf32, #tpu.memory_space<hbm>> -> memref<1x40x128xf32, #tpu.memory_space<hbm>>
        %dma_wait3A_41 = tpu.memref_squeeze %dma_wait3A_40 : memref<1x40x128xf32, #tpu.memory_space<hbm>> -> memref<40x128xf32, #tpu.memory_space<hbm>>
        tpu.wait_dma2 semaphore(%run_scoped3A : memref<!tpu.dma_semaphore, #tpu.memory_space<semaphore_mem>>) src(%arg8 : memref<40x128xf32, #tpu.memory_space<vmem>>) dst(%dma_wait3A_41 : memref<40x128xf32, #tpu.memory_space<hbm>>)
        tpu.yield
      }) : () -> ()
      %scan3A_31 = arith.constant 0 : i32
      scf.yield %scan3A_31 : i32
    }
    %scan3A_23 = arith.constant 16 : i32
    return
  }
}

#map = affine_map<(d0, d1) -> (0, 0)>
#map1 = affine_map<(d0, d1) -> (0, 0, 0)>
module attributes {stable_mosaic.version = 14 : i64} {
  func.func @_prop_sc(%arg0: i32, %arg1: i32, %arg2: memref<2560x128xi32, #tpu.memory_space<hbm>>, %arg3: memref<2560x128xi32, #tpu.memory_space<hbm>>, %arg4: memref<10240x128xf32, #tpu.memory_space<hbm>>, %arg5: memref<40x128xf32, #tpu.memory_space<hbm>>, %arg6: memref<2x10240x128xf32, #tpu.memory_space<hbm>>, %arg7: memref<40x128xi32, #tpu.memory_space<vmem>>, %arg8: memref<40x128xi32, #tpu.memory_space<vmem>>, %arg9: memref<128x128xf32, #tpu.memory_space<vmem>>, %arg10: memref<128x128xf32, #tpu.memory_space<vmem>>, %arg11: memref<40x128xf32, #tpu.memory_space<vmem>>, %arg12: memref<!tpu.dma_semaphore, #tpu.memory_space<semaphore_mem>>, %arg13: memref<!tpu.dma_semaphore, #tpu.memory_space<semaphore_mem>>, %arg14: memref<!tpu.dma_semaphore, #tpu.memory_space<semaphore_mem>>, %arg15: memref<!tpu.dma_semaphore, #tpu.memory_space<semaphore_mem>>, %arg16: memref<10240x128xf32, #tpu.memory_space<vmem_shared>>) attributes {dimension_semantics = [#tpu.dimension_semantics<core_parallel>, #tpu.dimension_semantics<subcore_parallel>], iteration_bounds = array<i64: 2, 16>, scalar_prefetch = 0 : i64, scratch_operands = 10 : i64, tpu.core_type = #tpu.core_type<sc_vector_subcore>, window_params = [{transform_indices = #map}, {transform_indices = #map}, {transform_indices = #map}, {transform_indices = #map}, {transform_indices = #map1}]} {
    %mul3A = arith.constant 2 : i32
    %mul3A_0 = arith.muli %arg1, %mul3A : i32
    %add3A = arith.addi %mul3A_0, %arg0 : i32
    "tpu.region"() ({
      %run_scoped3A = tpu.sem_alloc : memref<!tpu.dma_semaphore, #tpu.memory_space<semaphore_mem>>
      tpu.enqueue_dma source(%arg5 : memref<40x128xf32, #tpu.memory_space<hbm>>) target(%arg11 : memref<40x128xf32, #tpu.memory_space<vmem>>) target_semaphore(%run_scoped3A : memref<!tpu.dma_semaphore, #tpu.memory_space<semaphore_mem>>)
      tpu.wait_dma2 semaphore(%run_scoped3A : memref<!tpu.dma_semaphore, #tpu.memory_space<semaphore_mem>>) src(%arg5 : memref<40x128xf32, #tpu.memory_space<hbm>>) dst(%arg11 : memref<40x128xf32, #tpu.memory_space<vmem>>)
      tpu.yield
    }) : () -> ()
    %scan3A = arith.constant 0 : i32
    %scan3A_1 = arith.constant 0 : i32
    %scan3A_2 = arith.constant 16 : i32
    %scan3A_3 = arith.addi %scan3A_1, %scan3A_2 : i32
    %scan3A_4 = arith.constant 1 : i32
    %scan3A_5 = scf.for %scan3A_63 = %scan3A_1 to %scan3A_3 step %scan3A_4 iter_args(%scan3A_64 = %scan3A) -> (i32)  : i32 {
      %mul3A_65 = arith.constant 640 : i32
      %mul3A_66 = arith.muli %arg1, %mul3A_65 : i32
      %mul3A_67 = arith.constant 40 : i32
      %mul3A_68 = arith.muli %scan3A_63, %mul3A_67 : i32
      %add3A_69 = arith.addi %mul3A_66, %mul3A_68 : i32
      "tpu.region"() ({
        %run_scoped3A = tpu.sem_alloc : memref<!tpu.dma_semaphore, #tpu.memory_space<semaphore_mem>>
        %dma_start3A_71 = arith.constant 0 : i32
        %dma_start3A_72 = tpu.memref_slice %arg16[%add3A_69, %dma_start3A_71] : memref<10240x128xf32, #tpu.memory_space<vmem_shared>> -> memref<40x128xf32, #tpu.memory_space<vmem_shared>>
        %dma_start3A_73 = arith.constant 0 : i32
        %dma_start3A_74 = tpu.memref_slice %arg16[%add3A_69, %dma_start3A_73] : memref<10240x128xf32, #tpu.memory_space<vmem_shared>> -> memref<40x128xf32, #tpu.memory_space<vmem_shared>>
        tpu.enqueue_dma source(%arg11 : memref<40x128xf32, #tpu.memory_space<vmem>>) target(%dma_start3A_74 : memref<40x128xf32, #tpu.memory_space<vmem_shared>>) target_semaphore(%run_scoped3A : memref<!tpu.dma_semaphore, #tpu.memory_space<semaphore_mem>>)
        %dma_wait3A_75 = arith.constant 0 : i32
        %dma_wait3A_76 = tpu.memref_slice %arg16[%add3A_69, %dma_wait3A_75] : memref<10240x128xf32, #tpu.memory_space<vmem_shared>> -> memref<40x128xf32, #tpu.memory_space<vmem_shared>>
        %dma_wait3A_77 = arith.constant 0 : i32
        %dma_wait3A_78 = tpu.memref_slice %arg16[%add3A_69, %dma_wait3A_77] : memref<10240x128xf32, #tpu.memory_space<vmem_shared>> -> memref<40x128xf32, #tpu.memory_space<vmem_shared>>
        tpu.wait_dma2 semaphore(%run_scoped3A : memref<!tpu.dma_semaphore, #tpu.memory_space<semaphore_mem>>) src(%arg11 : memref<40x128xf32, #tpu.memory_space<vmem>>) dst(%dma_wait3A_78 : memref<40x128xf32, #tpu.memory_space<vmem_shared>>)
        tpu.yield
      }) : () -> ()
      %scan3A_70 = arith.constant 0 : i32
      scf.yield %scan3A_70 : i32
    }
    %scan3A_6 = arith.constant 16 : i32
    %barrier3A = arith.constant 0 : index
    tpu.barrier barrier_id(%barrier3A)
    %mul3A_7 = arith.constant 80 : i32
    %mul3A_8 = arith.muli %add3A, %mul3A_7 : i32
    %add3A_9 = arith.constant 0 : i32
    %add3A_10 = arith.addi %mul3A_8, %add3A_9 : i32
    "tpu.region"() ({
      %run_scoped3A = tpu.sem_alloc : memref<!tpu.dma_semaphore, #tpu.memory_space<semaphore_mem>>
      %dma_start3A_63 = arith.constant 0 : i32
      %dma_start3A_64 = tpu.memref_slice %arg2[%add3A_10, %dma_start3A_63] : memref<2560x128xi32, #tpu.memory_space<hbm>> -> memref<40x128xi32, #tpu.memory_space<hbm>>
      %dma_start3A_65 = arith.constant 0 : i32
      %dma_start3A_66 = tpu.memref_slice %arg2[%add3A_10, %dma_start3A_65] : memref<2560x128xi32, #tpu.memory_space<hbm>> -> memref<40x128xi32, #tpu.memory_space<hbm>>
      tpu.enqueue_dma source(%dma_start3A_66 : memref<40x128xi32, #tpu.memory_space<hbm>>) target(%arg7 : memref<40x128xi32, #tpu.memory_space<vmem>>) target_semaphore(%run_scoped3A : memref<!tpu.dma_semaphore, #tpu.memory_space<semaphore_mem>>)
      %dma_wait3A_67 = arith.constant 0 : i32
      %dma_wait3A_68 = tpu.memref_slice %arg2[%add3A_10, %dma_wait3A_67] : memref<2560x128xi32, #tpu.memory_space<hbm>> -> memref<40x128xi32, #tpu.memory_space<hbm>>
      %dma_wait3A_69 = arith.constant 0 : i32
      %dma_wait3A_70 = tpu.memref_slice %arg2[%add3A_10, %dma_wait3A_69] : memref<2560x128xi32, #tpu.memory_space<hbm>> -> memref<40x128xi32, #tpu.memory_space<hbm>>
      tpu.wait_dma2 semaphore(%run_scoped3A : memref<!tpu.dma_semaphore, #tpu.memory_space<semaphore_mem>>) src(%dma_wait3A_70 : memref<40x128xi32, #tpu.memory_space<hbm>>) dst(%arg7 : memref<40x128xi32, #tpu.memory_space<vmem>>)
      tpu.yield
    }) : () -> ()
    "tpu.region"() ({
      %run_scoped3A = tpu.sem_alloc : memref<!tpu.dma_semaphore, #tpu.memory_space<semaphore_mem>>
      %dma_start3A_63 = arith.constant 0 : i32
      %dma_start3A_64 = tpu.memref_slice %arg3[%add3A_10, %dma_start3A_63] : memref<2560x128xi32, #tpu.memory_space<hbm>> -> memref<40x128xi32, #tpu.memory_space<hbm>>
      %dma_start3A_65 = arith.constant 0 : i32
      %dma_start3A_66 = tpu.memref_slice %arg3[%add3A_10, %dma_start3A_65] : memref<2560x128xi32, #tpu.memory_space<hbm>> -> memref<40x128xi32, #tpu.memory_space<hbm>>
      tpu.enqueue_dma source(%dma_start3A_66 : memref<40x128xi32, #tpu.memory_space<hbm>>) target(%arg8 : memref<40x128xi32, #tpu.memory_space<vmem>>) target_semaphore(%run_scoped3A : memref<!tpu.dma_semaphore, #tpu.memory_space<semaphore_mem>>)
      %dma_wait3A_67 = arith.constant 0 : i32
      %dma_wait3A_68 = tpu.memref_slice %arg3[%add3A_10, %dma_wait3A_67] : memref<2560x128xi32, #tpu.memory_space<hbm>> -> memref<40x128xi32, #tpu.memory_space<hbm>>
      %dma_wait3A_69 = arith.constant 0 : i32
      %dma_wait3A_70 = tpu.memref_slice %arg3[%add3A_10, %dma_wait3A_69] : memref<2560x128xi32, #tpu.memory_space<hbm>> -> memref<40x128xi32, #tpu.memory_space<hbm>>
      tpu.wait_dma2 semaphore(%run_scoped3A : memref<!tpu.dma_semaphore, #tpu.memory_space<semaphore_mem>>) src(%dma_wait3A_70 : memref<40x128xi32, #tpu.memory_space<hbm>>) dst(%arg8 : memref<40x128xi32, #tpu.memory_space<vmem>>)
      tpu.yield
    }) : () -> ()
    %dma_start3A = arith.constant 0 : i32
    %dma_start3A_11 = arith.constant 0 : i32
    %dma_start3A_12 = tpu.memref_slice %arg7[%dma_start3A, %dma_start3A_11] : memref<40x128xi32, #tpu.memory_space<vmem>> -> memref<1x128xi32, #tpu.memory_space<vmem>>
    %dma_start3A_13 = tpu.memref_squeeze %dma_start3A_12 : memref<1x128xi32, #tpu.memory_space<vmem>> -> memref<128xi32, #tpu.memory_space<vmem>>
    %dma_start3A_14 = arith.constant 0 : i32
    %dma_start3A_15 = arith.constant 0 : i32
    %dma_start3A_16 = tpu.memref_slice %arg4[%dma_start3A_14, %dma_start3A_15] : memref<10240x128xf32, #tpu.memory_space<hbm>> -> memref<10240x128xf32, #tpu.memory_space<hbm>>
    tpu.enqueue_indirect_dma source(%dma_start3A_16 : memref<10240x128xf32, #tpu.memory_space<hbm>>) target(%arg9 : memref<128x128xf32, #tpu.memory_space<vmem>>) offsets(%dma_start3A_13 : memref<128xi32, #tpu.memory_space<vmem>>) semaphore(%arg12 : memref<!tpu.dma_semaphore, #tpu.memory_space<semaphore_mem>>)
    %scan3A_17 = arith.constant 0 : i32
    %scan3A_18 = arith.constant 0 : i32
    %scan3A_19 = arith.constant 20 : i32
    %scan3A_20 = arith.addi %scan3A_18, %scan3A_19 : i32
    %scan3A_21 = arith.constant 1 : i32
    %scan3A_22 = scf.for %scan3A_63 = %scan3A_18 to %scan3A_20 step %scan3A_21 iter_args(%scan3A_64 = %scan3A_17) -> (i32)  : i32 {
      %mul3A_65 = arith.constant 2 : i32
      %mul3A_66 = arith.muli %mul3A_65, %scan3A_63 : i32
      %mul3A_67 = arith.constant 2 : i32
      %mul3A_68 = arith.muli %mul3A_67, %scan3A_63 : i32
      %add3A_69 = arith.constant 1 : i32
      %add3A_70 = arith.addi %mul3A_68, %add3A_69 : i32
      %add3A_71 = arith.constant 2 : i32
      %add3A_72 = arith.addi %mul3A_66, %add3A_71 : i32
      %min3A = arith.constant 39 : i32
      %min3A_73 = arith.minsi %add3A_72, %min3A : i32
      %dma_wait3A_74 = arith.constant 0 : i32
      %dma_wait3A_75 = tpu.memref_slice %arg7[%mul3A_66, %dma_wait3A_74] : memref<40x128xi32, #tpu.memory_space<vmem>> -> memref<1x128xi32, #tpu.memory_space<vmem>>
      %dma_wait3A_76 = tpu.memref_squeeze %dma_wait3A_75 : memref<1x128xi32, #tpu.memory_space<vmem>> -> memref<128xi32, #tpu.memory_space<vmem>>
      %dma_wait3A_77 = arith.constant 0 : i32
      %dma_wait3A_78 = arith.constant 0 : i32
      %dma_wait3A_79 = tpu.memref_slice %arg4[%dma_wait3A_77, %dma_wait3A_78] : memref<10240x128xf32, #tpu.memory_space<hbm>> -> memref<10240x128xf32, #tpu.memory_space<hbm>>
      tpu.wait_indirect_dma semaphore(%arg12 : memref<!tpu.dma_semaphore, #tpu.memory_space<semaphore_mem>>) src(%dma_wait3A_79 : memref<10240x128xf32, #tpu.memory_space<hbm>>) dst(%arg9 : memref<128x128xf32, #tpu.memory_space<vmem>>)
      %dma_start3A_80 = arith.constant 0 : i32
      %dma_start3A_81 = tpu.memref_slice %arg7[%add3A_70, %dma_start3A_80] : memref<40x128xi32, #tpu.memory_space<vmem>> -> memref<1x128xi32, #tpu.memory_space<vmem>>
      %dma_start3A_82 = tpu.memref_squeeze %dma_start3A_81 : memref<1x128xi32, #tpu.memory_space<vmem>> -> memref<128xi32, #tpu.memory_space<vmem>>
      %dma_start3A_83 = arith.constant 0 : i32
      %dma_start3A_84 = arith.constant 0 : i32
      %dma_start3A_85 = tpu.memref_slice %arg4[%dma_start3A_83, %dma_start3A_84] : memref<10240x128xf32, #tpu.memory_space<hbm>> -> memref<10240x128xf32, #tpu.memory_space<hbm>>
      tpu.enqueue_indirect_dma source(%dma_start3A_85 : memref<10240x128xf32, #tpu.memory_space<hbm>>) target(%arg10 : memref<128x128xf32, #tpu.memory_space<vmem>>) offsets(%dma_start3A_82 : memref<128xi32, #tpu.memory_space<vmem>>) semaphore(%arg13 : memref<!tpu.dma_semaphore, #tpu.memory_space<semaphore_mem>>)
      "tpu.region"() ({
        %run_scoped3A = tpu.sem_alloc : memref<!tpu.dma_semaphore, #tpu.memory_space<semaphore_mem>>
        %dma_start3A_99 = arith.constant 0 : i32
        %dma_start3A_100 = tpu.memref_slice %arg8[%mul3A_66, %dma_start3A_99] : memref<40x128xi32, #tpu.memory_space<vmem>> -> memref<1x128xi32, #tpu.memory_space<vmem>>
        %dma_start3A_101 = tpu.memref_squeeze %dma_start3A_100 : memref<1x128xi32, #tpu.memory_space<vmem>> -> memref<128xi32, #tpu.memory_space<vmem>>
        %dma_start3A_102 = arith.constant 0 : i32
        %dma_start3A_103 = arith.constant 0 : i32
        %dma_start3A_104 = tpu.memref_slice %arg16[%dma_start3A_102, %dma_start3A_103] : memref<10240x128xf32, #tpu.memory_space<vmem_shared>> -> memref<10240x128xf32, #tpu.memory_space<vmem_shared>>
        tpu.enqueue_indirect_dma source(%arg9 : memref<128x128xf32, #tpu.memory_space<vmem>>) target(%dma_start3A_104 : memref<10240x128xf32, #tpu.memory_space<vmem_shared>>) offsets(%dma_start3A_101 : memref<128xi32, #tpu.memory_space<vmem>>) semaphore(%run_scoped3A : memref<!tpu.dma_semaphore, #tpu.memory_space<semaphore_mem>>) {add = true}
        %dma_wait3A_105 = arith.constant 0 : i32
        %dma_wait3A_106 = tpu.memref_slice %arg8[%mul3A_66, %dma_wait3A_105] : memref<40x128xi32, #tpu.memory_space<vmem>> -> memref<1x128xi32, #tpu.memory_space<vmem>>
        %dma_wait3A_107 = tpu.memref_squeeze %dma_wait3A_106 : memref<1x128xi32, #tpu.memory_space<vmem>> -> memref<128xi32, #tpu.memory_space<vmem>>
        %dma_wait3A_108 = arith.constant 0 : i32
        %dma_wait3A_109 = arith.constant 0 : i32
        %dma_wait3A_110 = tpu.memref_slice %arg16[%dma_wait3A_108, %dma_wait3A_109] : memref<10240x128xf32, #tpu.memory_space<vmem_shared>> -> memref<10240x128xf32, #tpu.memory_space<vmem_shared>>
        tpu.wait_indirect_dma semaphore(%run_scoped3A : memref<!tpu.dma_semaphore, #tpu.memory_space<semaphore_mem>>) src(%arg9 : memref<128x128xf32, #tpu.memory_space<vmem>>) dst(%dma_wait3A_110 : memref<10240x128xf32, #tpu.memory_space<vmem_shared>>)
        tpu.yield
      }) : () -> ()
      %dma_wait3A_86 = arith.constant 0 : i32
      %dma_wait3A_87 = tpu.memref_slice %arg7[%add3A_70, %dma_wait3A_86] : memref<40x128xi32, #tpu.memory_space<vmem>> -> memref<1x128xi32, #tpu.memory_space<vmem>>
      %dma_wait3A_88 = tpu.memref_squeeze %dma_wait3A_87 : memref<1x128xi32, #tpu.memory_space<vmem>> -> memref<128xi32, #tpu.memory_space<vmem>>
      %dma_wait3A_89 = arith.constant 0 : i32
      %dma_wait3A_90 = arith.constant 0 : i32
      %dma_wait3A_91 = tpu.memref_slice %arg4[%dma_wait3A_89, %dma_wait3A_90] : memref<10240x128xf32, #tpu.memory_space<hbm>> -> memref<10240x128xf32, #tpu.memory_space<hbm>>
      tpu.wait_indirect_dma semaphore(%arg13 : memref<!tpu.dma_semaphore, #tpu.memory_space<semaphore_mem>>) src(%dma_wait3A_91 : memref<10240x128xf32, #tpu.memory_space<hbm>>) dst(%arg10 : memref<128x128xf32, #tpu.memory_space<vmem>>)
      %dma_start3A_92 = arith.constant 0 : i32
      %dma_start3A_93 = tpu.memref_slice %arg7[%min3A_73, %dma_start3A_92] : memref<40x128xi32, #tpu.memory_space<vmem>> -> memref<1x128xi32, #tpu.memory_space<vmem>>
      %dma_start3A_94 = tpu.memref_squeeze %dma_start3A_93 : memref<1x128xi32, #tpu.memory_space<vmem>> -> memref<128xi32, #tpu.memory_space<vmem>>
      %dma_start3A_95 = arith.constant 0 : i32
      %dma_start3A_96 = arith.constant 0 : i32
      %dma_start3A_97 = tpu.memref_slice %arg4[%dma_start3A_95, %dma_start3A_96] : memref<10240x128xf32, #tpu.memory_space<hbm>> -> memref<10240x128xf32, #tpu.memory_space<hbm>>
      tpu.enqueue_indirect_dma source(%dma_start3A_97 : memref<10240x128xf32, #tpu.memory_space<hbm>>) target(%arg9 : memref<128x128xf32, #tpu.memory_space<vmem>>) offsets(%dma_start3A_94 : memref<128xi32, #tpu.memory_space<vmem>>) semaphore(%arg12 : memref<!tpu.dma_semaphore, #tpu.memory_space<semaphore_mem>>)
      "tpu.region"() ({
        %run_scoped3A = tpu.sem_alloc : memref<!tpu.dma_semaphore, #tpu.memory_space<semaphore_mem>>
        %dma_start3A_99 = arith.constant 0 : i32
        %dma_start3A_100 = tpu.memref_slice %arg8[%add3A_70, %dma_start3A_99] : memref<40x128xi32, #tpu.memory_space<vmem>> -> memref<1x128xi32, #tpu.memory_space<vmem>>
        %dma_start3A_101 = tpu.memref_squeeze %dma_start3A_100 : memref<1x128xi32, #tpu.memory_space<vmem>> -> memref<128xi32, #tpu.memory_space<vmem>>
        %dma_start3A_102 = arith.constant 0 : i32
        %dma_start3A_103 = arith.constant 0 : i32
        %dma_start3A_104 = tpu.memref_slice %arg16[%dma_start3A_102, %dma_start3A_103] : memref<10240x128xf32, #tpu.memory_space<vmem_shared>> -> memref<10240x128xf32, #tpu.memory_space<vmem_shared>>
        tpu.enqueue_indirect_dma source(%arg10 : memref<128x128xf32, #tpu.memory_space<vmem>>) target(%dma_start3A_104 : memref<10240x128xf32, #tpu.memory_space<vmem_shared>>) offsets(%dma_start3A_101 : memref<128xi32, #tpu.memory_space<vmem>>) semaphore(%run_scoped3A : memref<!tpu.dma_semaphore, #tpu.memory_space<semaphore_mem>>) {add = true}
        %dma_wait3A_105 = arith.constant 0 : i32
        %dma_wait3A_106 = tpu.memref_slice %arg8[%add3A_70, %dma_wait3A_105] : memref<40x128xi32, #tpu.memory_space<vmem>> -> memref<1x128xi32, #tpu.memory_space<vmem>>
        %dma_wait3A_107 = tpu.memref_squeeze %dma_wait3A_106 : memref<1x128xi32, #tpu.memory_space<vmem>> -> memref<128xi32, #tpu.memory_space<vmem>>
        %dma_wait3A_108 = arith.constant 0 : i32
        %dma_wait3A_109 = arith.constant 0 : i32
        %dma_wait3A_110 = tpu.memref_slice %arg16[%dma_wait3A_108, %dma_wait3A_109] : memref<10240x128xf32, #tpu.memory_space<vmem_shared>> -> memref<10240x128xf32, #tpu.memory_space<vmem_shared>>
        tpu.wait_indirect_dma semaphore(%run_scoped3A : memref<!tpu.dma_semaphore, #tpu.memory_space<semaphore_mem>>) src(%arg10 : memref<128x128xf32, #tpu.memory_space<vmem>>) dst(%dma_wait3A_110 : memref<10240x128xf32, #tpu.memory_space<vmem_shared>>)
        tpu.yield
      }) : () -> ()
      %scan3A_98 = arith.constant 0 : i32
      scf.yield %scan3A_98 : i32
    }
    %scan3A_23 = arith.constant 20 : i32
    %dma_wait3A = arith.constant 39 : i32
    %dma_wait3A_24 = arith.constant 0 : i32
    %dma_wait3A_25 = tpu.memref_slice %arg7[%dma_wait3A, %dma_wait3A_24] : memref<40x128xi32, #tpu.memory_space<vmem>> -> memref<1x128xi32, #tpu.memory_space<vmem>>
    %dma_wait3A_26 = tpu.memref_squeeze %dma_wait3A_25 : memref<1x128xi32, #tpu.memory_space<vmem>> -> memref<128xi32, #tpu.memory_space<vmem>>
    %dma_wait3A_27 = arith.constant 0 : i32
    %dma_wait3A_28 = arith.constant 0 : i32
    %dma_wait3A_29 = tpu.memref_slice %arg4[%dma_wait3A_27, %dma_wait3A_28] : memref<10240x128xf32, #tpu.memory_space<hbm>> -> memref<10240x128xf32, #tpu.memory_space<hbm>>
    tpu.wait_indirect_dma semaphore(%arg12 : memref<!tpu.dma_semaphore, #tpu.memory_space<semaphore_mem>>) src(%dma_wait3A_29 : memref<10240x128xf32, #tpu.memory_space<hbm>>) dst(%arg9 : memref<128x128xf32, #tpu.memory_space<vmem>>)
    %mul3A_30 = arith.constant 80 : i32
    %mul3A_31 = arith.muli %add3A, %mul3A_30 : i32
    %add3A_32 = arith.constant 40 : i32
    %add3A_33 = arith.addi %mul3A_31, %add3A_32 : i32
    "tpu.region"() ({
      %run_scoped3A = tpu.sem_alloc : memref<!tpu.dma_semaphore, #tpu.memory_space<semaphore_mem>>
      %dma_start3A_63 = arith.constant 0 : i32
      %dma_start3A_64 = tpu.memref_slice %arg2[%add3A_33, %dma_start3A_63] : memref<2560x128xi32, #tpu.memory_space<hbm>> -> memref<40x128xi32, #tpu.memory_space<hbm>>
      %dma_start3A_65 = arith.constant 0 : i32
      %dma_start3A_66 = tpu.memref_slice %arg2[%add3A_33, %dma_start3A_65] : memref<2560x128xi32, #tpu.memory_space<hbm>> -> memref<40x128xi32, #tpu.memory_space<hbm>>
      tpu.enqueue_dma source(%dma_start3A_66 : memref<40x128xi32, #tpu.memory_space<hbm>>) target(%arg7 : memref<40x128xi32, #tpu.memory_space<vmem>>) target_semaphore(%run_scoped3A : memref<!tpu.dma_semaphore, #tpu.memory_space<semaphore_mem>>)
      %dma_wait3A_67 = arith.constant 0 : i32
      %dma_wait3A_68 = tpu.memref_slice %arg2[%add3A_33, %dma_wait3A_67] : memref<2560x128xi32, #tpu.memory_space<hbm>> -> memref<40x128xi32, #tpu.memory_space<hbm>>
      %dma_wait3A_69 = arith.constant 0 : i32
      %dma_wait3A_70 = tpu.memref_slice %arg2[%add3A_33, %dma_wait3A_69] : memref<2560x128xi32, #tpu.memory_space<hbm>> -> memref<40x128xi32, #tpu.memory_space<hbm>>
      tpu.wait_dma2 semaphore(%run_scoped3A : memref<!tpu.dma_semaphore, #tpu.memory_space<semaphore_mem>>) src(%dma_wait3A_70 : memref<40x128xi32, #tpu.memory_space<hbm>>) dst(%arg7 : memref<40x128xi32, #tpu.memory_space<vmem>>)
      tpu.yield
    }) : () -> ()
    "tpu.region"() ({
      %run_scoped3A = tpu.sem_alloc : memref<!tpu.dma_semaphore, #tpu.memory_space<semaphore_mem>>
      %dma_start3A_63 = arith.constant 0 : i32
      %dma_start3A_64 = tpu.memref_slice %arg3[%add3A_33, %dma_start3A_63] : memref<2560x128xi32, #tpu.memory_space<hbm>> -> memref<40x128xi32, #tpu.memory_space<hbm>>
      %dma_start3A_65 = arith.constant 0 : i32
      %dma_start3A_66 = tpu.memref_slice %arg3[%add3A_33, %dma_start3A_65] : memref<2560x128xi32, #tpu.memory_space<hbm>> -> memref<40x128xi32, #tpu.memory_space<hbm>>
      tpu.enqueue_dma source(%dma_start3A_66 : memref<40x128xi32, #tpu.memory_space<hbm>>) target(%arg8 : memref<40x128xi32, #tpu.memory_space<vmem>>) target_semaphore(%run_scoped3A : memref<!tpu.dma_semaphore, #tpu.memory_space<semaphore_mem>>)
      %dma_wait3A_67 = arith.constant 0 : i32
      %dma_wait3A_68 = tpu.memref_slice %arg3[%add3A_33, %dma_wait3A_67] : memref<2560x128xi32, #tpu.memory_space<hbm>> -> memref<40x128xi32, #tpu.memory_space<hbm>>
      %dma_wait3A_69 = arith.constant 0 : i32
      %dma_wait3A_70 = tpu.memref_slice %arg3[%add3A_33, %dma_wait3A_69] : memref<2560x128xi32, #tpu.memory_space<hbm>> -> memref<40x128xi32, #tpu.memory_space<hbm>>
      tpu.wait_dma2 semaphore(%run_scoped3A : memref<!tpu.dma_semaphore, #tpu.memory_space<semaphore_mem>>) src(%dma_wait3A_70 : memref<40x128xi32, #tpu.memory_space<hbm>>) dst(%arg8 : memref<40x128xi32, #tpu.memory_space<vmem>>)
      tpu.yield
    }) : () -> ()
    %dma_start3A_34 = arith.constant 0 : i32
    %dma_start3A_35 = arith.constant 0 : i32
    %dma_start3A_36 = tpu.memref_slice %arg7[%dma_start3A_34, %dma_start3A_35] : memref<40x128xi32, #tpu.memory_space<vmem>> -> memref<1x128xi32, #tpu.memory_space<vmem>>
    %dma_start3A_37 = tpu.memref_squeeze %dma_start3A_36 : memref<1x128xi32, #tpu.memory_space<vmem>> -> memref<128xi32, #tpu.memory_space<vmem>>
    %dma_start3A_38 = arith.constant 0 : i32
    %dma_start3A_39 = arith.constant 0 : i32
    %dma_start3A_40 = tpu.memref_slice %arg4[%dma_start3A_38, %dma_start3A_39] : memref<10240x128xf32, #tpu.memory_space<hbm>> -> memref<10240x128xf32, #tpu.memory_space<hbm>>
    tpu.enqueue_indirect_dma source(%dma_start3A_40 : memref<10240x128xf32, #tpu.memory_space<hbm>>) target(%arg9 : memref<128x128xf32, #tpu.memory_space<vmem>>) offsets(%dma_start3A_37 : memref<128xi32, #tpu.memory_space<vmem>>) semaphore(%arg12 : memref<!tpu.dma_semaphore, #tpu.memory_space<semaphore_mem>>)
    %scan3A_41 = arith.constant 0 : i32
    %scan3A_42 = arith.constant 0 : i32
    %scan3A_43 = arith.constant 20 : i32
    %scan3A_44 = arith.addi %scan3A_42, %scan3A_43 : i32
    %scan3A_45 = arith.constant 1 : i32
    %scan3A_46 = scf.for %scan3A_63 = %scan3A_42 to %scan3A_44 step %scan3A_45 iter_args(%scan3A_64 = %scan3A_41) -> (i32)  : i32 {
      %mul3A_65 = arith.constant 2 : i32
      %mul3A_66 = arith.muli %mul3A_65, %scan3A_63 : i32
      %mul3A_67 = arith.constant 2 : i32
      %mul3A_68 = arith.muli %mul3A_67, %scan3A_63 : i32
      %add3A_69 = arith.constant 1 : i32
      %add3A_70 = arith.addi %mul3A_68, %add3A_69 : i32
      %add3A_71 = arith.constant 2 : i32
      %add3A_72 = arith.addi %mul3A_66, %add3A_71 : i32
      %min3A = arith.constant 39 : i32
      %min3A_73 = arith.minsi %add3A_72, %min3A : i32
      %dma_wait3A_74 = arith.constant 0 : i32
      %dma_wait3A_75 = tpu.memref_slice %arg7[%mul3A_66, %dma_wait3A_74] : memref<40x128xi32, #tpu.memory_space<vmem>> -> memref<1x128xi32, #tpu.memory_space<vmem>>
      %dma_wait3A_76 = tpu.memref_squeeze %dma_wait3A_75 : memref<1x128xi32, #tpu.memory_space<vmem>> -> memref<128xi32, #tpu.memory_space<vmem>>
      %dma_wait3A_77 = arith.constant 0 : i32
      %dma_wait3A_78 = arith.constant 0 : i32
      %dma_wait3A_79 = tpu.memref_slice %arg4[%dma_wait3A_77, %dma_wait3A_78] : memref<10240x128xf32, #tpu.memory_space<hbm>> -> memref<10240x128xf32, #tpu.memory_space<hbm>>
      tpu.wait_indirect_dma semaphore(%arg12 : memref<!tpu.dma_semaphore, #tpu.memory_space<semaphore_mem>>) src(%dma_wait3A_79 : memref<10240x128xf32, #tpu.memory_space<hbm>>) dst(%arg9 : memref<128x128xf32, #tpu.memory_space<vmem>>)
      %dma_start3A_80 = arith.constant 0 : i32
      %dma_start3A_81 = tpu.memref_slice %arg7[%add3A_70, %dma_start3A_80] : memref<40x128xi32, #tpu.memory_space<vmem>> -> memref<1x128xi32, #tpu.memory_space<vmem>>
      %dma_start3A_82 = tpu.memref_squeeze %dma_start3A_81 : memref<1x128xi32, #tpu.memory_space<vmem>> -> memref<128xi32, #tpu.memory_space<vmem>>
      %dma_start3A_83 = arith.constant 0 : i32
      %dma_start3A_84 = arith.constant 0 : i32
      %dma_start3A_85 = tpu.memref_slice %arg4[%dma_start3A_83, %dma_start3A_84] : memref<10240x128xf32, #tpu.memory_space<hbm>> -> memref<10240x128xf32, #tpu.memory_space<hbm>>
      tpu.enqueue_indirect_dma source(%dma_start3A_85 : memref<10240x128xf32, #tpu.memory_space<hbm>>) target(%arg10 : memref<128x128xf32, #tpu.memory_space<vmem>>) offsets(%dma_start3A_82 : memref<128xi32, #tpu.memory_space<vmem>>) semaphore(%arg13 : memref<!tpu.dma_semaphore, #tpu.memory_space<semaphore_mem>>)
      "tpu.region"() ({
        %run_scoped3A = tpu.sem_alloc : memref<!tpu.dma_semaphore, #tpu.memory_space<semaphore_mem>>
        %dma_start3A_99 = arith.constant 0 : i32
        %dma_start3A_100 = tpu.memref_slice %arg8[%mul3A_66, %dma_start3A_99] : memref<40x128xi32, #tpu.memory_space<vmem>> -> memref<1x128xi32, #tpu.memory_space<vmem>>
        %dma_start3A_101 = tpu.memref_squeeze %dma_start3A_100 : memref<1x128xi32, #tpu.memory_space<vmem>> -> memref<128xi32, #tpu.memory_space<vmem>>
        %dma_start3A_102 = arith.constant 0 : i32
        %dma_start3A_103 = arith.constant 0 : i32
        %dma_start3A_104 = tpu.memref_slice %arg16[%dma_start3A_102, %dma_start3A_103] : memref<10240x128xf32, #tpu.memory_space<vmem_shared>> -> memref<10240x128xf32, #tpu.memory_space<vmem_shared>>
        tpu.enqueue_indirect_dma source(%arg9 : memref<128x128xf32, #tpu.memory_space<vmem>>) target(%dma_start3A_104 : memref<10240x128xf32, #tpu.memory_space<vmem_shared>>) offsets(%dma_start3A_101 : memref<128xi32, #tpu.memory_space<vmem>>) semaphore(%run_scoped3A : memref<!tpu.dma_semaphore, #tpu.memory_space<semaphore_mem>>) {add = true}
        %dma_wait3A_105 = arith.constant 0 : i32
        %dma_wait3A_106 = tpu.memref_slice %arg8[%mul3A_66, %dma_wait3A_105] : memref<40x128xi32, #tpu.memory_space<vmem>> -> memref<1x128xi32, #tpu.memory_space<vmem>>
        %dma_wait3A_107 = tpu.memref_squeeze %dma_wait3A_106 : memref<1x128xi32, #tpu.memory_space<vmem>> -> memref<128xi32, #tpu.memory_space<vmem>>
        %dma_wait3A_108 = arith.constant 0 : i32
        %dma_wait3A_109 = arith.constant 0 : i32
        %dma_wait3A_110 = tpu.memref_slice %arg16[%dma_wait3A_108, %dma_wait3A_109] : memref<10240x128xf32, #tpu.memory_space<vmem_shared>> -> memref<10240x128xf32, #tpu.memory_space<vmem_shared>>
        tpu.wait_indirect_dma semaphore(%run_scoped3A : memref<!tpu.dma_semaphore, #tpu.memory_space<semaphore_mem>>) src(%arg9 : memref<128x128xf32, #tpu.memory_space<vmem>>) dst(%dma_wait3A_110 : memref<10240x128xf32, #tpu.memory_space<vmem_shared>>)
        tpu.yield
      }) : () -> ()
      %dma_wait3A_86 = arith.constant 0 : i32
      %dma_wait3A_87 = tpu.memref_slice %arg7[%add3A_70, %dma_wait3A_86] : memref<40x128xi32, #tpu.memory_space<vmem>> -> memref<1x128xi32, #tpu.memory_space<vmem>>
      %dma_wait3A_88 = tpu.memref_squeeze %dma_wait3A_87 : memref<1x128xi32, #tpu.memory_space<vmem>> -> memref<128xi32, #tpu.memory_space<vmem>>
      %dma_wait3A_89 = arith.constant 0 : i32
      %dma_wait3A_90 = arith.constant 0 : i32
      %dma_wait3A_91 = tpu.memref_slice %arg4[%dma_wait3A_89, %dma_wait3A_90] : memref<10240x128xf32, #tpu.memory_space<hbm>> -> memref<10240x128xf32, #tpu.memory_space<hbm>>
      tpu.wait_indirect_dma semaphore(%arg13 : memref<!tpu.dma_semaphore, #tpu.memory_space<semaphore_mem>>) src(%dma_wait3A_91 : memref<10240x128xf32, #tpu.memory_space<hbm>>) dst(%arg10 : memref<128x128xf32, #tpu.memory_space<vmem>>)
      %dma_start3A_92 = arith.constant 0 : i32
      %dma_start3A_93 = tpu.memref_slice %arg7[%min3A_73, %dma_start3A_92] : memref<40x128xi32, #tpu.memory_space<vmem>> -> memref<1x128xi32, #tpu.memory_space<vmem>>
      %dma_start3A_94 = tpu.memref_squeeze %dma_start3A_93 : memref<1x128xi32, #tpu.memory_space<vmem>> -> memref<128xi32, #tpu.memory_space<vmem>>
      %dma_start3A_95 = arith.constant 0 : i32
      %dma_start3A_96 = arith.constant 0 : i32
      %dma_start3A_97 = tpu.memref_slice %arg4[%dma_start3A_95, %dma_start3A_96] : memref<10240x128xf32, #tpu.memory_space<hbm>> -> memref<10240x128xf32, #tpu.memory_space<hbm>>
      tpu.enqueue_indirect_dma source(%dma_start3A_97 : memref<10240x128xf32, #tpu.memory_space<hbm>>) target(%arg9 : memref<128x128xf32, #tpu.memory_space<vmem>>) offsets(%dma_start3A_94 : memref<128xi32, #tpu.memory_space<vmem>>) semaphore(%arg12 : memref<!tpu.dma_semaphore, #tpu.memory_space<semaphore_mem>>)
      "tpu.region"() ({
        %run_scoped3A = tpu.sem_alloc : memref<!tpu.dma_semaphore, #tpu.memory_space<semaphore_mem>>
        %dma_start3A_99 = arith.constant 0 : i32
        %dma_start3A_100 = tpu.memref_slice %arg8[%add3A_70, %dma_start3A_99] : memref<40x128xi32, #tpu.memory_space<vmem>> -> memref<1x128xi32, #tpu.memory_space<vmem>>
        %dma_start3A_101 = tpu.memref_squeeze %dma_start3A_100 : memref<1x128xi32, #tpu.memory_space<vmem>> -> memref<128xi32, #tpu.memory_space<vmem>>
        %dma_start3A_102 = arith.constant 0 : i32
        %dma_start3A_103 = arith.constant 0 : i32
        %dma_start3A_104 = tpu.memref_slice %arg16[%dma_start3A_102, %dma_start3A_103] : memref<10240x128xf32, #tpu.memory_space<vmem_shared>> -> memref<10240x128xf32, #tpu.memory_space<vmem_shared>>
        tpu.enqueue_indirect_dma source(%arg10 : memref<128x128xf32, #tpu.memory_space<vmem>>) target(%dma_start3A_104 : memref<10240x128xf32, #tpu.memory_space<vmem_shared>>) offsets(%dma_start3A_101 : memref<128xi32, #tpu.memory_space<vmem>>) semaphore(%run_scoped3A : memref<!tpu.dma_semaphore, #tpu.memory_space<semaphore_mem>>) {add = true}
        %dma_wait3A_105 = arith.constant 0 : i32
        %dma_wait3A_106 = tpu.memref_slice %arg8[%add3A_70, %dma_wait3A_105] : memref<40x128xi32, #tpu.memory_space<vmem>> -> memref<1x128xi32, #tpu.memory_space<vmem>>
        %dma_wait3A_107 = tpu.memref_squeeze %dma_wait3A_106 : memref<1x128xi32, #tpu.memory_space<vmem>> -> memref<128xi32, #tpu.memory_space<vmem>>
        %dma_wait3A_108 = arith.constant 0 : i32
        %dma_wait3A_109 = arith.constant 0 : i32
        %dma_wait3A_110 = tpu.memref_slice %arg16[%dma_wait3A_108, %dma_wait3A_109] : memref<10240x128xf32, #tpu.memory_space<vmem_shared>> -> memref<10240x128xf32, #tpu.memory_space<vmem_shared>>
        tpu.wait_indirect_dma semaphore(%run_scoped3A : memref<!tpu.dma_semaphore, #tpu.memory_space<semaphore_mem>>) src(%arg10 : memref<128x128xf32, #tpu.memory_space<vmem>>) dst(%dma_wait3A_110 : memref<10240x128xf32, #tpu.memory_space<vmem_shared>>)
        tpu.yield
      }) : () -> ()
      %scan3A_98 = arith.constant 0 : i32
      scf.yield %scan3A_98 : i32
    }
    %scan3A_47 = arith.constant 20 : i32
    %dma_wait3A_48 = arith.constant 39 : i32
    %dma_wait3A_49 = arith.constant 0 : i32
    %dma_wait3A_50 = tpu.memref_slice %arg7[%dma_wait3A_48, %dma_wait3A_49] : memref<40x128xi32, #tpu.memory_space<vmem>> -> memref<1x128xi32, #tpu.memory_space<vmem>>
    %dma_wait3A_51 = tpu.memref_squeeze %dma_wait3A_50 : memref<1x128xi32, #tpu.memory_space<vmem>> -> memref<128xi32, #tpu.memory_space<vmem>>
    %dma_wait3A_52 = arith.constant 0 : i32
    %dma_wait3A_53 = arith.constant 0 : i32
    %dma_wait3A_54 = tpu.memref_slice %arg4[%dma_wait3A_52, %dma_wait3A_53] : memref<10240x128xf32, #tpu.memory_space<hbm>> -> memref<10240x128xf32, #tpu.memory_space<hbm>>
    tpu.wait_indirect_dma semaphore(%arg12 : memref<!tpu.dma_semaphore, #tpu.memory_space<semaphore_mem>>) src(%dma_wait3A_54 : memref<10240x128xf32, #tpu.memory_space<hbm>>) dst(%arg9 : memref<128x128xf32, #tpu.memory_space<vmem>>)
    %barrier3A_55 = arith.constant 0 : index
    tpu.barrier barrier_id(%barrier3A_55)
    %scan3A_56 = arith.constant 0 : i32
    %scan3A_57 = arith.constant 0 : i32
    %scan3A_58 = arith.constant 16 : i32
    %scan3A_59 = arith.addi %scan3A_57, %scan3A_58 : i32
    %scan3A_60 = arith.constant 1 : i32
    %scan3A_61 = scf.for %scan3A_63 = %scan3A_57 to %scan3A_59 step %scan3A_60 iter_args(%scan3A_64 = %scan3A_56) -> (i32)  : i32 {
      %mul3A_65 = arith.constant 640 : i32
      %mul3A_66 = arith.muli %arg1, %mul3A_65 : i32
      %mul3A_67 = arith.constant 40 : i32
      %mul3A_68 = arith.muli %scan3A_63, %mul3A_67 : i32
      %add3A_69 = arith.addi %mul3A_66, %mul3A_68 : i32
      "tpu.region"() ({
        %run_scoped3A = tpu.sem_alloc : memref<!tpu.dma_semaphore, #tpu.memory_space<semaphore_mem>>
        %dma_start3A_71 = arith.constant 0 : i32
        %dma_start3A_72 = tpu.memref_slice %arg16[%add3A_69, %dma_start3A_71] : memref<10240x128xf32, #tpu.memory_space<vmem_shared>> -> memref<40x128xf32, #tpu.memory_space<vmem_shared>>
        %dma_start3A_73 = arith.constant 0 : i32
        %dma_start3A_74 = tpu.memref_slice %arg16[%add3A_69, %dma_start3A_73] : memref<10240x128xf32, #tpu.memory_space<vmem_shared>> -> memref<40x128xf32, #tpu.memory_space<vmem_shared>>
        tpu.enqueue_dma source(%dma_start3A_74 : memref<40x128xf32, #tpu.memory_space<vmem_shared>>) target(%arg11 : memref<40x128xf32, #tpu.memory_space<vmem>>) target_semaphore(%run_scoped3A : memref<!tpu.dma_semaphore, #tpu.memory_space<semaphore_mem>>)
        %dma_wait3A_75 = arith.constant 0 : i32
        %dma_wait3A_76 = tpu.memref_slice %arg16[%add3A_69, %dma_wait3A_75] : memref<10240x128xf32, #tpu.memory_space<vmem_shared>> -> memref<40x128xf32, #tpu.memory_space<vmem_shared>>
        %dma_wait3A_77 = arith.constant 0 : i32
        %dma_wait3A_78 = tpu.memref_slice %arg16[%add3A_69, %dma_wait3A_77] : memref<10240x128xf32, #tpu.memory_space<vmem_shared>> -> memref<40x128xf32, #tpu.memory_space<vmem_shared>>
        tpu.wait_dma2 semaphore(%run_scoped3A : memref<!tpu.dma_semaphore, #tpu.memory_space<semaphore_mem>>) src(%dma_wait3A_78 : memref<40x128xf32, #tpu.memory_space<vmem_shared>>) dst(%arg11 : memref<40x128xf32, #tpu.memory_space<vmem>>)
        tpu.yield
      }) : () -> ()
      "tpu.region"() ({
        %run_scoped3A = tpu.sem_alloc : memref<!tpu.dma_semaphore, #tpu.memory_space<semaphore_mem>>
        %dma_start3A_71 = arith.constant 0 : i32
        %dma_start3A_72 = tpu.memref_slice %arg6[%arg0, %add3A_69, %dma_start3A_71] : memref<2x10240x128xf32, #tpu.memory_space<hbm>> -> memref<1x40x128xf32, #tpu.memory_space<hbm>>
        %dma_start3A_73 = tpu.memref_squeeze %dma_start3A_72 : memref<1x40x128xf32, #tpu.memory_space<hbm>> -> memref<40x128xf32, #tpu.memory_space<hbm>>
        %dma_start3A_74 = arith.constant 0 : i32
        %dma_start3A_75 = tpu.memref_slice %arg6[%arg0, %add3A_69, %dma_start3A_74] : memref<2x10240x128xf32, #tpu.memory_space<hbm>> -> memref<1x40x128xf32, #tpu.memory_space<hbm>>
        %dma_start3A_76 = tpu.memref_squeeze %dma_start3A_75 : memref<1x40x128xf32, #tpu.memory_space<hbm>> -> memref<40x128xf32, #tpu.memory_space<hbm>>
        tpu.enqueue_dma source(%arg11 : memref<40x128xf32, #tpu.memory_space<vmem>>) target(%dma_start3A_76 : memref<40x128xf32, #tpu.memory_space<hbm>>) target_semaphore(%run_scoped3A : memref<!tpu.dma_semaphore, #tpu.memory_space<semaphore_mem>>)
        %dma_wait3A_77 = arith.constant 0 : i32
        %dma_wait3A_78 = tpu.memref_slice %arg6[%arg0, %add3A_69, %dma_wait3A_77] : memref<2x10240x128xf32, #tpu.memory_space<hbm>> -> memref<1x40x128xf32, #tpu.memory_space<hbm>>
        %dma_wait3A_79 = tpu.memref_squeeze %dma_wait3A_78 : memref<1x40x128xf32, #tpu.memory_space<hbm>> -> memref<40x128xf32, #tpu.memory_space<hbm>>
        %dma_wait3A_80 = arith.constant 0 : i32
        %dma_wait3A_81 = tpu.memref_slice %arg6[%arg0, %add3A_69, %dma_wait3A_80] : memref<2x10240x128xf32, #tpu.memory_space<hbm>> -> memref<1x40x128xf32, #tpu.memory_space<hbm>>
        %dma_wait3A_82 = tpu.memref_squeeze %dma_wait3A_81 : memref<1x40x128xf32, #tpu.memory_space<hbm>> -> memref<40x128xf32, #tpu.memory_space<hbm>>
        tpu.wait_dma2 semaphore(%run_scoped3A : memref<!tpu.dma_semaphore, #tpu.memory_space<semaphore_mem>>) src(%arg11 : memref<40x128xf32, #tpu.memory_space<vmem>>) dst(%dma_wait3A_82 : memref<40x128xf32, #tpu.memory_space<hbm>>)
        tpu.yield
      }) : () -> ()
      %scan3A_70 = arith.constant 0 : i32
      scf.yield %scan3A_70 : i32
    }
    %scan3A_62 = arith.constant 16 : i32
    return
  }
}

#map = affine_map<(d0, d1) -> (0, 0)>
#map1 = affine_map<(d0, d1) -> (0, 0, 0)>
module attributes {stable_mosaic.version = 14 : i64} {
  func.func @_prop_sc(%arg0: i32, %arg1: i32, %arg2: memref<2560x128xi32, #tpu.memory_space<hbm>>, %arg3: memref<2560x128xi32, #tpu.memory_space<hbm>>, %arg4: memref<10240x128xf32, #tpu.memory_space<hbm>>, %arg5: memref<40x128xf32, #tpu.memory_space<hbm>>, %arg6: memref<2x10240x128xf32, #tpu.memory_space<hbm>>, %arg7: memref<40x128xi32, #tpu.memory_space<vmem>>, %arg8: memref<40x128xi32, #tpu.memory_space<vmem>>, %arg9: memref<128x128xf32, #tpu.memory_space<vmem>>, %arg10: memref<128x128xf32, #tpu.memory_space<vmem>>, %arg11: memref<40x128xf32, #tpu.memory_space<vmem>>, %arg12: memref<!tpu.dma_semaphore, #tpu.memory_space<semaphore_mem>>, %arg13: memref<!tpu.dma_semaphore, #tpu.memory_space<semaphore_mem>>, %arg14: memref<!tpu.dma_semaphore, #tpu.memory_space<semaphore_mem>>, %arg15: memref<!tpu.dma_semaphore, #tpu.memory_space<semaphore_mem>>, %arg16: memref<10240x128xf32, #tpu.memory_space<vmem_shared>>) attributes {dimension_semantics = [#tpu.dimension_semantics<core_parallel>, #tpu.dimension_semantics<subcore_parallel>], iteration_bounds = array<i64: 2, 16>, scalar_prefetch = 0 : i64, scratch_operands = 10 : i64, tpu.core_type = #tpu.core_type<sc_vector_subcore>, window_params = [{transform_indices = #map}, {transform_indices = #map}, {transform_indices = #map}, {transform_indices = #map}, {transform_indices = #map1}]} {
    %mul3A = arith.constant 2 : i32
    %mul3A_0 = arith.muli %arg1, %mul3A : i32
    %add3A = arith.addi %mul3A_0, %arg0 : i32
    "tpu.region"() ({
      %run_scoped3A = tpu.sem_alloc : memref<!tpu.dma_semaphore, #tpu.memory_space<semaphore_mem>>
      tpu.enqueue_dma source(%arg5 : memref<40x128xf32, #tpu.memory_space<hbm>>) target(%arg11 : memref<40x128xf32, #tpu.memory_space<vmem>>) target_semaphore(%run_scoped3A : memref<!tpu.dma_semaphore, #tpu.memory_space<semaphore_mem>>)
      tpu.wait_dma2 semaphore(%run_scoped3A : memref<!tpu.dma_semaphore, #tpu.memory_space<semaphore_mem>>) src(%arg5 : memref<40x128xf32, #tpu.memory_space<hbm>>) dst(%arg11 : memref<40x128xf32, #tpu.memory_space<vmem>>)
      tpu.yield
    }) : () -> ()
    %scan3A = arith.constant 0 : i32
    %scan3A_1 = arith.constant 0 : i32
    %scan3A_2 = arith.constant 16 : i32
    %scan3A_3 = arith.addi %scan3A_1, %scan3A_2 : i32
    %scan3A_4 = arith.constant 1 : i32
    %scan3A_5 = scf.for %scan3A_63 = %scan3A_1 to %scan3A_3 step %scan3A_4 iter_args(%scan3A_64 = %scan3A) -> (i32)  : i32 {
      %mul3A_65 = arith.constant 640 : i32
      %mul3A_66 = arith.muli %arg1, %mul3A_65 : i32
      %mul3A_67 = arith.constant 40 : i32
      %mul3A_68 = arith.muli %scan3A_63, %mul3A_67 : i32
      %add3A_69 = arith.addi %mul3A_66, %mul3A_68 : i32
      "tpu.region"() ({
        %run_scoped3A = tpu.sem_alloc : memref<!tpu.dma_semaphore, #tpu.memory_space<semaphore_mem>>
        %dma_start3A_71 = arith.constant 0 : i32
        %dma_start3A_72 = tpu.memref_slice %arg16[%add3A_69, %dma_start3A_71] : memref<10240x128xf32, #tpu.memory_space<vmem_shared>> -> memref<40x128xf32, #tpu.memory_space<vmem_shared>>
        %dma_start3A_73 = arith.constant 0 : i32
        %dma_start3A_74 = tpu.memref_slice %arg16[%add3A_69, %dma_start3A_73] : memref<10240x128xf32, #tpu.memory_space<vmem_shared>> -> memref<40x128xf32, #tpu.memory_space<vmem_shared>>
        tpu.enqueue_dma source(%arg11 : memref<40x128xf32, #tpu.memory_space<vmem>>) target(%dma_start3A_74 : memref<40x128xf32, #tpu.memory_space<vmem_shared>>) target_semaphore(%run_scoped3A : memref<!tpu.dma_semaphore, #tpu.memory_space<semaphore_mem>>)
        %dma_wait3A_75 = arith.constant 0 : i32
        %dma_wait3A_76 = tpu.memref_slice %arg16[%add3A_69, %dma_wait3A_75] : memref<10240x128xf32, #tpu.memory_space<vmem_shared>> -> memref<40x128xf32, #tpu.memory_space<vmem_shared>>
        %dma_wait3A_77 = arith.constant 0 : i32
        %dma_wait3A_78 = tpu.memref_slice %arg16[%add3A_69, %dma_wait3A_77] : memref<10240x128xf32, #tpu.memory_space<vmem_shared>> -> memref<40x128xf32, #tpu.memory_space<vmem_shared>>
        tpu.wait_dma2 semaphore(%run_scoped3A : memref<!tpu.dma_semaphore, #tpu.memory_space<semaphore_mem>>) src(%arg11 : memref<40x128xf32, #tpu.memory_space<vmem>>) dst(%dma_wait3A_78 : memref<40x128xf32, #tpu.memory_space<vmem_shared>>)
        tpu.yield
      }) : () -> ()
      %scan3A_70 = arith.constant 0 : i32
      scf.yield %scan3A_70 : i32
    }
    %scan3A_6 = arith.constant 16 : i32
    %barrier3A = arith.constant 0 : index
    tpu.barrier barrier_id(%barrier3A)
    %mul3A_7 = arith.constant 80 : i32
    %mul3A_8 = arith.muli %add3A, %mul3A_7 : i32
    %add3A_9 = arith.constant 0 : i32
    %add3A_10 = arith.addi %mul3A_8, %add3A_9 : i32
    "tpu.region"() ({
      %run_scoped3A = tpu.sem_alloc : memref<!tpu.dma_semaphore, #tpu.memory_space<semaphore_mem>>
      %dma_start3A_63 = arith.constant 0 : i32
      %dma_start3A_64 = tpu.memref_slice %arg2[%add3A_10, %dma_start3A_63] : memref<2560x128xi32, #tpu.memory_space<hbm>> -> memref<40x128xi32, #tpu.memory_space<hbm>>
      %dma_start3A_65 = arith.constant 0 : i32
      %dma_start3A_66 = tpu.memref_slice %arg2[%add3A_10, %dma_start3A_65] : memref<2560x128xi32, #tpu.memory_space<hbm>> -> memref<40x128xi32, #tpu.memory_space<hbm>>
      tpu.enqueue_dma source(%dma_start3A_66 : memref<40x128xi32, #tpu.memory_space<hbm>>) target(%arg7 : memref<40x128xi32, #tpu.memory_space<vmem>>) target_semaphore(%run_scoped3A : memref<!tpu.dma_semaphore, #tpu.memory_space<semaphore_mem>>)
      %dma_wait3A_67 = arith.constant 0 : i32
      %dma_wait3A_68 = tpu.memref_slice %arg2[%add3A_10, %dma_wait3A_67] : memref<2560x128xi32, #tpu.memory_space<hbm>> -> memref<40x128xi32, #tpu.memory_space<hbm>>
      %dma_wait3A_69 = arith.constant 0 : i32
      %dma_wait3A_70 = tpu.memref_slice %arg2[%add3A_10, %dma_wait3A_69] : memref<2560x128xi32, #tpu.memory_space<hbm>> -> memref<40x128xi32, #tpu.memory_space<hbm>>
      tpu.wait_dma2 semaphore(%run_scoped3A : memref<!tpu.dma_semaphore, #tpu.memory_space<semaphore_mem>>) src(%dma_wait3A_70 : memref<40x128xi32, #tpu.memory_space<hbm>>) dst(%arg7 : memref<40x128xi32, #tpu.memory_space<vmem>>)
      tpu.yield
    }) : () -> ()
    "tpu.region"() ({
      %run_scoped3A = tpu.sem_alloc : memref<!tpu.dma_semaphore, #tpu.memory_space<semaphore_mem>>
      %dma_start3A_63 = arith.constant 0 : i32
      %dma_start3A_64 = tpu.memref_slice %arg3[%add3A_10, %dma_start3A_63] : memref<2560x128xi32, #tpu.memory_space<hbm>> -> memref<40x128xi32, #tpu.memory_space<hbm>>
      %dma_start3A_65 = arith.constant 0 : i32
      %dma_start3A_66 = tpu.memref_slice %arg3[%add3A_10, %dma_start3A_65] : memref<2560x128xi32, #tpu.memory_space<hbm>> -> memref<40x128xi32, #tpu.memory_space<hbm>>
      tpu.enqueue_dma source(%dma_start3A_66 : memref<40x128xi32, #tpu.memory_space<hbm>>) target(%arg8 : memref<40x128xi32, #tpu.memory_space<vmem>>) target_semaphore(%run_scoped3A : memref<!tpu.dma_semaphore, #tpu.memory_space<semaphore_mem>>)
      %dma_wait3A_67 = arith.constant 0 : i32
      %dma_wait3A_68 = tpu.memref_slice %arg3[%add3A_10, %dma_wait3A_67] : memref<2560x128xi32, #tpu.memory_space<hbm>> -> memref<40x128xi32, #tpu.memory_space<hbm>>
      %dma_wait3A_69 = arith.constant 0 : i32
      %dma_wait3A_70 = tpu.memref_slice %arg3[%add3A_10, %dma_wait3A_69] : memref<2560x128xi32, #tpu.memory_space<hbm>> -> memref<40x128xi32, #tpu.memory_space<hbm>>
      tpu.wait_dma2 semaphore(%run_scoped3A : memref<!tpu.dma_semaphore, #tpu.memory_space<semaphore_mem>>) src(%dma_wait3A_70 : memref<40x128xi32, #tpu.memory_space<hbm>>) dst(%arg8 : memref<40x128xi32, #tpu.memory_space<vmem>>)
      tpu.yield
    }) : () -> ()
    %dma_start3A = arith.constant 0 : i32
    %dma_start3A_11 = arith.constant 0 : i32
    %dma_start3A_12 = tpu.memref_slice %arg7[%dma_start3A, %dma_start3A_11] : memref<40x128xi32, #tpu.memory_space<vmem>> -> memref<1x128xi32, #tpu.memory_space<vmem>>
    %dma_start3A_13 = tpu.memref_squeeze %dma_start3A_12 : memref<1x128xi32, #tpu.memory_space<vmem>> -> memref<128xi32, #tpu.memory_space<vmem>>
    %dma_start3A_14 = arith.constant 0 : i32
    %dma_start3A_15 = arith.constant 0 : i32
    %dma_start3A_16 = tpu.memref_slice %arg4[%dma_start3A_14, %dma_start3A_15] : memref<10240x128xf32, #tpu.memory_space<hbm>> -> memref<10240x128xf32, #tpu.memory_space<hbm>>
    tpu.enqueue_indirect_dma source(%dma_start3A_16 : memref<10240x128xf32, #tpu.memory_space<hbm>>) target(%arg9 : memref<128x128xf32, #tpu.memory_space<vmem>>) offsets(%dma_start3A_13 : memref<128xi32, #tpu.memory_space<vmem>>) semaphore(%arg12 : memref<!tpu.dma_semaphore, #tpu.memory_space<semaphore_mem>>)
    %scan3A_17 = arith.constant 0 : i32
    %scan3A_18 = arith.constant 0 : i32
    %scan3A_19 = arith.constant 20 : i32
    %scan3A_20 = arith.addi %scan3A_18, %scan3A_19 : i32
    %scan3A_21 = arith.constant 1 : i32
    %scan3A_22 = scf.for %scan3A_63 = %scan3A_18 to %scan3A_20 step %scan3A_21 iter_args(%scan3A_64 = %scan3A_17) -> (i32)  : i32 {
      %mul3A_65 = arith.constant 2 : i32
      %mul3A_66 = arith.muli %mul3A_65, %scan3A_63 : i32
      %mul3A_67 = arith.constant 2 : i32
      %mul3A_68 = arith.muli %mul3A_67, %scan3A_63 : i32
      %add3A_69 = arith.constant 1 : i32
      %add3A_70 = arith.addi %mul3A_68, %add3A_69 : i32
      %add3A_71 = arith.constant 2 : i32
      %add3A_72 = arith.addi %mul3A_66, %add3A_71 : i32
      %min3A = arith.constant 39 : i32
      %min3A_73 = arith.minsi %add3A_72, %min3A : i32
      %dma_wait3A_74 = arith.constant 0 : i32
      %dma_wait3A_75 = tpu.memref_slice %arg7[%mul3A_66, %dma_wait3A_74] : memref<40x128xi32, #tpu.memory_space<vmem>> -> memref<1x128xi32, #tpu.memory_space<vmem>>
      %dma_wait3A_76 = tpu.memref_squeeze %dma_wait3A_75 : memref<1x128xi32, #tpu.memory_space<vmem>> -> memref<128xi32, #tpu.memory_space<vmem>>
      %dma_wait3A_77 = arith.constant 0 : i32
      %dma_wait3A_78 = arith.constant 0 : i32
      %dma_wait3A_79 = tpu.memref_slice %arg4[%dma_wait3A_77, %dma_wait3A_78] : memref<10240x128xf32, #tpu.memory_space<hbm>> -> memref<10240x128xf32, #tpu.memory_space<hbm>>
      tpu.wait_indirect_dma semaphore(%arg12 : memref<!tpu.dma_semaphore, #tpu.memory_space<semaphore_mem>>) src(%dma_wait3A_79 : memref<10240x128xf32, #tpu.memory_space<hbm>>) dst(%arg9 : memref<128x128xf32, #tpu.memory_space<vmem>>)
      %dma_start3A_80 = arith.constant 0 : i32
      %dma_start3A_81 = tpu.memref_slice %arg7[%add3A_70, %dma_start3A_80] : memref<40x128xi32, #tpu.memory_space<vmem>> -> memref<1x128xi32, #tpu.memory_space<vmem>>
      %dma_start3A_82 = tpu.memref_squeeze %dma_start3A_81 : memref<1x128xi32, #tpu.memory_space<vmem>> -> memref<128xi32, #tpu.memory_space<vmem>>
      %dma_start3A_83 = arith.constant 0 : i32
      %dma_start3A_84 = arith.constant 0 : i32
      %dma_start3A_85 = tpu.memref_slice %arg4[%dma_start3A_83, %dma_start3A_84] : memref<10240x128xf32, #tpu.memory_space<hbm>> -> memref<10240x128xf32, #tpu.memory_space<hbm>>
      tpu.enqueue_indirect_dma source(%dma_start3A_85 : memref<10240x128xf32, #tpu.memory_space<hbm>>) target(%arg10 : memref<128x128xf32, #tpu.memory_space<vmem>>) offsets(%dma_start3A_82 : memref<128xi32, #tpu.memory_space<vmem>>) semaphore(%arg13 : memref<!tpu.dma_semaphore, #tpu.memory_space<semaphore_mem>>)
      "tpu.region"() ({
        %run_scoped3A = tpu.sem_alloc : memref<!tpu.dma_semaphore, #tpu.memory_space<semaphore_mem>>
        %dma_start3A_99 = arith.constant 0 : i32
        %dma_start3A_100 = tpu.memref_slice %arg8[%mul3A_66, %dma_start3A_99] : memref<40x128xi32, #tpu.memory_space<vmem>> -> memref<1x128xi32, #tpu.memory_space<vmem>>
        %dma_start3A_101 = tpu.memref_squeeze %dma_start3A_100 : memref<1x128xi32, #tpu.memory_space<vmem>> -> memref<128xi32, #tpu.memory_space<vmem>>
        %dma_start3A_102 = arith.constant 0 : i32
        %dma_start3A_103 = arith.constant 0 : i32
        %dma_start3A_104 = tpu.memref_slice %arg16[%dma_start3A_102, %dma_start3A_103] : memref<10240x128xf32, #tpu.memory_space<vmem_shared>> -> memref<10240x128xf32, #tpu.memory_space<vmem_shared>>
        tpu.enqueue_indirect_dma source(%arg9 : memref<128x128xf32, #tpu.memory_space<vmem>>) target(%dma_start3A_104 : memref<10240x128xf32, #tpu.memory_space<vmem_shared>>) offsets(%dma_start3A_101 : memref<128xi32, #tpu.memory_space<vmem>>) semaphore(%run_scoped3A : memref<!tpu.dma_semaphore, #tpu.memory_space<semaphore_mem>>) {add = true}
        %dma_wait3A_105 = arith.constant 0 : i32
        %dma_wait3A_106 = tpu.memref_slice %arg8[%mul3A_66, %dma_wait3A_105] : memref<40x128xi32, #tpu.memory_space<vmem>> -> memref<1x128xi32, #tpu.memory_space<vmem>>
        %dma_wait3A_107 = tpu.memref_squeeze %dma_wait3A_106 : memref<1x128xi32, #tpu.memory_space<vmem>> -> memref<128xi32, #tpu.memory_space<vmem>>
        %dma_wait3A_108 = arith.constant 0 : i32
        %dma_wait3A_109 = arith.constant 0 : i32
        %dma_wait3A_110 = tpu.memref_slice %arg16[%dma_wait3A_108, %dma_wait3A_109] : memref<10240x128xf32, #tpu.memory_space<vmem_shared>> -> memref<10240x128xf32, #tpu.memory_space<vmem_shared>>
        tpu.wait_indirect_dma semaphore(%run_scoped3A : memref<!tpu.dma_semaphore, #tpu.memory_space<semaphore_mem>>) src(%arg9 : memref<128x128xf32, #tpu.memory_space<vmem>>) dst(%dma_wait3A_110 : memref<10240x128xf32, #tpu.memory_space<vmem_shared>>)
        tpu.yield
      }) : () -> ()
      %dma_wait3A_86 = arith.constant 0 : i32
      %dma_wait3A_87 = tpu.memref_slice %arg7[%add3A_70, %dma_wait3A_86] : memref<40x128xi32, #tpu.memory_space<vmem>> -> memref<1x128xi32, #tpu.memory_space<vmem>>
      %dma_wait3A_88 = tpu.memref_squeeze %dma_wait3A_87 : memref<1x128xi32, #tpu.memory_space<vmem>> -> memref<128xi32, #tpu.memory_space<vmem>>
      %dma_wait3A_89 = arith.constant 0 : i32
      %dma_wait3A_90 = arith.constant 0 : i32
      %dma_wait3A_91 = tpu.memref_slice %arg4[%dma_wait3A_89, %dma_wait3A_90] : memref<10240x128xf32, #tpu.memory_space<hbm>> -> memref<10240x128xf32, #tpu.memory_space<hbm>>
      tpu.wait_indirect_dma semaphore(%arg13 : memref<!tpu.dma_semaphore, #tpu.memory_space<semaphore_mem>>) src(%dma_wait3A_91 : memref<10240x128xf32, #tpu.memory_space<hbm>>) dst(%arg10 : memref<128x128xf32, #tpu.memory_space<vmem>>)
      %dma_start3A_92 = arith.constant 0 : i32
      %dma_start3A_93 = tpu.memref_slice %arg7[%min3A_73, %dma_start3A_92] : memref<40x128xi32, #tpu.memory_space<vmem>> -> memref<1x128xi32, #tpu.memory_space<vmem>>
      %dma_start3A_94 = tpu.memref_squeeze %dma_start3A_93 : memref<1x128xi32, #tpu.memory_space<vmem>> -> memref<128xi32, #tpu.memory_space<vmem>>
      %dma_start3A_95 = arith.constant 0 : i32
      %dma_start3A_96 = arith.constant 0 : i32
      %dma_start3A_97 = tpu.memref_slice %arg4[%dma_start3A_95, %dma_start3A_96] : memref<10240x128xf32, #tpu.memory_space<hbm>> -> memref<10240x128xf32, #tpu.memory_space<hbm>>
      tpu.enqueue_indirect_dma source(%dma_start3A_97 : memref<10240x128xf32, #tpu.memory_space<hbm>>) target(%arg9 : memref<128x128xf32, #tpu.memory_space<vmem>>) offsets(%dma_start3A_94 : memref<128xi32, #tpu.memory_space<vmem>>) semaphore(%arg12 : memref<!tpu.dma_semaphore, #tpu.memory_space<semaphore_mem>>)
      "tpu.region"() ({
        %run_scoped3A = tpu.sem_alloc : memref<!tpu.dma_semaphore, #tpu.memory_space<semaphore_mem>>
        %dma_start3A_99 = arith.constant 0 : i32
        %dma_start3A_100 = tpu.memref_slice %arg8[%add3A_70, %dma_start3A_99] : memref<40x128xi32, #tpu.memory_space<vmem>> -> memref<1x128xi32, #tpu.memory_space<vmem>>
        %dma_start3A_101 = tpu.memref_squeeze %dma_start3A_100 : memref<1x128xi32, #tpu.memory_space<vmem>> -> memref<128xi32, #tpu.memory_space<vmem>>
        %dma_start3A_102 = arith.constant 0 : i32
        %dma_start3A_103 = arith.constant 0 : i32
        %dma_start3A_104 = tpu.memref_slice %arg16[%dma_start3A_102, %dma_start3A_103] : memref<10240x128xf32, #tpu.memory_space<vmem_shared>> -> memref<10240x128xf32, #tpu.memory_space<vmem_shared>>
        tpu.enqueue_indirect_dma source(%arg10 : memref<128x128xf32, #tpu.memory_space<vmem>>) target(%dma_start3A_104 : memref<10240x128xf32, #tpu.memory_space<vmem_shared>>) offsets(%dma_start3A_101 : memref<128xi32, #tpu.memory_space<vmem>>) semaphore(%run_scoped3A : memref<!tpu.dma_semaphore, #tpu.memory_space<semaphore_mem>>) {add = true}
        %dma_wait3A_105 = arith.constant 0 : i32
        %dma_wait3A_106 = tpu.memref_slice %arg8[%add3A_70, %dma_wait3A_105] : memref<40x128xi32, #tpu.memory_space<vmem>> -> memref<1x128xi32, #tpu.memory_space<vmem>>
        %dma_wait3A_107 = tpu.memref_squeeze %dma_wait3A_106 : memref<1x128xi32, #tpu.memory_space<vmem>> -> memref<128xi32, #tpu.memory_space<vmem>>
        %dma_wait3A_108 = arith.constant 0 : i32
        %dma_wait3A_109 = arith.constant 0 : i32
        %dma_wait3A_110 = tpu.memref_slice %arg16[%dma_wait3A_108, %dma_wait3A_109] : memref<10240x128xf32, #tpu.memory_space<vmem_shared>> -> memref<10240x128xf32, #tpu.memory_space<vmem_shared>>
        tpu.wait_indirect_dma semaphore(%run_scoped3A : memref<!tpu.dma_semaphore, #tpu.memory_space<semaphore_mem>>) src(%arg10 : memref<128x128xf32, #tpu.memory_space<vmem>>) dst(%dma_wait3A_110 : memref<10240x128xf32, #tpu.memory_space<vmem_shared>>)
        tpu.yield
      }) : () -> ()
      %scan3A_98 = arith.constant 0 : i32
      scf.yield %scan3A_98 : i32
    }
    %scan3A_23 = arith.constant 20 : i32
    %dma_wait3A = arith.constant 39 : i32
    %dma_wait3A_24 = arith.constant 0 : i32
    %dma_wait3A_25 = tpu.memref_slice %arg7[%dma_wait3A, %dma_wait3A_24] : memref<40x128xi32, #tpu.memory_space<vmem>> -> memref<1x128xi32, #tpu.memory_space<vmem>>
    %dma_wait3A_26 = tpu.memref_squeeze %dma_wait3A_25 : memref<1x128xi32, #tpu.memory_space<vmem>> -> memref<128xi32, #tpu.memory_space<vmem>>
    %dma_wait3A_27 = arith.constant 0 : i32
    %dma_wait3A_28 = arith.constant 0 : i32
    %dma_wait3A_29 = tpu.memref_slice %arg4[%dma_wait3A_27, %dma_wait3A_28] : memref<10240x128xf32, #tpu.memory_space<hbm>> -> memref<10240x128xf32, #tpu.memory_space<hbm>>
    tpu.wait_indirect_dma semaphore(%arg12 : memref<!tpu.dma_semaphore, #tpu.memory_space<semaphore_mem>>) src(%dma_wait3A_29 : memref<10240x128xf32, #tpu.memory_space<hbm>>) dst(%arg9 : memref<128x128xf32, #tpu.memory_space<vmem>>)
    %mul3A_30 = arith.constant 80 : i32
    %mul3A_31 = arith.muli %add3A, %mul3A_30 : i32
    %add3A_32 = arith.constant 40 : i32
    %add3A_33 = arith.addi %mul3A_31, %add3A_32 : i32
    "tpu.region"() ({
      %run_scoped3A = tpu.sem_alloc : memref<!tpu.dma_semaphore, #tpu.memory_space<semaphore_mem>>
      %dma_start3A_63 = arith.constant 0 : i32
      %dma_start3A_64 = tpu.memref_slice %arg2[%add3A_33, %dma_start3A_63] : memref<2560x128xi32, #tpu.memory_space<hbm>> -> memref<40x128xi32, #tpu.memory_space<hbm>>
      %dma_start3A_65 = arith.constant 0 : i32
      %dma_start3A_66 = tpu.memref_slice %arg2[%add3A_33, %dma_start3A_65] : memref<2560x128xi32, #tpu.memory_space<hbm>> -> memref<40x128xi32, #tpu.memory_space<hbm>>
      tpu.enqueue_dma source(%dma_start3A_66 : memref<40x128xi32, #tpu.memory_space<hbm>>) target(%arg7 : memref<40x128xi32, #tpu.memory_space<vmem>>) target_semaphore(%run_scoped3A : memref<!tpu.dma_semaphore, #tpu.memory_space<semaphore_mem>>)
      %dma_wait3A_67 = arith.constant 0 : i32
      %dma_wait3A_68 = tpu.memref_slice %arg2[%add3A_33, %dma_wait3A_67] : memref<2560x128xi32, #tpu.memory_space<hbm>> -> memref<40x128xi32, #tpu.memory_space<hbm>>
      %dma_wait3A_69 = arith.constant 0 : i32
      %dma_wait3A_70 = tpu.memref_slice %arg2[%add3A_33, %dma_wait3A_69] : memref<2560x128xi32, #tpu.memory_space<hbm>> -> memref<40x128xi32, #tpu.memory_space<hbm>>
      tpu.wait_dma2 semaphore(%run_scoped3A : memref<!tpu.dma_semaphore, #tpu.memory_space<semaphore_mem>>) src(%dma_wait3A_70 : memref<40x128xi32, #tpu.memory_space<hbm>>) dst(%arg7 : memref<40x128xi32, #tpu.memory_space<vmem>>)
      tpu.yield
    }) : () -> ()
    "tpu.region"() ({
      %run_scoped3A = tpu.sem_alloc : memref<!tpu.dma_semaphore, #tpu.memory_space<semaphore_mem>>
      %dma_start3A_63 = arith.constant 0 : i32
      %dma_start3A_64 = tpu.memref_slice %arg3[%add3A_33, %dma_start3A_63] : memref<2560x128xi32, #tpu.memory_space<hbm>> -> memref<40x128xi32, #tpu.memory_space<hbm>>
      %dma_start3A_65 = arith.constant 0 : i32
      %dma_start3A_66 = tpu.memref_slice %arg3[%add3A_33, %dma_start3A_65] : memref<2560x128xi32, #tpu.memory_space<hbm>> -> memref<40x128xi32, #tpu.memory_space<hbm>>
      tpu.enqueue_dma source(%dma_start3A_66 : memref<40x128xi32, #tpu.memory_space<hbm>>) target(%arg8 : memref<40x128xi32, #tpu.memory_space<vmem>>) target_semaphore(%run_scoped3A : memref<!tpu.dma_semaphore, #tpu.memory_space<semaphore_mem>>)
      %dma_wait3A_67 = arith.constant 0 : i32
      %dma_wait3A_68 = tpu.memref_slice %arg3[%add3A_33, %dma_wait3A_67] : memref<2560x128xi32, #tpu.memory_space<hbm>> -> memref<40x128xi32, #tpu.memory_space<hbm>>
      %dma_wait3A_69 = arith.constant 0 : i32
      %dma_wait3A_70 = tpu.memref_slice %arg3[%add3A_33, %dma_wait3A_69] : memref<2560x128xi32, #tpu.memory_space<hbm>> -> memref<40x128xi32, #tpu.memory_space<hbm>>
      tpu.wait_dma2 semaphore(%run_scoped3A : memref<!tpu.dma_semaphore, #tpu.memory_space<semaphore_mem>>) src(%dma_wait3A_70 : memref<40x128xi32, #tpu.memory_space<hbm>>) dst(%arg8 : memref<40x128xi32, #tpu.memory_space<vmem>>)
      tpu.yield
    }) : () -> ()
    %dma_start3A_34 = arith.constant 0 : i32
    %dma_start3A_35 = arith.constant 0 : i32
    %dma_start3A_36 = tpu.memref_slice %arg7[%dma_start3A_34, %dma_start3A_35] : memref<40x128xi32, #tpu.memory_space<vmem>> -> memref<1x128xi32, #tpu.memory_space<vmem>>
    %dma_start3A_37 = tpu.memref_squeeze %dma_start3A_36 : memref<1x128xi32, #tpu.memory_space<vmem>> -> memref<128xi32, #tpu.memory_space<vmem>>
    %dma_start3A_38 = arith.constant 0 : i32
    %dma_start3A_39 = arith.constant 0 : i32
    %dma_start3A_40 = tpu.memref_slice %arg4[%dma_start3A_38, %dma_start3A_39] : memref<10240x128xf32, #tpu.memory_space<hbm>> -> memref<10240x128xf32, #tpu.memory_space<hbm>>
    tpu.enqueue_indirect_dma source(%dma_start3A_40 : memref<10240x128xf32, #tpu.memory_space<hbm>>) target(%arg9 : memref<128x128xf32, #tpu.memory_space<vmem>>) offsets(%dma_start3A_37 : memref<128xi32, #tpu.memory_space<vmem>>) semaphore(%arg12 : memref<!tpu.dma_semaphore, #tpu.memory_space<semaphore_mem>>)
    %scan3A_41 = arith.constant 0 : i32
    %scan3A_42 = arith.constant 0 : i32
    %scan3A_43 = arith.constant 20 : i32
    %scan3A_44 = arith.addi %scan3A_42, %scan3A_43 : i32
    %scan3A_45 = arith.constant 1 : i32
    %scan3A_46 = scf.for %scan3A_63 = %scan3A_42 to %scan3A_44 step %scan3A_45 iter_args(%scan3A_64 = %scan3A_41) -> (i32)  : i32 {
      %mul3A_65 = arith.constant 2 : i32
      %mul3A_66 = arith.muli %mul3A_65, %scan3A_63 : i32
      %mul3A_67 = arith.constant 2 : i32
      %mul3A_68 = arith.muli %mul3A_67, %scan3A_63 : i32
      %add3A_69 = arith.constant 1 : i32
      %add3A_70 = arith.addi %mul3A_68, %add3A_69 : i32
      %add3A_71 = arith.constant 2 : i32
      %add3A_72 = arith.addi %mul3A_66, %add3A_71 : i32
      %min3A = arith.constant 39 : i32
      %min3A_73 = arith.minsi %add3A_72, %min3A : i32
      %dma_wait3A_74 = arith.constant 0 : i32
      %dma_wait3A_75 = tpu.memref_slice %arg7[%mul3A_66, %dma_wait3A_74] : memref<40x128xi32, #tpu.memory_space<vmem>> -> memref<1x128xi32, #tpu.memory_space<vmem>>
      %dma_wait3A_76 = tpu.memref_squeeze %dma_wait3A_75 : memref<1x128xi32, #tpu.memory_space<vmem>> -> memref<128xi32, #tpu.memory_space<vmem>>
      %dma_wait3A_77 = arith.constant 0 : i32
      %dma_wait3A_78 = arith.constant 0 : i32
      %dma_wait3A_79 = tpu.memref_slice %arg4[%dma_wait3A_77, %dma_wait3A_78] : memref<10240x128xf32, #tpu.memory_space<hbm>> -> memref<10240x128xf32, #tpu.memory_space<hbm>>
      tpu.wait_indirect_dma semaphore(%arg12 : memref<!tpu.dma_semaphore, #tpu.memory_space<semaphore_mem>>) src(%dma_wait3A_79 : memref<10240x128xf32, #tpu.memory_space<hbm>>) dst(%arg9 : memref<128x128xf32, #tpu.memory_space<vmem>>)
      %dma_start3A_80 = arith.constant 0 : i32
      %dma_start3A_81 = tpu.memref_slice %arg7[%add3A_70, %dma_start3A_80] : memref<40x128xi32, #tpu.memory_space<vmem>> -> memref<1x128xi32, #tpu.memory_space<vmem>>
      %dma_start3A_82 = tpu.memref_squeeze %dma_start3A_81 : memref<1x128xi32, #tpu.memory_space<vmem>> -> memref<128xi32, #tpu.memory_space<vmem>>
      %dma_start3A_83 = arith.constant 0 : i32
      %dma_start3A_84 = arith.constant 0 : i32
      %dma_start3A_85 = tpu.memref_slice %arg4[%dma_start3A_83, %dma_start3A_84] : memref<10240x128xf32, #tpu.memory_space<hbm>> -> memref<10240x128xf32, #tpu.memory_space<hbm>>
      tpu.enqueue_indirect_dma source(%dma_start3A_85 : memref<10240x128xf32, #tpu.memory_space<hbm>>) target(%arg10 : memref<128x128xf32, #tpu.memory_space<vmem>>) offsets(%dma_start3A_82 : memref<128xi32, #tpu.memory_space<vmem>>) semaphore(%arg13 : memref<!tpu.dma_semaphore, #tpu.memory_space<semaphore_mem>>)
      "tpu.region"() ({
        %run_scoped3A = tpu.sem_alloc : memref<!tpu.dma_semaphore, #tpu.memory_space<semaphore_mem>>
        %dma_start3A_99 = arith.constant 0 : i32
        %dma_start3A_100 = tpu.memref_slice %arg8[%mul3A_66, %dma_start3A_99] : memref<40x128xi32, #tpu.memory_space<vmem>> -> memref<1x128xi32, #tpu.memory_space<vmem>>
        %dma_start3A_101 = tpu.memref_squeeze %dma_start3A_100 : memref<1x128xi32, #tpu.memory_space<vmem>> -> memref<128xi32, #tpu.memory_space<vmem>>
        %dma_start3A_102 = arith.constant 0 : i32
        %dma_start3A_103 = arith.constant 0 : i32
        %dma_start3A_104 = tpu.memref_slice %arg16[%dma_start3A_102, %dma_start3A_103] : memref<10240x128xf32, #tpu.memory_space<vmem_shared>> -> memref<10240x128xf32, #tpu.memory_space<vmem_shared>>
        tpu.enqueue_indirect_dma source(%arg9 : memref<128x128xf32, #tpu.memory_space<vmem>>) target(%dma_start3A_104 : memref<10240x128xf32, #tpu.memory_space<vmem_shared>>) offsets(%dma_start3A_101 : memref<128xi32, #tpu.memory_space<vmem>>) semaphore(%run_scoped3A : memref<!tpu.dma_semaphore, #tpu.memory_space<semaphore_mem>>) {add = true}
        %dma_wait3A_105 = arith.constant 0 : i32
        %dma_wait3A_106 = tpu.memref_slice %arg8[%mul3A_66, %dma_wait3A_105] : memref<40x128xi32, #tpu.memory_space<vmem>> -> memref<1x128xi32, #tpu.memory_space<vmem>>
        %dma_wait3A_107 = tpu.memref_squeeze %dma_wait3A_106 : memref<1x128xi32, #tpu.memory_space<vmem>> -> memref<128xi32, #tpu.memory_space<vmem>>
        %dma_wait3A_108 = arith.constant 0 : i32
        %dma_wait3A_109 = arith.constant 0 : i32
        %dma_wait3A_110 = tpu.memref_slice %arg16[%dma_wait3A_108, %dma_wait3A_109] : memref<10240x128xf32, #tpu.memory_space<vmem_shared>> -> memref<10240x128xf32, #tpu.memory_space<vmem_shared>>
        tpu.wait_indirect_dma semaphore(%run_scoped3A : memref<!tpu.dma_semaphore, #tpu.memory_space<semaphore_mem>>) src(%arg9 : memref<128x128xf32, #tpu.memory_space<vmem>>) dst(%dma_wait3A_110 : memref<10240x128xf32, #tpu.memory_space<vmem_shared>>)
        tpu.yield
      }) : () -> ()
      %dma_wait3A_86 = arith.constant 0 : i32
      %dma_wait3A_87 = tpu.memref_slice %arg7[%add3A_70, %dma_wait3A_86] : memref<40x128xi32, #tpu.memory_space<vmem>> -> memref<1x128xi32, #tpu.memory_space<vmem>>
      %dma_wait3A_88 = tpu.memref_squeeze %dma_wait3A_87 : memref<1x128xi32, #tpu.memory_space<vmem>> -> memref<128xi32, #tpu.memory_space<vmem>>
      %dma_wait3A_89 = arith.constant 0 : i32
      %dma_wait3A_90 = arith.constant 0 : i32
      %dma_wait3A_91 = tpu.memref_slice %arg4[%dma_wait3A_89, %dma_wait3A_90] : memref<10240x128xf32, #tpu.memory_space<hbm>> -> memref<10240x128xf32, #tpu.memory_space<hbm>>
      tpu.wait_indirect_dma semaphore(%arg13 : memref<!tpu.dma_semaphore, #tpu.memory_space<semaphore_mem>>) src(%dma_wait3A_91 : memref<10240x128xf32, #tpu.memory_space<hbm>>) dst(%arg10 : memref<128x128xf32, #tpu.memory_space<vmem>>)
      %dma_start3A_92 = arith.constant 0 : i32
      %dma_start3A_93 = tpu.memref_slice %arg7[%min3A_73, %dma_start3A_92] : memref<40x128xi32, #tpu.memory_space<vmem>> -> memref<1x128xi32, #tpu.memory_space<vmem>>
      %dma_start3A_94 = tpu.memref_squeeze %dma_start3A_93 : memref<1x128xi32, #tpu.memory_space<vmem>> -> memref<128xi32, #tpu.memory_space<vmem>>
      %dma_start3A_95 = arith.constant 0 : i32
      %dma_start3A_96 = arith.constant 0 : i32
      %dma_start3A_97 = tpu.memref_slice %arg4[%dma_start3A_95, %dma_start3A_96] : memref<10240x128xf32, #tpu.memory_space<hbm>> -> memref<10240x128xf32, #tpu.memory_space<hbm>>
      tpu.enqueue_indirect_dma source(%dma_start3A_97 : memref<10240x128xf32, #tpu.memory_space<hbm>>) target(%arg9 : memref<128x128xf32, #tpu.memory_space<vmem>>) offsets(%dma_start3A_94 : memref<128xi32, #tpu.memory_space<vmem>>) semaphore(%arg12 : memref<!tpu.dma_semaphore, #tpu.memory_space<semaphore_mem>>)
      "tpu.region"() ({
        %run_scoped3A = tpu.sem_alloc : memref<!tpu.dma_semaphore, #tpu.memory_space<semaphore_mem>>
        %dma_start3A_99 = arith.constant 0 : i32
        %dma_start3A_100 = tpu.memref_slice %arg8[%add3A_70, %dma_start3A_99] : memref<40x128xi32, #tpu.memory_space<vmem>> -> memref<1x128xi32, #tpu.memory_space<vmem>>
        %dma_start3A_101 = tpu.memref_squeeze %dma_start3A_100 : memref<1x128xi32, #tpu.memory_space<vmem>> -> memref<128xi32, #tpu.memory_space<vmem>>
        %dma_start3A_102 = arith.constant 0 : i32
        %dma_start3A_103 = arith.constant 0 : i32
        %dma_start3A_104 = tpu.memref_slice %arg16[%dma_start3A_102, %dma_start3A_103] : memref<10240x128xf32, #tpu.memory_space<vmem_shared>> -> memref<10240x128xf32, #tpu.memory_space<vmem_shared>>
        tpu.enqueue_indirect_dma source(%arg10 : memref<128x128xf32, #tpu.memory_space<vmem>>) target(%dma_start3A_104 : memref<10240x128xf32, #tpu.memory_space<vmem_shared>>) offsets(%dma_start3A_101 : memref<128xi32, #tpu.memory_space<vmem>>) semaphore(%run_scoped3A : memref<!tpu.dma_semaphore, #tpu.memory_space<semaphore_mem>>) {add = true}
        %dma_wait3A_105 = arith.constant 0 : i32
        %dma_wait3A_106 = tpu.memref_slice %arg8[%add3A_70, %dma_wait3A_105] : memref<40x128xi32, #tpu.memory_space<vmem>> -> memref<1x128xi32, #tpu.memory_space<vmem>>
        %dma_wait3A_107 = tpu.memref_squeeze %dma_wait3A_106 : memref<1x128xi32, #tpu.memory_space<vmem>> -> memref<128xi32, #tpu.memory_space<vmem>>
        %dma_wait3A_108 = arith.constant 0 : i32
        %dma_wait3A_109 = arith.constant 0 : i32
        %dma_wait3A_110 = tpu.memref_slice %arg16[%dma_wait3A_108, %dma_wait3A_109] : memref<10240x128xf32, #tpu.memory_space<vmem_shared>> -> memref<10240x128xf32, #tpu.memory_space<vmem_shared>>
        tpu.wait_indirect_dma semaphore(%run_scoped3A : memref<!tpu.dma_semaphore, #tpu.memory_space<semaphore_mem>>) src(%arg10 : memref<128x128xf32, #tpu.memory_space<vmem>>) dst(%dma_wait3A_110 : memref<10240x128xf32, #tpu.memory_space<vmem_shared>>)
        tpu.yield
      }) : () -> ()
      %scan3A_98 = arith.constant 0 : i32
      scf.yield %scan3A_98 : i32
    }
    %scan3A_47 = arith.constant 20 : i32
    %dma_wait3A_48 = arith.constant 39 : i32
    %dma_wait3A_49 = arith.constant 0 : i32
    %dma_wait3A_50 = tpu.memref_slice %arg7[%dma_wait3A_48, %dma_wait3A_49] : memref<40x128xi32, #tpu.memory_space<vmem>> -> memref<1x128xi32, #tpu.memory_space<vmem>>
    %dma_wait3A_51 = tpu.memref_squeeze %dma_wait3A_50 : memref<1x128xi32, #tpu.memory_space<vmem>> -> memref<128xi32, #tpu.memory_space<vmem>>
    %dma_wait3A_52 = arith.constant 0 : i32
    %dma_wait3A_53 = arith.constant 0 : i32
    %dma_wait3A_54 = tpu.memref_slice %arg4[%dma_wait3A_52, %dma_wait3A_53] : memref<10240x128xf32, #tpu.memory_space<hbm>> -> memref<10240x128xf32, #tpu.memory_space<hbm>>
    tpu.wait_indirect_dma semaphore(%arg12 : memref<!tpu.dma_semaphore, #tpu.memory_space<semaphore_mem>>) src(%dma_wait3A_54 : memref<10240x128xf32, #tpu.memory_space<hbm>>) dst(%arg9 : memref<128x128xf32, #tpu.memory_space<vmem>>)
    %barrier3A_55 = arith.constant 0 : index
    tpu.barrier barrier_id(%barrier3A_55)
    %scan3A_56 = arith.constant 0 : i32
    %scan3A_57 = arith.constant 0 : i32
    %scan3A_58 = arith.constant 16 : i32
    %scan3A_59 = arith.addi %scan3A_57, %scan3A_58 : i32
    %scan3A_60 = arith.constant 1 : i32
    %scan3A_61 = scf.for %scan3A_63 = %scan3A_57 to %scan3A_59 step %scan3A_60 iter_args(%scan3A_64 = %scan3A_56) -> (i32)  : i32 {
      %mul3A_65 = arith.constant 640 : i32
      %mul3A_66 = arith.muli %arg1, %mul3A_65 : i32
      %mul3A_67 = arith.constant 40 : i32
      %mul3A_68 = arith.muli %scan3A_63, %mul3A_67 : i32
      %add3A_69 = arith.addi %mul3A_66, %mul3A_68 : i32
      "tpu.region"() ({
        %run_scoped3A = tpu.sem_alloc : memref<!tpu.dma_semaphore, #tpu.memory_space<semaphore_mem>>
        %dma_start3A_71 = arith.constant 0 : i32
        %dma_start3A_72 = tpu.memref_slice %arg16[%add3A_69, %dma_start3A_71] : memref<10240x128xf32, #tpu.memory_space<vmem_shared>> -> memref<40x128xf32, #tpu.memory_space<vmem_shared>>
        %dma_start3A_73 = arith.constant 0 : i32
        %dma_start3A_74 = tpu.memref_slice %arg16[%add3A_69, %dma_start3A_73] : memref<10240x128xf32, #tpu.memory_space<vmem_shared>> -> memref<40x128xf32, #tpu.memory_space<vmem_shared>>
        tpu.enqueue_dma source(%dma_start3A_74 : memref<40x128xf32, #tpu.memory_space<vmem_shared>>) target(%arg11 : memref<40x128xf32, #tpu.memory_space<vmem>>) target_semaphore(%run_scoped3A : memref<!tpu.dma_semaphore, #tpu.memory_space<semaphore_mem>>)
        %dma_wait3A_75 = arith.constant 0 : i32
        %dma_wait3A_76 = tpu.memref_slice %arg16[%add3A_69, %dma_wait3A_75] : memref<10240x128xf32, #tpu.memory_space<vmem_shared>> -> memref<40x128xf32, #tpu.memory_space<vmem_shared>>
        %dma_wait3A_77 = arith.constant 0 : i32
        %dma_wait3A_78 = tpu.memref_slice %arg16[%add3A_69, %dma_wait3A_77] : memref<10240x128xf32, #tpu.memory_space<vmem_shared>> -> memref<40x128xf32, #tpu.memory_space<vmem_shared>>
        tpu.wait_dma2 semaphore(%run_scoped3A : memref<!tpu.dma_semaphore, #tpu.memory_space<semaphore_mem>>) src(%dma_wait3A_78 : memref<40x128xf32, #tpu.memory_space<vmem_shared>>) dst(%arg11 : memref<40x128xf32, #tpu.memory_space<vmem>>)
        tpu.yield
      }) : () -> ()
      "tpu.region"() ({
        %run_scoped3A = tpu.sem_alloc : memref<!tpu.dma_semaphore, #tpu.memory_space<semaphore_mem>>
        %dma_start3A_71 = arith.constant 0 : i32
        %dma_start3A_72 = tpu.memref_slice %arg6[%arg0, %add3A_69, %dma_start3A_71] : memref<2x10240x128xf32, #tpu.memory_space<hbm>> -> memref<1x40x128xf32, #tpu.memory_space<hbm>>
        %dma_start3A_73 = tpu.memref_squeeze %dma_start3A_72 : memref<1x40x128xf32, #tpu.memory_space<hbm>> -> memref<40x128xf32, #tpu.memory_space<hbm>>
        %dma_start3A_74 = arith.constant 0 : i32
        %dma_start3A_75 = tpu.memref_slice %arg6[%arg0, %add3A_69, %dma_start3A_74] : memref<2x10240x128xf32, #tpu.memory_space<hbm>> -> memref<1x40x128xf32, #tpu.memory_space<hbm>>
        %dma_start3A_76 = tpu.memref_squeeze %dma_start3A_75 : memref<1x40x128xf32, #tpu.memory_space<hbm>> -> memref<40x128xf32, #tpu.memory_space<hbm>>
        tpu.enqueue_dma source(%arg11 : memref<40x128xf32, #tpu.memory_space<vmem>>) target(%dma_start3A_76 : memref<40x128xf32, #tpu.memory_space<hbm>>) target_semaphore(%run_scoped3A : memref<!tpu.dma_semaphore, #tpu.memory_space<semaphore_mem>>)
        %dma_wait3A_77 = arith.constant 0 : i32
        %dma_wait3A_78 = tpu.memref_slice %arg6[%arg0, %add3A_69, %dma_wait3A_77] : memref<2x10240x128xf32, #tpu.memory_space<hbm>> -> memref<1x40x128xf32, #tpu.memory_space<hbm>>
        %dma_wait3A_79 = tpu.memref_squeeze %dma_wait3A_78 : memref<1x40x128xf32, #tpu.memory_space<hbm>> -> memref<40x128xf32, #tpu.memory_space<hbm>>
        %dma_wait3A_80 = arith.constant 0 : i32
        %dma_wait3A_81 = tpu.memref_slice %arg6[%arg0, %add3A_69, %dma_wait3A_80] : memref<2x10240x128xf32, #tpu.memory_space<hbm>> -> memref<1x40x128xf32, #tpu.memory_space<hbm>>
        %dma_wait3A_82 = tpu.memref_squeeze %dma_wait3A_81 : memref<1x40x128xf32, #tpu.memory_space<hbm>> -> memref<40x128xf32, #tpu.memory_space<hbm>>
        tpu.wait_dma2 semaphore(%run_scoped3A : memref<!tpu.dma_semaphore, #tpu.memory_space<semaphore_mem>>) src(%arg11 : memref<40x128xf32, #tpu.memory_space<vmem>>) dst(%dma_wait3A_82 : memref<40x128xf32, #tpu.memory_space<hbm>>)
        tpu.yield
      }) : () -> ()
      %scan3A_70 = arith.constant 0 : i32
      scf.yield %scan3A_70 : i32
    }
    %scan3A_62 = arith.constant 16 : i32
    return
  }
}

module attributes {stable_mosaic.version = 14 : i64} {
  func.func @_tc1_body(%arg0: i32, %arg1: memref<2x1000x128xf32, #tpu.memory_space<vmem>>, %arg2: memref<1000x128xf32, #tpu.memory_space<vmem>>, %arg3: memref<128x128xf32, #tpu.memory_space<vmem>>, %arg4: memref<1000x128xf32, #tpu.memory_space<vmem>>) attributes {dimension_semantics = [#tpu.dimension_semantics<arbitrary>], iteration_bounds = array<i64: 10>, scalar_prefetch = 0 : i64, scratch_operands = 0 : i64, tpu.core_type = #tpu.core_type<tc>, window_params = [{transform_indices = @transform_0, window_bounds = array<i64: 2, 1000, 128>}, {transform_indices = @transform_1, window_bounds = array<i64: 1000, 128>}, {pipeline_mode = #tpu.pipeline_mode<synchronous>, transform_indices = @transform_2, window_bounds = array<i64: 128, 128>}, {transform_indices = @transform_3, window_bounds = array<i64: 1000, 128>}]} {
    %get3A = arith.constant 0 : index
    %get3A_0 = arith.constant 0 : index
    %get3A_1 = arith.constant 0 : index
    %get3A_2 = vector.load %arg1[%get3A, %get3A_0, %get3A_1] : memref<2x1000x128xf32, #tpu.memory_space<vmem>>, vector<1x1000x1xf32>
    %get3A_3 = vector.shape_cast %get3A_2 : vector<1x1000x1xf32> to vector<1000xf32>
    %get3A_4 = arith.constant 1 : index
    %get3A_5 = arith.constant 0 : index
    %get3A_6 = arith.constant 0 : index
    %get3A_7 = vector.load %arg1[%get3A_4, %get3A_5, %get3A_6] : memref<2x1000x128xf32, #tpu.memory_space<vmem>>, vector<1x1000x1xf32>
    %get3A_8 = vector.shape_cast %get3A_7 : vector<1x1000x1xf32> to vector<1000xf32>
    %add3A = arith.addf %get3A_3, %get3A_8 : vector<1000xf32>
    %add3A_9 = arith.constant 1.000000e+00 : f32
    %add3A_10 = vector.broadcast %add3A_9 : f32 to vector<1000xf32>
    %add3A_11 = arith.addf %add3A, %add3A_10 : vector<1000xf32>
    %rsqrt3A = math.rsqrt %add3A_11 : vector<1000xf32>
    %broadcast_in_dim3A = vector.shape_cast %rsqrt3A : vector<1000xf32> to vector<1000x1xf32>
    %get3A_12 = arith.constant 0 : index
    %get3A_13 = arith.constant 0 : index
    %get3A_14 = vector.load %arg2[%get3A_12, %get3A_13] : memref<1000x128xf32, #tpu.memory_space<vmem>>, vector<1000x128xf32>
    %get3A_15 = arith.constant 0 : index
    %get3A_16 = arith.constant 0 : index
    %get3A_17 = vector.load %arg3[%get3A_15, %get3A_16] : memref<128x128xf32, #tpu.memory_space<vmem>>, vector<128x128xf32>
    %dot_general3A = arith.constant dense<0.000000e+00> : vector<1000x128xf32>
    %dot_general3A_18 = tpu.matmul %get3A_14, %get3A_17, %dot_general3A {dimension_numbers = #tpu.dot_dimension_numbers<[1], [0], [0], [1], [0, 0, 1, 1], [], []>, transpose_lhs_hint = false} : vector<1000x128xf32>, vector<128x128xf32>, vector<1000x128xf32> -> vector<1000x128xf32>
    %mul3A = vector.broadcast %broadcast_in_dim3A : vector<1000x1xf32> to vector<1000x128xf32>
    %mul3A_19 = arith.mulf %dot_general3A_18, %mul3A : vector<1000x128xf32>
    %swap3A = arith.constant 0 : index
    %swap3A_20 = arith.constant 0 : index
    %swap3A_21 = vector.load %arg4[%swap3A, %swap3A_20] : memref<1000x128xf32, #tpu.memory_space<vmem>>, vector<1000x128xf32>
    tpu.vector_store %arg4[%swap3A, %swap3A_20], %mul3A_19 {strides = array<i32>} : memref<1000x128xf32, #tpu.memory_space<vmem>>, vector<1000x128xf32>,
    return
  }
  func.func @transform_0(%arg0: i32) -> (i32, i32, i32) {
    %c0_i32 = arith.constant 0 : i32
    %c0_i32_0 = arith.constant 0 : i32
    %c0_i32_1 = arith.constant 0 : i32
    return %c0_i32, %arg0, %c0_i32_0 : i32, i32, i32
  }
  func.func @transform_1(%arg0: i32) -> (i32, i32) {
    %c0_i32 = arith.constant 0 : i32
    %c0_i32_0 = arith.constant 0 : i32
    return %arg0, %c0_i32 : i32, i32
  }
  func.func @transform_2(%arg0: i32) -> (i32, i32) {
    %c0_i32 = arith.constant 0 : i32
    %c0_i32_0 = arith.constant 0 : i32
    %c0_i32_1 = arith.constant 0 : i32
    return %c0_i32, %c0_i32_0 : i32, i32
  }
  func.func @transform_3(%arg0: i32) -> (i32, i32) {
    %c0_i32 = arith.constant 0 : i32
    %c0_i32_0 = arith.constant 0 : i32
    return %arg0, %c0_i32 : i32, i32
  }
}

module attributes {stable_mosaic.version = 14 : i64} {
  func.func @_tc_mid_body(%arg0: i32, %arg1: memref<2x1000x128xf32, #tpu.memory_space<vmem>>, %arg2: memref<2x1000x128xf32, #tpu.memory_space<vmem>>, %arg3: memref<1000x128xf32, #tpu.memory_space<vmem>>, %arg4: memref<1x128xf32, #tpu.memory_space<vmem>>, %arg5: memref<128x128xf32, #tpu.memory_space<vmem>>, %arg6: memref<1000x128xf32, #tpu.memory_space<vmem>>) attributes {dimension_semantics = [#tpu.dimension_semantics<arbitrary>], iteration_bounds = array<i64: 10>, scalar_prefetch = 0 : i64, scratch_operands = 0 : i64, tpu.core_type = #tpu.core_type<tc>, window_params = [{transform_indices = @transform_0, window_bounds = array<i64: 2, 1000, 128>}, {transform_indices = @transform_1, window_bounds = array<i64: 2, 1000, 128>}, {transform_indices = @transform_2, window_bounds = array<i64: 1000, 128>}, {pipeline_mode = #tpu.pipeline_mode<synchronous>, transform_indices = @transform_3, window_bounds = array<i64: 1, 128>}, {pipeline_mode = #tpu.pipeline_mode<synchronous>, transform_indices = @transform_4, window_bounds = array<i64: 128, 128>}, {transform_indices = @transform_5, window_bounds = array<i64: 1000, 128>}]} {
    %get3A = arith.constant 0 : index
    %get3A_0 = arith.constant 0 : index
    %get3A_1 = arith.constant 0 : index
    %get3A_2 = vector.load %arg1[%get3A, %get3A_0, %get3A_1] : memref<2x1000x128xf32, #tpu.memory_space<vmem>>, vector<1x1000x1xf32>
    %get3A_3 = vector.shape_cast %get3A_2 : vector<1x1000x1xf32> to vector<1000xf32>
    %get3A_4 = arith.constant 1 : index
    %get3A_5 = arith.constant 0 : index
    %get3A_6 = arith.constant 0 : index
    %get3A_7 = vector.load %arg1[%get3A_4, %get3A_5, %get3A_6] : memref<2x1000x128xf32, #tpu.memory_space<vmem>>, vector<1x1000x1xf32>
    %get3A_8 = vector.shape_cast %get3A_7 : vector<1x1000x1xf32> to vector<1000xf32>
    %add3A = arith.addf %get3A_3, %get3A_8 : vector<1000xf32>
    %add3A_9 = arith.constant 1.000000e+00 : f32
    %add3A_10 = vector.broadcast %add3A_9 : f32 to vector<1000xf32>
    %add3A_11 = arith.addf %add3A, %add3A_10 : vector<1000xf32>
    %rsqrt3A = math.rsqrt %add3A_11 : vector<1000xf32>
    %broadcast_in_dim3A = vector.shape_cast %rsqrt3A : vector<1000xf32> to vector<1000x1xf32>
    %get3A_12 = arith.constant 0 : index
    %get3A_13 = arith.constant 0 : index
    %get3A_14 = arith.constant 0 : index
    %get3A_15 = vector.load %arg2[%get3A_12, %get3A_13, %get3A_14] : memref<2x1000x128xf32, #tpu.memory_space<vmem>>, vector<1x1000x128xf32>
    %get3A_16 = vector.shape_cast %get3A_15 : vector<1x1000x128xf32> to vector<1000x128xf32>
    %get3A_17 = arith.constant 1 : index
    %get3A_18 = arith.constant 0 : index
    %get3A_19 = arith.constant 0 : index
    %get3A_20 = vector.load %arg2[%get3A_17, %get3A_18, %get3A_19] : memref<2x1000x128xf32, #tpu.memory_space<vmem>>, vector<1x1000x128xf32>
    %get3A_21 = vector.shape_cast %get3A_20 : vector<1x1000x128xf32> to vector<1000x128xf32>
    %add3A_22 = arith.addf %get3A_16, %get3A_21 : vector<1000x128xf32>
    %get3A_23 = arith.constant 0 : index
    %get3A_24 = arith.constant 0 : index
    %get3A_25 = vector.load %arg3[%get3A_23, %get3A_24] : memref<1000x128xf32, #tpu.memory_space<vmem>>, vector<1000x128xf32>
    %add3A_26 = arith.addf %add3A_22, %get3A_25 : vector<1000x128xf32>
    %mul3A = vector.broadcast %broadcast_in_dim3A : vector<1000x1xf32> to vector<1000x128xf32>
    %mul3A_27 = arith.mulf %mul3A, %add3A_26 : vector<1000x128xf32>
    %get3A_28 = arith.constant 0 : index
    %get3A_29 = arith.constant 0 : index
    %get3A_30 = vector.load %arg4[%get3A_28, %get3A_29] : memref<1x128xf32, #tpu.memory_space<vmem>>, vector<1x128xf32>
    %add3A_31 = vector.broadcast %get3A_30 : vector<1x128xf32> to vector<1000x128xf32>
    %add3A_32 = arith.addf %mul3A_27, %add3A_31 : vector<1000x128xf32>
    %max3A = arith.constant 0.000000e+00 : f32
    %max3A_33 = vector.broadcast %max3A : f32 to vector<1000x128xf32>
    %max3A_34 = arith.maximumf %add3A_32, %max3A_33 : vector<1000x128xf32>
    %get3A_35 = arith.constant 0 : index
    %get3A_36 = arith.constant 0 : index
    %get3A_37 = vector.load %arg5[%get3A_35, %get3A_36] : memref<128x128xf32, #tpu.memory_space<vmem>>, vector<128x128xf32>
    %dot_general3A = arith.constant dense<0.000000e+00> : vector<1000x128xf32>
    %dot_general3A_38 = tpu.matmul %max3A_34, %get3A_37, %dot_general3A {dimension_numbers = #tpu.dot_dimension_numbers<[1], [0], [0], [1], [0, 0, 1, 1], [], []>, transpose_lhs_hint = false} : vector<1000x128xf32>, vector<128x128xf32>, vector<1000x128xf32> -> vector<1000x128xf32>
    %mul3A_39 = vector.broadcast %broadcast_in_dim3A : vector<1000x1xf32> to vector<1000x128xf32>
    %mul3A_40 = arith.mulf %dot_general3A_38, %mul3A_39 : vector<1000x128xf32>
    %swap3A = arith.constant 0 : index
    %swap3A_41 = arith.constant 0 : index
    %swap3A_42 = vector.load %arg6[%swap3A, %swap3A_41] : memref<1000x128xf32, #tpu.memory_space<vmem>>, vector<1000x128xf32>
    tpu.vector_store %arg6[%swap3A, %swap3A_41], %mul3A_40 {strides = array<i32>} : memref<1000x128xf32, #tpu.memory_space<vmem>>, vector<1000x128xf32>,
    return
  }
  func.func @transform_0(%arg0: i32) -> (i32, i32, i32) {
    %c0_i32 = arith.constant 0 : i32
    %c0_i32_0 = arith.constant 0 : i32
    %c0_i32_1 = arith.constant 0 : i32
    return %c0_i32, %arg0, %c0_i32_0 : i32, i32, i32
  }
  func.func @transform_1(%arg0: i32) -> (i32, i32, i32) {
    %c0_i32 = arith.constant 0 : i32
    %c0_i32_0 = arith.constant 0 : i32
    %c0_i32_1 = arith.constant 0 : i32
    return %c0_i32, %arg0, %c0_i32_0 : i32, i32, i32
  }
  func.func @transform_2(%arg0: i32) -> (i32, i32) {
    %c0_i32 = arith.constant 0 : i32
    %c0_i32_0 = arith.constant 0 : i32
    return %arg0, %c0_i32 : i32, i32
  }
  func.func @transform_3(%arg0: i32) -> (i32, i32) {
    %c0_i32 = arith.constant 0 : i32
    %c0_i32_0 = arith.constant 0 : i32
    %c0_i32_1 = arith.constant 0 : i32
    return %c0_i32, %c0_i32_0 : i32, i32
  }
  func.func @transform_4(%arg0: i32) -> (i32, i32) {
    %c0_i32 = arith.constant 0 : i32
    %c0_i32_0 = arith.constant 0 : i32
    %c0_i32_1 = arith.constant 0 : i32
    return %c0_i32, %c0_i32_0 : i32, i32
  }
  func.func @transform_5(%arg0: i32) -> (i32, i32) {
    %c0_i32 = arith.constant 0 : i32
    %c0_i32_0 = arith.constant 0 : i32
    return %arg0, %c0_i32 : i32, i32
  }
}

module attributes {stable_mosaic.version = 14 : i64} {
  func.func @_tc4_body(%arg0: i32, %arg1: memref<2x1000x128xf32, #tpu.memory_space<vmem>>, %arg2: memref<2x1000x128xf32, #tpu.memory_space<vmem>>, %arg3: memref<1000x128xf32, #tpu.memory_space<vmem>>, %arg4: memref<1x128xf32, #tpu.memory_space<vmem>>, %arg5: memref<1000x40xf32, #tpu.memory_space<vmem>>) attributes {dimension_semantics = [#tpu.dimension_semantics<arbitrary>], iteration_bounds = array<i64: 10>, scalar_prefetch = 0 : i64, scratch_operands = 0 : i64, tpu.core_type = #tpu.core_type<tc>, window_params = [{transform_indices = @transform_0, window_bounds = array<i64: 2, 1000, 128>}, {transform_indices = @transform_1, window_bounds = array<i64: 2, 1000, 128>}, {transform_indices = @transform_2, window_bounds = array<i64: 1000, 128>}, {pipeline_mode = #tpu.pipeline_mode<synchronous>, transform_indices = @transform_3, window_bounds = array<i64: 1, 128>}, {transform_indices = @transform_4, window_bounds = array<i64: 1000, 40>}]} {
    %get3A = arith.constant 0 : index
    %get3A_0 = arith.constant 0 : index
    %get3A_1 = arith.constant 0 : index
    %get3A_2 = vector.load %arg1[%get3A, %get3A_0, %get3A_1] : memref<2x1000x128xf32, #tpu.memory_space<vmem>>, vector<1x1000x1xf32>
    %get3A_3 = vector.shape_cast %get3A_2 : vector<1x1000x1xf32> to vector<1000xf32>
    %get3A_4 = arith.constant 1 : index
    %get3A_5 = arith.constant 0 : index
    %get3A_6 = arith.constant 0 : index
    %get3A_7 = vector.load %arg1[%get3A_4, %get3A_5, %get3A_6] : memref<2x1000x128xf32, #tpu.memory_space<vmem>>, vector<1x1000x1xf32>
    %get3A_8 = vector.shape_cast %get3A_7 : vector<1x1000x1xf32> to vector<1000xf32>
    %add3A = arith.addf %get3A_3, %get3A_8 : vector<1000xf32>
    %add3A_9 = arith.constant 1.000000e+00 : f32
    %add3A_10 = vector.broadcast %add3A_9 : f32 to vector<1000xf32>
    %add3A_11 = arith.addf %add3A, %add3A_10 : vector<1000xf32>
    %rsqrt3A = math.rsqrt %add3A_11 : vector<1000xf32>
    %broadcast_in_dim3A = vector.shape_cast %rsqrt3A : vector<1000xf32> to vector<1000x1xf32>
    %get3A_12 = arith.constant 0 : index
    %get3A_13 = arith.constant 0 : index
    %get3A_14 = arith.constant 0 : index
    %get3A_15 = vector.load %arg2[%get3A_12, %get3A_13, %get3A_14] : memref<2x1000x128xf32, #tpu.memory_space<vmem>>, vector<1x1000x128xf32>
    %get3A_16 = vector.shape_cast %get3A_15 : vector<1x1000x128xf32> to vector<1000x128xf32>
    %get3A_17 = arith.constant 1 : index
    %get3A_18 = arith.constant 0 : index
    %get3A_19 = arith.constant 0 : index
    %get3A_20 = vector.load %arg2[%get3A_17, %get3A_18, %get3A_19] : memref<2x1000x128xf32, #tpu.memory_space<vmem>>, vector<1x1000x128xf32>
    %get3A_21 = vector.shape_cast %get3A_20 : vector<1x1000x128xf32> to vector<1000x128xf32>
    %add3A_22 = arith.addf %get3A_16, %get3A_21 : vector<1000x128xf32>
    %get3A_23 = arith.constant 0 : index
    %get3A_24 = arith.constant 0 : index
    %get3A_25 = vector.load %arg3[%get3A_23, %get3A_24] : memref<1000x128xf32, #tpu.memory_space<vmem>>, vector<1000x128xf32>
    %add3A_26 = arith.addf %add3A_22, %get3A_25 : vector<1000x128xf32>
    %mul3A = vector.broadcast %broadcast_in_dim3A : vector<1000x1xf32> to vector<1000x128xf32>
    %mul3A_27 = arith.mulf %mul3A, %add3A_26 : vector<1000x128xf32>
    %get3A_28 = arith.constant 0 : index
    %get3A_29 = arith.constant 0 : index
    %get3A_30 = vector.load %arg4[%get3A_28, %get3A_29] : memref<1x128xf32, #tpu.memory_space<vmem>>, vector<1x128xf32>
    %add3A_31 = vector.broadcast %get3A_30 : vector<1x128xf32> to vector<1000x128xf32>
    %add3A_32 = arith.addf %mul3A_27, %add3A_31 : vector<1000x128xf32>
    %iota3A = tpu.iota {dimensions = array<i32: 1>} : vector<1000x128xi32>
    %lt3A = arith.constant 40 : i32
    %lt3A_33 = vector.broadcast %lt3A : i32 to vector<1000x128xi32>
    %lt3A_34 = arith.cmpi slt, %iota3A, %lt3A_33 : vector<1000x128xi32>
    %jit3A = arith.constant -1.000000e+30 : f32
    %broadcast_in_dim3A_35 = vector.broadcast %jit3A : f32 to vector<1000x128xf32>
    %select_n3A = arith.select %lt3A_34, %add3A_32, %broadcast_in_dim3A_35 : vector<1000x128xi1>, vector<1000x128xf32>
    %reduce_max3A = arith.constant dense<0xFF800000> : vector<1000xf32>
    %reduce_max3A_36 = vector.multi_reduction <maximumf>, %select_n3A, %reduce_max3A [1] : vector<1000x128xf32> to vector<1000xf32>
    %broadcast_in_dim3A_37 = vector.shape_cast %reduce_max3A_36 : vector<1000xf32> to vector<1000x1xf32>
    %sub3A = vector.broadcast %broadcast_in_dim3A_37 : vector<1000x1xf32> to vector<1000x128xf32>
    %sub3A_38 = arith.subf %add3A_32, %sub3A : vector<1000x128xf32>
    %exp3A = math.exp %sub3A_38 : vector<1000x128xf32>
    %jit3A_39 = arith.constant 0.000000e+00 : f32
    %broadcast_in_dim3A_40 = vector.broadcast %jit3A_39 : f32 to vector<1000x128xf32>
    %select_n3A_41 = arith.select %lt3A_34, %exp3A, %broadcast_in_dim3A_40 : vector<1000x128xi1>, vector<1000x128xf32>
    %reduce_sum3A = arith.constant dense<0.000000e+00> : vector<1000xf32>
    %reduce_sum3A_42 = vector.multi_reduction <add>, %select_n3A_41, %reduce_sum3A [1] : vector<1000x128xf32> to vector<1000xf32>
    %broadcast_in_dim3A_43 = vector.shape_cast %reduce_sum3A_42 : vector<1000xf32> to vector<1000x1xf32>
    %log3A = math.log %broadcast_in_dim3A_43 : vector<1000x1xf32>
    %sub3A_44 = vector.broadcast %broadcast_in_dim3A_37 : vector<1000x1xf32> to vector<1000x128xf32>
    %sub3A_45 = arith.subf %add3A_32, %sub3A_44 : vector<1000x128xf32>
    %sub3A_46 = vector.broadcast %log3A : vector<1000x1xf32> to vector<1000x128xf32>
    %sub3A_47 = arith.subf %sub3A_45, %sub3A_46 : vector<1000x128xf32>
    %slice3A = vector.extract_strided_slice %sub3A_47 {offsets = [0, 0], sizes = [1000, 40], strides = [1, 1]} : vector<1000x128xf32> to vector<1000x40xf32>
    %swap3A = arith.constant 0 : index
    %swap3A_48 = arith.constant 0 : index
    %swap3A_49 = vector.load %arg5[%swap3A, %swap3A_48] : memref<1000x40xf32, #tpu.memory_space<vmem>>, vector<1000x40xf32>
    tpu.vector_store %arg5[%swap3A, %swap3A_48], %slice3A {strides = array<i32>} : memref<1000x40xf32, #tpu.memory_space<vmem>>, vector<1000x40xf32>,
    return
  }
  func.func @transform_0(%arg0: i32) -> (i32, i32, i32) {
    %c0_i32 = arith.constant 0 : i32
    %c0_i32_0 = arith.constant 0 : i32
    %c0_i32_1 = arith.constant 0 : i32
    return %c0_i32, %arg0, %c0_i32_0 : i32, i32, i32
  }
  func.func @transform_1(%arg0: i32) -> (i32, i32, i32) {
    %c0_i32 = arith.constant 0 : i32
    %c0_i32_0 = arith.constant 0 : i32
    %c0_i32_1 = arith.constant 0 : i32
    return %c0_i32, %arg0, %c0_i32_0 : i32, i32, i32
  }
  func.func @transform_2(%arg0: i32) -> (i32, i32) {
    %c0_i32 = arith.constant 0 : i32
    %c0_i32_0 = arith.constant 0 : i32
    return %arg0, %c0_i32 : i32, i32
  }
  func.func @transform_3(%arg0: i32) -> (i32, i32) {
    %c0_i32 = arith.constant 0 : i32
    %c0_i32_0 = arith.constant 0 : i32
    %c0_i32_1 = arith.constant 0 : i32
    return %c0_i32, %c0_i32_0 : i32, i32
  }
  func.func @transform_4(%arg0: i32) -> (i32, i32) {
    %c0_i32 = arith.constant 0 : i32
    %c0_i32_0 = arith.constant 0 : i32
    return %arg0, %c0_i32 : i32, i32
  }
}

</mosaic_0001>

<sc_bundles>
// kernel: kernel.10.cloned.1.call-start
scs
__scs_entry_jumppad:
0x0: {  	(pc) =	sbr.rel $0x88, $3  }
0x1: {  	(tag) =	ssettag $0x0;
	lr =	simm.s32 $0x1  }
0x2: {  	[smem:$0x3F99] =	sst lr;
	_ =	strace $0xD0000000  }
0x3: {  	_ = 	snop  }
0x4: {  	_ = 	snop  }
0x5: {  	_ = 	snop  }
0x6: {  	_ = 	snop  }
0x7: {  	_ = 	snop  }
__scs_overlays_trampoline_lowered:
0x8: {  	[smem:$0x3FA8] =	sst s0  }
0x9: {  	[smem:$0x3FA9] =	sst s1  }
0xa: {  	[smem:$0x3FAA] =	sst s2  }
0xb: {  	[smem:$0x3FAB] =	sst s3  }
0xc: {  	[smem:$0x3FAC] =	sst s4  }
0xd: {  	[smem:$0x3FAD] =	sst s5  }
0xe: {  	[smem:$0x3FAE] =	sst s6  }
0xf: {  	[smem:$0x3FAF] =	sst s7  }
0x10: {  	[smem:$0x3FB0] =	sst s8  }
0x11: {  	[smem:$0x3FB1] =	sst s9;
	s0 =	simm.s32 @!p0 $0x0  }
0x12: {  	s1 =	sld [smem:$0x3F97];
	s0 =	simm.s32 @p0 $0x1  }
0x13: {  	[smem:$0x3FB2] =	sst s0;
	s0 =	simm.s32 @!p1 $0x0  }
0x14: {  	s2 =	sld [smem:$0x3F96];
	s0 =	simm.s32 @p1 $0x1  }
0x15: {  	[smem:$0x3FB3] =	sst s0;
	s0 =	simm.s32 @!p2 $0x0  }
0x16: {  	s3 =	sld [smem:$0x3FDB];
	s0 =	simm.s32 @p2 $0x1  }
0x17: {  	s4 =	simm.s32 $0x1BF5;
	[smem:$0x3FB5] =	sst s0  }
0x18: {  	s0 =	sld [smem:$0x3F98];
	_ =	swait.ge [sflag:s4], $0x0  }
0x19: {  	s7 =	sld [smem:$0x3F99]  }
0x1a: {  	s8 =	sadd.s32 $0xFFFFE003, lr  }
0x1b: {  	s9 =	sadd.s32 $0xFFFFFEF7, lr;
	s5 =	simm.s32 $0xFFFFFFFF;
	p2 =	slt.u32 s8, $0xFFFFF086  }
0x1c: {  	p1 =	slt.u32 s9, $0xF7A;
	s5 =	simm.s32 @!p2 $0x0  }
0x1d: {  	s5 =	simm.s32 @p1 $0x1;
	p0 =	seq.s32 s7, s2  }
0x1e: {  	s7 =	smul.u32 @!p0 $0xF7A, s2;
	p2 =	seq.s32 @!p0 s5, $0x0  }
0x1f: {  	s9 =	smul.u32 $0xF7A, s1;
	s8 =	simm.s32 @!p0 $0x1BF5;
	p2 =	por !p2, p0  }
0x20: {  	[sflag:s8] =	ssyncset.s32 @!p0 $0xFFFFF086;
	s6 =	sadd.s32 @!p0 s3, s7;
	s7 =	simm.s32 @!p0 $0x108  }
0x21: {  	s3 =	sadd.s32 s3, s9;
	s6 =	sadd.s32 @!p0 $0x88, s6;
	s7 =	simm.s32 @p2 $0x1082  }
0x22: {  	[simem:s7], [sflag:s8] =	dma.local @!p0 [hbm:s6], $0xF7A  }
0x23: {  	s9 =	sor.u32 $0xD0000000, s2;
	s6 =	simm.s32 $0x108;
	_ =	swait.ge @!p0 [sflag:s8], $0x0  }
0x24: {  	s3 =	sadd.s32 $0x88, s3;
	s6 =	simm.s32 @!p1 $0x1082;
	[sflag:s4] =	ssyncset.s32 $0xFFFFF086  }
0x25: {  	[simem:s6], [sflag:s4] =	dma.local [hbm:s3], $0xF7A  }
0x26: {  	[smem:$0x3F99] =	sst s1;
	(tag) =	ssettag s2;
	_ =	strace s9  }
0x27: {  	s1 =	sld [smem:$0x3FA9]  }
0x28: {  	s2 =	sld [smem:$0x3FAA]  }
0x29: {  	s4 =	sld [smem:$0x3FAC]  }
0x2a: {  	p0 =	seq.s32 s5, $0x0;
	s5 =	sld [smem:$0x3FAD]  }
0x2b: {  	s6 =	sld [smem:$0x3FAE]  }
0x2c: {  	s7 =	sld [smem:$0x3FAF]  }
0x2d: {  	s3 =	simm.s32 $0x108;
	s8 =	sld [smem:$0x3FB0]  }
0x2e: {  	s3 =	simm.s32 @!p0 $0x1082;
	s9 =	sld [smem:$0x3FB1]  }
0x2f: {  	lr =	sadd.s32 s0, s3;
	s0 =	sld [smem:$0x3FA8]  }
0x30: {  	s3 =	sld [smem:$0x3FAB]  }
0x31: {  	[smem:$0x3FB4] =	sst s10  }
0x32: {  	s10 =	sld [smem:$0x3FB2];
	_ =	sdelay $0x3  }
0x33: {  	p0 =	seq.s32 s10, $0x1;
	s10 =	sld [smem:$0x3FB4];
	_ =	sdelay $0x3  }
0x34: {  	[smem:$0x3FB4] =	sst s10  }
0x35: {  	s10 =	sld [smem:$0x3FB3];
	_ =	sdelay $0x3  }
0x36: {  	p1 =	seq.s32 s10, $0x1;
	s10 =	sld [smem:$0x3FB4];
	_ =	sdelay $0x3  }
0x37: {  	[smem:$0x3FB4] =	sst s10  }
0x38: {  	s10 =	sld [smem:$0x3FB5]  }
0x39: {  	_ = 	snop;
	(pc) =	sbr.ind lr, $3  }
0x3a: {  	_ = 	snop  }
0x3b: {  	_ = 	snop  }
0x3c: {  	p2 =	seq.s32 s10, $0x1;
	s10 =	sld [smem:$0x3FB4]  }
0x3d: {  	_ =	shalt  }
0x3e: {  	_ =	shalt  }
0x3f: {  	_ =	shalt  }
0x40: {  	_ =	shalt  }
0x41: {  	_ =	shalt  }
0x42: {  	_ =	shalt  }
0x43: {  	_ =	shalt  }
0x44: {  	_ =	shalt  }
0x45: {  	_ =	shalt  }
0x46: {  	_ =	shalt  }
0x47: {  	_ =	shalt  }
0x48: {  	_ =	shalt  }
0x49: {  	_ =	shalt  }
0x4a: {  	_ =	shalt  }
0x4b: {  	_ =	shalt  }
0x4c: {  	_ =	shalt  }
0x4d: {  	_ =	shalt  }
0x4e: {  	_ =	shalt  }
0x4f: {  	_ =	shalt  }
0x50: {  	_ =	shalt  }
0x51: {  	_ =	shalt  }
0x52: {  	_ =	shalt  }
0x53: {  	_ =	shalt  }
0x54: {  	_ =	shalt  }
0x55: {  	_ =	shalt  }
0x56: {  	_ =	shalt  }
0x57: {  	_ =	shalt  }
0x58: {  	_ =	shalt  }
0x59: {  	_ =	shalt  }
0x5a: {  	_ =	shalt  }
0x5b: {  	_ =	shalt  }
0x5c: {  	_ =	shalt  }
0x5d: {  	_ =	shalt  }
0x5e: {  	_ =	shalt  }
0x5f: {  	_ =	shalt  }
0x60: {  	_ =	shalt  }
0x61: {  	_ =	shalt  }
0x62: {  	_ =	shalt  }
0x63: {  	_ =	shalt  }
0x64: {  	_ =	shalt  }
0x65: {  	_ =	shalt  }
0x66: {  	_ =	shalt  }
0x67: {  	_ =	shalt  }
0x68: {  	_ =	shalt  }
0x69: {  	_ =	shalt  }
0x6a: {  	_ =	shalt  }
0x6b: {  	_ =	shalt  }
0x6c: {  	_ =	shalt  }
0x6d: {  	_ =	shalt  }
0x6e: {  	_ =	shalt  }
0x6f: {  	_ =	shalt  }
0x70: {  	_ =	shalt  }
0x71: {  	_ =	shalt  }
0x72: {  	_ =	shalt  }
0x73: {  	_ =	shalt  }
0x74: {  	_ =	shalt  }
0x75: {  	_ =	shalt  }
0x76: {  	_ =	shalt  }
0x77: {  	_ =	shalt  }
0x78: {  	_ =	shalt  }
0x79: {  	_ =	shalt  }
0x7a: {  	_ =	shalt  }
0x7b: {  	_ =	shalt  }
0x7c: {  	_ =	shalt  }
0x7d: {  	_ =	shalt  }
0x7e: {  	_ =	shalt  }
0x7f: {  	_ =	shalt  }
0x80: {  	_ =	shalt  }
0x81: {  	_ =	shalt  }
0x82: {  	_ =	shalt  }
0x83: {  	_ =	shalt  }
0x84: {  	_ =	shalt  }
0x85: {  	_ =	shalt  }
0x86: {  	_ =	shalt  }
0x87: {  	_ =	shalt  }
.Lfunc_end0:
.L_simem_size_0:
called_computation_lowered:
.L_overlay_start_0:
0x88: {  	s2 =	sld [smem:$0x3FD9]  }
0x89: {  	s3 =	sld [smem:$0x3FFE];
	_ =	sdelay $0x1  }
0x8a: {  	s1 =	srdreg.scid  }
0x8b: {  	s0 =	sand.u32 $0x1, s1  }
0x8c: {  	s16 =	sshll.u32 s0, $0xA;
	s2 =	sadd.s32 s3, s2  }
0x8d: {  	s2 =	sadd.s32 s2, s16  }
0x8e: {  	[smem:$0x3FC0] =	sst s2  }
0x8f: {  	_ = 	snop  }
0x90: {  	(tm) =	ssettm $0x1  }
0x91: {  	s17 =	sld [smem:$0x3FFB];
	_ =	sdelay $0x3  }
0x92: {  	_ =	strace s17  }
0x93: {  	s2 =	sld [smem:$0x3FFC];
	_ =	sdelay $0x3  }
0x94: {  	_ =	strace s2  }
0x95: {  	s2 =	sld [smem:$0x3FFD];
	_ =	sdelay $0x3  }
0x96: {  	_ =	strace s2  }
0x97: {  	_ =	strace $0x8FFFFFFF  }
0x98: {  	s18 =	sld [smem:$0x3FDB];
	_ =	sdelay $0x1  }
0x99: {  	s19 =	simm.s32 $_scs_section_size  }
0x9a: {  	s4 =	simm.s32 $_size__tile_overlayer_lowered;
	s5 =	simm.s32 $_tile_overlayer_lowered  }
0x9b: {  	s22 =	simm.s32 $0x1BFF;
	s21 =	sshll.u32 s5, $0x1;
	s2 =	sadd.s32 s19, s18  }
0x9c: {  	s6 =	simm.s32 $0x0;
	s20 =	sshll.u32 s4, $0x1;
	s4 =	sadd.s32 s21, s2  }
0x9d: {  	[timem:s6], [sflag:s22] =	dma.local [hbm:s4], s20  }
0x9e: {  	_ =	swait.ge [sflag:s22], s20  }
0x9f: {  	s3 =	ssub.s32 $0x0, s20;
	[sflag:s22] =	ssyncset.done $0x0  }
0xa0: {  	[sflag:s22] =	ssyncadd.s32 s3;
	_ =	sdelay $0x1  }
0xa1: {  	s23 =	simm.s32 $0x1B8B  }
0xa2: {  	_ =	swait.ge [sflag:s23], $0x1  }
0xa3: {  	[sflag:s23] =	ssyncset.done $0x0  }
0xa4: {  	s25 =	simm.s32 $0x1B8E;
	s24 =	sld [smem:$0x3FFE];
	[sflag:s23] =	ssyncadd.s32 $0xFFFFFFFF  }
0xa5: {  	s26 =	simm.s32 $execute0_lowered;
	[smem:$0x3FD2] =	sst s25  }
0xa6: {  	s4 =	sshll.u32 s26, $0x1;
	_ =	strace $0x80000046;
	[dreg:$0x1] =	wrdreg $0xFFFFFFFF  }
0xa7: {  	s28 =	simm.s32 $_size_execute0_lowered;
	s2 =	sadd.s32 s2, s4;
	[dreg:$0x0] =	wrdreg $0x0  }
0xa8: {  	s4 =	sshll.u32 s28, $0x1;
	[dreg:$0x2] =	wrdreg s2  }
0xa9: {  	[dreg:$0x3] =	wrdreg s4  }
0xaa: {  	[dreg:$0x4] =	wrdreg $0xC0  }
0xab: {  	_ =	task [dreg:s6], $0x5FFFF  }
0xac: {  	[dreg:$0x1] =	wrdreg $0xFFFFFFFF  }
0xad: {  	[dreg:$0x0] =	wrdreg $0x60  }
0xae: {  	[dreg:$0x2] =	wrdreg s24  }
0xaf: {  	[dreg:$0x3] =	wrdreg $0x7C000  }
0xb0: {  	[dreg:$0x4] =	wrdreg $0x9  }
0xb1: {  	_ =	task.clear_ibuf [dreg:s6], $0x5FFFF;
	_ =	strace $0x90000046  }
0xb2: {  	s29 =	simm.s32 $0x9;
	_ =	strace $0x80000048  }
0xb3: {  	_ =	swait.ge [sflag:s29], $0x1  }
0xb4: {  	[sflag:s29] =	ssyncadd.s32 $0xFFFFFFFF  }
0xb5: {  	_ =	strace $0x90000048  }
0xb6: {  	_ =	sfence  }
0xb7: {  	s30 =	sld [smem:$0x0];
	_ =	sdelay $0x2  }
0xb8: {  	s31 =	sshll.u32 s1, $0xD;
	s1 =	sshrl.u32 s1, $0x2  }
0xb9: {  	s3 =	sand.u32 $0x4000, s31;
	s1 =	sadd.s32 s1, s30  }
0xba: {  	s0 =	sor.u32 s3, s0;
	s1 =	sshll.u32 s1, $0x11  }
0xbb: {  	s0 =	sor.u32 s1, s0  }
0xbc: {  	s0 =	sadd.s32 $0x8F2B, s0  }
0xbd: {  	[sflag:s0] =	ssyncadd.remote.s32 $0x1  }
0xbe: {  	_ =	sfence.sel $0xFFFF  }
0xbf: {  	[dreg:$0x0] =	wrdreg $0xFFFFFFFF;
	(pc) =	sbr.abs _section_cstart, $3  }
0xc0: {  	[dreg:$0x1] =	wrdreg $0xFFFFFFFF  }
0xc1: {  	_ =	task.clear_ibuf [dreg:s6], $0x2FFFF;
	_ =	strace $0x9FFFFFFF  }
0xc2: {  	(tm) =	ssettm $0x7FFFFFFF  }
0xc3: {  	_ =	shalt  }
tec
execute0_lowered:
.L_overlay_start_1:
0x0: {  	(tag) =	ssettag $0x1  }
0x1: {  	s1 =	srdreg.scid  }
0x2: {  	s0 =	stileid.u32;
	s6 =	rddreg [dreg:$0x0]  }
0x3: {  	s25 =	simm.s32 $0x2800;
	s26 =	simm.s32 $0x1;
	s28 =	simm.s32 $0x6800  }
0x4: {  	s29 =	simm.s32 $0x80;
	s30 =	simm.s32 $0x0;
	s7 =	smul.u32 $0x14000, s0  }
0x5: {  	s1 =	sand.u32 $0x1, s1;
	s2 =	sshll.u32 s0, $0x1;
	s9 =	smul.u32 $0x50000, s0  }
0x6: {  	s3 =	sor.u32 s1, s2;
	s2 =	rddreg [dreg:$0x1];
	s5 =	smul.u32 $0x140000, s1  }
0x7: {  	s1 =	ssub.s32 $0x2, s1;
	s4 =	smul.u32 $0x500, s3;
	s3 =	simm.s32 $0x0  }
0x8: {  	s10 =	sshrl.u32 s1, $0x1;
	s9 =	sshrl.u32 s9, $0x2;
	[smem:$0x7FF] =	sst s3  }
0x9: {  	s7 =	sadd.s32 s7, s5;
	s5 =	sadd.s32 $0xC800, s6;
	s1 =	ssub.s32 s1, s10  }
0xa: {  	_ =	strace $0x80000047;
	s8 =	sadd.s32 s4, s6;
	s7 =	sshrl.u32 s7, $0x3  }
0xb: {  	s24 =	sadd.s32 s7, s6;
	s7 =	smax.u32 s1, $0x1;
	s1 =	sadd.s32 s9, s2  }
0xc: {  	s4 =	sadd.s32 $0xCC00, s6;
	s6 =	sadd.s32 $0x2800, s8;
	s9 =	sadd.s32 $0x1400, s1  }
0xd: {  	s10 =	sadd.s32 $0x2800, s1;
	s11 =	sadd.s32 $0x3C00, s1;
	s12 =	sadd.s32 $0x5000, s1  }
0xe: {  	s13 =	sadd.s32 $0x6400, s1;
	s14 =	sadd.s32 $0x7800, s1;
	s15 =	sadd.s32 $0x8C00, s1  }
0xf: {  	s16 =	sadd.s32 $0xA000, s1;
	s17 =	sadd.s32 $0xB400, s1;
	s18 =	sadd.s32 $0xC800, s1  }
0x10: {  	s19 =	sadd.s32 $0xDC00, s1;
	s20 =	sadd.s32 $0xF000, s1;
	s21 =	sadd.s32 $0x10400, s1  }
0x11: {  	s22 =	sadd.s32 $0x11800, s1;
	s23 =	sadd.s32 $0x12C00, s1;
	s24 =	sadd.s32 $0xD400, s24  }
.LBB2_1:
0x12: {  	[tilespmem:s25], [sflag:$0x1] =	stream.linear.gather [hbm4b:s4+s3], $0x4000, $0x38;
	[tilespmem:$0x1BC00] =	vst v63  }
0x13: {  	_ =	swait.ge [sflag:s26], $0x4000  }
0x14: {  	[sflag:s26] =	ssyncset.done $0x0  }
0x15: {  	[sflag:s26] =	ssyncadd.s32 $0xFFFFC000  }
0x16: {  	[tilespmem:s28], [sflag:$0x1] =	stream.linear.gather [hbm4b:s5+s3], $0x1400, $0x38;
	[tilespmem:$0x1BC00] =	vst v63  }
0x17: {  	_ =	swait.ge [sflag:s26], $0x1400  }
0x18: {  	[sflag:s26] =	ssyncset.done $0x0  }
0x19: {  	[sflag:s26] =	ssyncadd.s32 $0xFFFFEC00  }
0x1a: {  	[spmem:s1] =	stream.linear.scatter [tilespmem:s28], [sflag:$0x1], $0x1400, $0x38;
	[tilespmem:$0x1BC00] =	vst v63  }
0x1b: {  	_ =	swait.ge [sflag:s26], $0x1400  }
0x1c: {  	[sflag:s26] =	ssyncset.done $0x0  }
0x1d: {  	[sflag:s26] =	ssyncadd.s32 $0xFFFFEC00  }
0x1e: {  	[spmem:s9] =	stream.linear.scatter [tilespmem:s28], [sflag:$0x1], $0x1400, $0x38;
	[tilespmem:$0x1BC00] =	vst v63  }
0x1f: {  	_ =	swait.ge [sflag:s26], $0x1400  }
0x20: {  	[sflag:s26] =	ssyncset.done $0x0  }
0x21: {  	[sflag:s26] =	ssyncadd.s32 $0xFFFFEC00  }
0x22: {  	[spmem:s10] =	stream.linear.scatter [tilespmem:s28], [sflag:$0x1], $0x1400, $0x38;
	[tilespmem:$0x1BC00] =	vst v63  }
0x23: {  	_ =	swait.ge [sflag:s26], $0x1400  }
0x24: {  	[sflag:s26] =	ssyncset.done $0x0  }
0x25: {  	[sflag:s26] =	ssyncadd.s32 $0xFFFFEC00  }
0x26: {  	[spmem:s11] =	stream.linear.scatter [tilespmem:s28], [sflag:$0x1], $0x1400, $0x38;
	[tilespmem:$0x1BC00] =	vst v63  }
0x27: {  	_ =	swait.ge [sflag:s26], $0x1400  }
0x28: {  	[sflag:s26] =	ssyncset.done $0x0  }
0x29: {  	[sflag:s26] =	ssyncadd.s32 $0xFFFFEC00  }
0x2a: {  	[spmem:s12] =	stream.linear.scatter [tilespmem:s28], [sflag:$0x1], $0x1400, $0x38;
	[tilespmem:$0x1BC00] =	vst v63  }
0x2b: {  	_ =	swait.ge [sflag:s26], $0x1400  }
0x2c: {  	[sflag:s26] =	ssyncset.done $0x0  }
0x2d: {  	[sflag:s26] =	ssyncadd.s32 $0xFFFFEC00  }
0x2e: {  	[spmem:s13] =	stream.linear.scatter [tilespmem:s28], [sflag:$0x1], $0x1400, $0x38;
	[tilespmem:$0x1BC00] =	vst v63  }
0x2f: {  	_ =	swait.ge [sflag:s26], $0x1400  }
0x30: {  	[sflag:s26] =	ssyncset.done $0x0  }
0x31: {  	[sflag:s26] =	ssyncadd.s32 $0xFFFFEC00  }
0x32: {  	[spmem:s14] =	stream.linear.scatter [tilespmem:s28], [sflag:$0x1], $0x1400, $0x38;
	[tilespmem:$0x1BC00] =	vst v63  }
0x33: {  	_ =	swait.ge [sflag:s26], $0x1400  }
0x34: {  	[sflag:s26] =	ssyncset.done $0x0  }
0x35: {  	[sflag:s26] =	ssyncadd.s32 $0xFFFFEC00  }
0x36: {  	[spmem:s15] =	stream.linear.scatter [tilespmem:s28], [sflag:$0x1], $0x1400, $0x38;
	[tilespmem:$0x1BC00] =	vst v63  }
0x37: {  	_ =	swait.ge [sflag:s26], $0x1400  }
0x38: {  	[sflag:s26] =	ssyncset.done $0x0  }
0x39: {  	[sflag:s26] =	ssyncadd.s32 $0xFFFFEC00  }
0x3a: {  	[spmem:s16] =	stream.linear.scatter [tilespmem:s28], [sflag:$0x1], $0x1400, $0x38;
	[tilespmem:$0x1BC00] =	vst v63  }
0x3b: {  	_ =	swait.ge [sflag:s26], $0x1400  }
0x3c: {  	[sflag:s26] =	ssyncset.done $0x0  }
0x3d: {  	[sflag:s26] =	ssyncadd.s32 $0xFFFFEC00  }
0x3e: {  	[spmem:s17] =	stream.linear.scatter [tilespmem:s28], [sflag:$0x1], $0x1400, $0x38;
	[tilespmem:$0x1BC00] =	vst v63  }
0x3f: {  	_ =	swait.ge [sflag:s26], $0x1400  }
0x40: {  	[sflag:s26] =	ssyncset.done $0x0  }
0x41: {  	[sflag:s26] =	ssyncadd.s32 $0xFFFFEC00  }
0x42: {  	[spmem:s18] =	stream.linear.scatter [tilespmem:s28], [sflag:$0x1], $0x1400, $0x38;
	[tilespmem:$0x1BC00] =	vst v63  }
0x43: {  	_ =	swait.ge [sflag:s26], $0x1400  }
0x44: {  	[sflag:s26] =	ssyncset.done $0x0  }
0x45: {  	[sflag:s26] =	ssyncadd.s32 $0xFFFFEC00  }
0x46: {  	[spmem:s19] =	stream.linear.scatter [tilespmem:s28], [sflag:$0x1], $0x1400, $0x38;
	[tilespmem:$0x1BC00] =	vst v63  }
0x47: {  	_ =	swait.ge [sflag:s26], $0x1400  }
0x48: {  	[sflag:s26] =	ssyncset.done $0x0  }
0x49: {  	[sflag:s26] =	ssyncadd.s32 $0xFFFFEC00  }
0x4a: {  	[spmem:s20] =	stream.linear.scatter [tilespmem:s28], [sflag:$0x1], $0x1400, $0x38;
	[tilespmem:$0x1BC00] =	vst v63  }
0x4b: {  	_ =	swait.ge [sflag:s26], $0x1400  }
0x4c: {  	[sflag:s26] =	ssyncset.done $0x0  }
0x4d: {  	[sflag:s26] =	ssyncadd.s32 $0xFFFFEC00  }
0x4e: {  	[spmem:s21] =	stream.linear.scatter [tilespmem:s28], [sflag:$0x1], $0x1400, $0x38;
	[tilespmem:$0x1BC00] =	vst v63  }
0x4f: {  	_ =	swait.ge [sflag:s26], $0x1400  }
0x50: {  	[sflag:s26] =	ssyncset.done $0x0  }
0x51: {  	[sflag:s26] =	ssyncadd.s32 $0xFFFFEC00  }
0x52: {  	[spmem:s22] =	stream.linear.scatter [tilespmem:s28], [sflag:$0x1], $0x1400, $0x38;
	[tilespmem:$0x1BC00] =	vst v63  }
0x53: {  	_ =	swait.ge [sflag:s26], $0x1400  }
0x54: {  	[sflag:s26] =	ssyncset.done $0x0  }
0x55: {  	[sflag:s26] =	ssyncadd.s32 $0xFFFFEC00  }
0x56: {  	[spmem:s23] =	stream.linear.scatter [tilespmem:s28], [sflag:$0x1], $0x1400, $0x38;
	[tilespmem:$0x1BC00] =	vst v63  }
0x57: {  	_ =	swait.ge [sflag:s26], $0x1400  }
0x58: {  	[sflag:s26] =	ssyncset.done $0x0  }
0x59: {  	[sflag:s26] =	ssyncadd.s32 $0xFFFFEC00  }
0x5a: {  	[bflag:$0x0] =	sbarrier.arrive $0xFFFF  }
0x5b: {  	[tilespmem:s3], [sflag:$0x1] =	stream.linear.gather [hbm4b:s6+s3], $0x2800, $0x38;
	[tilespmem:$0x1BC00] =	vst v63  }
0x5c: {  	_ =	swait.ge [sflag:s26], $0x2800  }
0x5d: {  	[sflag:s26] =	ssyncset.done $0x0  }
0x5e: {  	s8 =	simm.s32 $0x0;
	[sflag:s26] =	ssyncadd.s32 $0xFFFFD800  }
0x5f: {  	[spmem:s2] =	stream.indirect.scatter.add.f32 [tilespmem:s25], [sflag:$0x1], $0x80, s8, s29, $0xb8;
	[tilespmem:$0x1BC00] =	vst v63  }
0x60: {  	_ =	swait.ge [sflag:s26], $0x4000  }
0x61: {  	s8 =	simm.s32 $0x200;
	[sflag:s26] =	ssyncset.done $0x0  }
.LBB2_2:
0x62: {  	s31 =	sshra.s32 s8, $0x2;
	[sflag:s26] =	ssyncadd.s32 $0xFFFFC000;
	p0 =	sne.s32 s8, $0x9E00  }
0x63: {  	[spmem:s2] =	stream.indirect.scatter.add.f32 [tilespmem:s25], [sflag:$0x1], $0x80, s31, s29, $0xb8;
	[tilespmem:$0x1BC00] =	vst v63  }
.Ltmp0:
0x64: {  	_ = 	snop;
	(pc) =	sbr.rel @p0 .LBB2_2-.Ltmp0, $4  }
0x65: {  	_ = 	snop  }
0x66: {  	s8 =	sadd.s32 $0x200, s8  }
0x67: {  	_ =	swait.ge [sflag:s26], $0x4000  }
0x68: {  	[sflag:s26] =	ssyncset.done $0x0  }
0x69: {  	[sflag:s26] =	ssyncadd.s32 $0xFFFFC000  }
0x6a: {  	[bflag:$0x0] =	sbarrier.arrive $0xFFFF  }
0x6b: {  	[tilespmem:s28], [sflag:$0x1] =	stream.linear.gather [spmem:s1], $0x1400, $0x38;
	[tilespmem:$0x1BC00] =	vst v63  }
0x6c: {  	_ =	swait.ge [sflag:s26], $0x1400  }
0x6d: {  	[sflag:s26] =	ssyncset.done $0x0  }
0x6e: {  	s8 =	sadd.s32 $0x0, s24;
	[sflag:s26] =	ssyncadd.s32 $0xFFFFEC00  }
0x6f: {  	[hbm4b:s8+s3] =	stream.linear.scatter [tilespmem:s28], [sflag:$0x1], $0x1400, $0x38;
	[tilespmem:$0x1BC00] =	vst v63  }
0x70: {  	_ =	swait.ge [sflag:s26], $0x1400  }
0x71: {  	s31 =	simm.s32 $0x280;
	s8 =	smov.u32 s1;
	[sflag:s26] =	ssyncset.done $0x0  }
.LBB2_4:
0x72: {  	p0 =	sne.s32 s31, $0x2580;
	[sflag:s26] =	ssyncadd.s32 $0xFFFFEC00;
	s8 =	sadd.s32 $0x1400, s8  }
0x73: {  	[tilespmem:s28], [sflag:$0x1] =	stream.linear.gather [spmem:s8], $0x1400, $0x38;
	[tilespmem:$0x1BC00] =	vst v63  }
0x74: {  	s0 =	smov.u32 s31;
	s31 =	sadd.s32 $0x280, s31;
	_ =	swait.ge [sflag:s26], $0x1400  }
.Ltmp1:
0x75: {  	[sflag:s26] =	ssyncset.done $0x0;
	(pc) =	sbr.rel @p0 .LBB2_4-.Ltmp1, $4  }
0x76: {  	s0 =	sadd.s32 s0, s24;
	[sflag:s26] =	ssyncadd.s32 $0xFFFFEC00  }
0x77: {  	[hbm4b:s0+s3] =	stream.linear.scatter [tilespmem:s28], [sflag:$0x1], $0x1400, $0x38;
	[tilespmem:$0x1BC00] =	vst v63  }
0x78: {  	_ =	swait.ge [sflag:s26], $0x1400  }
0x79: {  	[sflag:s26] =	ssyncset.done $0x0  }
0x7a: {  	s30 =	sadd.s32 $0x1, s30  }
0x7b: {  	p0 =	sne.s32 s30, s7  }
.Ltmp2:
0x7c: {  	_ = 	snop;
	(pc) =	sbr.rel @p0 .LBB2_1-.Ltmp2, $2  }
0x7d: {  	_ =	sdelay $0x2  }
0x7e: {  	[sflag:s26] =	ssyncadd.s32 $0xFFFFEC00  }
0x7f: {  	_ =	sfence.sel $0x180000  }
0x80: {  	[bflag:$0x0] =	sbarrier.arrive $0xFFFF  }
0x81: {  	_ =	strace $0x90000047  }
0x82: {  	s0 =	stileid.u32;
	[bflag:$0x2] =	sbarrier.arrive $0xFFFF  }
0x83: {  	p0 =	sne.s32 s0, $0x0;
	s0 =	rddreg [dreg:$0x2]  }
0x84: {  	s0 =	sadd.s32 @!p0 $0x100000, s0  }
0x85: {  	[sflag:s0] =	ssyncadd.tile.s32 @!p0 $0x1;
	_ =	shalt  }
.Lfunc_end2:
_tile_overlayer_lowered:
.L_overlay_start_2:
0x86: {  	(tag) =	ssettag $0x2  }
0x87: {  	s0 =	rddreg [dreg:$0x0];
	s2 =	stileid.u32  }
0x88: {  	s1 =	rddreg [dreg:$0x1];
	p0 =	sne.s32 s2, $0x0  }
0x89: {  	s3 =	rddreg [dreg:$0x2];
	[bflag:$0x3] =	sbarrier.arrive $0xFFFF;
	s2 =	simm.s32 @!p0 $0x1C01  }
0x8a: {  	[timem:s3], [sflag:s2] =	dma.local @!p0 [hbm:s0], s1  }
0x8b: {  	s0 =	simm.s32 @!p0 $0x1  }
0x8c: {  	_ =	swait.ge @!p0 [sflag:s0], s1  }
0x8d: {  	s1 =	ssub.s32 @!p0 $0x0, s1;
	[sflag:s0] =	ssyncset.done @!p0 $0x0  }
0x8e: {  	[sflag:s0] =	ssyncadd.s32 @!p0 s1  }
0x8f: {  	[bflag:$0x3] =	sbarrier.arrive $0xFFFF  }
0x90: {  	_ =	shalt  }

// kernel: kernel.13.cloned.1.call-start
scs
__scs_entry_jumppad:
0x0: {  	(pc) =	sbr.rel $0x88, $3  }
0x1: {  	(tag) =	ssettag $0x0;
	lr =	simm.s32 $0x1  }
0x2: {  	[smem:$0x3F99] =	sst lr;
	_ =	strace $0xD0000000  }
0x3: {  	_ = 	snop  }
0x4: {  	_ = 	snop  }
0x5: {  	_ = 	snop  }
0x6: {  	_ = 	snop  }
0x7: {  	_ = 	snop  }
__scs_overlays_trampoline_lowered:
0x8: {  	[smem:$0x3FA8] =	sst s0  }
0x9: {  	[smem:$0x3FA9] =	sst s1  }
0xa: {  	[smem:$0x3FAA] =	sst s2  }
0xb: {  	[smem:$0x3FAB] =	sst s3  }
0xc: {  	[smem:$0x3FAC] =	sst s4  }
0xd: {  	[smem:$0x3FAD] =	sst s5  }
0xe: {  	[smem:$0x3FAE] =	sst s6  }
0xf: {  	[smem:$0x3FAF] =	sst s7  }
0x10: {  	[smem:$0x3FB0] =	sst s8  }
0x11: {  	[smem:$0x3FB1] =	sst s9;
	s0 =	simm.s32 @!p0 $0x0  }
0x12: {  	s1 =	sld [smem:$0x3F97];
	s0 =	simm.s32 @p0 $0x1  }
0x13: {  	[smem:$0x3FB2] =	sst s0;
	s0 =	simm.s32 @!p1 $0x0  }
0x14: {  	s2 =	sld [smem:$0x3F96];
	s0 =	simm.s32 @p1 $0x1  }
0x15: {  	[smem:$0x3FB3] =	sst s0;
	s0 =	simm.s32 @!p2 $0x0  }
0x16: {  	s3 =	sld [smem:$0x3FDB];
	s0 =	simm.s32 @p2 $0x1  }
0x17: {  	s4 =	simm.s32 $0x1BF5;
	[smem:$0x3FB5] =	sst s0  }
0x18: {  	s0 =	sld [smem:$0x3F98];
	_ =	swait.ge [sflag:s4], $0x0  }
0x19: {  	s7 =	sld [smem:$0x3F99]  }
0x1a: {  	s8 =	sadd.s32 $0xFFFFE003, lr  }
0x1b: {  	s9 =	sadd.s32 $0xFFFFFEF7, lr;
	s5 =	simm.s32 $0xFFFFFFFF;
	p2 =	slt.u32 s8, $0xFFFFF086  }
0x1c: {  	p1 =	slt.u32 s9, $0xF7A;
	s5 =	simm.s32 @!p2 $0x0  }
0x1d: {  	s5 =	simm.s32 @p1 $0x1;
	p0 =	seq.s32 s7, s2  }
0x1e: {  	s7 =	smul.u32 @!p0 $0xF7A, s2;
	p2 =	seq.s32 @!p0 s5, $0x0  }
0x1f: {  	s9 =	smul.u32 $0xF7A, s1;
	s8 =	simm.s32 @!p0 $0x1BF5;
	p2 =	por !p2, p0  }
0x20: {  	[sflag:s8] =	ssyncset.s32 @!p0 $0xFFFFF086;
	s6 =	sadd.s32 @!p0 s3, s7;
	s7 =	simm.s32 @!p0 $0x108  }
0x21: {  	s3 =	sadd.s32 s3, s9;
	s6 =	sadd.s32 @!p0 $0x88, s6;
	s7 =	simm.s32 @p2 $0x1082  }
0x22: {  	[simem:s7], [sflag:s8] =	dma.local @!p0 [hbm:s6], $0xF7A  }
0x23: {  	s9 =	sor.u32 $0xD0000000, s2;
	s6 =	simm.s32 $0x108;
	_ =	swait.ge @!p0 [sflag:s8], $0x0  }
0x24: {  	s3 =	sadd.s32 $0x88, s3;
	s6 =	simm.s32 @!p1 $0x1082;
	[sflag:s4] =	ssyncset.s32 $0xFFFFF086  }
0x25: {  	[simem:s6], [sflag:s4] =	dma.local [hbm:s3], $0xF7A  }
0x26: {  	[smem:$0x3F99] =	sst s1;
	(tag) =	ssettag s2;
	_ =	strace s9  }
0x27: {  	s1 =	sld [smem:$0x3FA9]  }
0x28: {  	s2 =	sld [smem:$0x3FAA]  }
0x29: {  	s4 =	sld [smem:$0x3FAC]  }
0x2a: {  	p0 =	seq.s32 s5, $0x0;
	s5 =	sld [smem:$0x3FAD]  }
0x2b: {  	s6 =	sld [smem:$0x3FAE]  }
0x2c: {  	s7 =	sld [smem:$0x3FAF]  }
0x2d: {  	s3 =	simm.s32 $0x108;
	s8 =	sld [smem:$0x3FB0]  }
0x2e: {  	s3 =	simm.s32 @!p0 $0x1082;
	s9 =	sld [smem:$0x3FB1]  }
0x2f: {  	lr =	sadd.s32 s0, s3;
	s0 =	sld [smem:$0x3FA8]  }
0x30: {  	s3 =	sld [smem:$0x3FAB]  }
0x31: {  	[smem:$0x3FB4] =	sst s10  }
0x32: {  	s10 =	sld [smem:$0x3FB2];
	_ =	sdelay $0x3  }
0x33: {  	p0 =	seq.s32 s10, $0x1;
	s10 =	sld [smem:$0x3FB4];
	_ =	sdelay $0x3  }
0x34: {  	[smem:$0x3FB4] =	sst s10  }
0x35: {  	s10 =	sld [smem:$0x3FB3];
	_ =	sdelay $0x3  }
0x36: {  	p1 =	seq.s32 s10, $0x1;
	s10 =	sld [smem:$0x3FB4];
	_ =	sdelay $0x3  }
0x37: {  	[smem:$0x3FB4] =	sst s10  }
0x38: {  	s10 =	sld [smem:$0x3FB5]  }
0x39: {  	_ = 	snop;
	(pc) =	sbr.ind lr, $3  }
0x3a: {  	_ = 	snop  }
0x3b: {  	_ = 	snop  }
0x3c: {  	p2 =	seq.s32 s10, $0x1;
	s10 =	sld [smem:$0x3FB4]  }
0x3d: {  	_ =	shalt  }
0x3e: {  	_ =	shalt  }
0x3f: {  	_ =	shalt  }
0x40: {  	_ =	shalt  }
0x41: {  	_ =	shalt  }
0x42: {  	_ =	shalt  }
0x43: {  	_ =	shalt  }
0x44: {  	_ =	shalt  }
0x45: {  	_ =	shalt  }
0x46: {  	_ =	shalt  }
0x47: {  	_ =	shalt  }
0x48: {  	_ =	shalt  }
0x49: {  	_ =	shalt  }
0x4a: {  	_ =	shalt  }
0x4b: {  	_ =	shalt  }
0x4c: {  	_ =	shalt  }
0x4d: {  	_ =	shalt  }
0x4e: {  	_ =	shalt  }
0x4f: {  	_ =	shalt  }
0x50: {  	_ =	shalt  }
0x51: {  	_ =	shalt  }
0x52: {  	_ =	shalt  }
0x53: {  	_ =	shalt  }
0x54: {  	_ =	shalt  }
0x55: {  	_ =	shalt  }
0x56: {  	_ =	shalt  }
0x57: {  	_ =	shalt  }
0x58: {  	_ =	shalt  }
0x59: {  	_ =	shalt  }
0x5a: {  	_ =	shalt  }
0x5b: {  	_ =	shalt  }
0x5c: {  	_ =	shalt  }
0x5d: {  	_ =	shalt  }
0x5e: {  	_ =	shalt  }
0x5f: {  	_ =	shalt  }
0x60: {  	_ =	shalt  }
0x61: {  	_ =	shalt  }
0x62: {  	_ =	shalt  }
0x63: {  	_ =	shalt  }
0x64: {  	_ =	shalt  }
0x65: {  	_ =	shalt  }
0x66: {  	_ =	shalt  }
0x67: {  	_ =	shalt  }
0x68: {  	_ =	shalt  }
0x69: {  	_ =	shalt  }
0x6a: {  	_ =	shalt  }
0x6b: {  	_ =	shalt  }
0x6c: {  	_ =	shalt  }
0x6d: {  	_ =	shalt  }
0x6e: {  	_ =	shalt  }
0x6f: {  	_ =	shalt  }
0x70: {  	_ =	shalt  }
0x71: {  	_ =	shalt  }
0x72: {  	_ =	shalt  }
0x73: {  	_ =	shalt  }
0x74: {  	_ =	shalt  }
0x75: {  	_ =	shalt  }
0x76: {  	_ =	shalt  }
0x77: {  	_ =	shalt  }
0x78: {  	_ =	shalt  }
0x79: {  	_ =	shalt  }
0x7a: {  	_ =	shalt  }
0x7b: {  	_ =	shalt  }
0x7c: {  	_ =	shalt  }
0x7d: {  	_ =	shalt  }
0x7e: {  	_ =	shalt  }
0x7f: {  	_ =	shalt  }
0x80: {  	_ =	shalt  }
0x81: {  	_ =	shalt  }
0x82: {  	_ =	shalt  }
0x83: {  	_ =	shalt  }
0x84: {  	_ =	shalt  }
0x85: {  	_ =	shalt  }
0x86: {  	_ =	shalt  }
0x87: {  	_ =	shalt  }
.Lfunc_end0:
.L_simem_size_0:
called_computation.1_lowered:
.L_overlay_start_0:
0x88: {  	s2 =	sld [smem:$0x3FD9]  }
0x89: {  	s3 =	sld [smem:$0x3FFE];
	_ =	sdelay $0x1  }
0x8a: {  	s1 =	srdreg.scid  }
0x8b: {  	s0 =	sand.u32 $0x1, s1  }
0x8c: {  	s17 =	sshll.u32 s0, $0xA;
	s2 =	sadd.s32 s3, s2  }
0x8d: {  	s2 =	sadd.s32 s2, s17  }
0x8e: {  	[smem:$0x3FC0] =	sst s2  }
0x8f: {  	_ = 	snop  }
0x90: {  	s2 =	sld [smem:$0x3FD0];
	(tm) =	ssettm $0x1  }
0x91: {  	s18 =	sld [smem:$0x3FFB];
	_ =	sdelay $0x3  }
0x92: {  	_ =	strace s18  }
0x93: {  	s3 =	sld [smem:$0x3FFC];
	_ =	sdelay $0x3  }
0x94: {  	_ =	strace s3  }
0x95: {  	s3 =	sld [smem:$0x3FFD];
	_ =	sdelay $0x3  }
0x96: {  	_ =	strace s3  }
0x97: {  	_ =	strace $0x8FFFFFFF  }
0x98: {  	s19 =	sld [smem:$0x3FDB];
	_ =	sdelay $0x1  }
0x99: {  	s4 =	simm.s32 $_scs_section_size  }
0x9a: {  	s5 =	simm.s32 $_size__tile_overlayer_lowered;
	s6 =	simm.s32 $_tile_overlayer_lowered  }
0x9b: {  	s22 =	simm.s32 $0x1BFF;
	s21 =	sshll.u32 s6, $0x1;
	s3 =	sadd.s32 s4, s19  }
0x9c: {  	s7 =	simm.s32 $0x0;
	s20 =	sshll.u32 s5, $0x1;
	s5 =	sadd.s32 s21, s3  }
0x9d: {  	[timem:s7], [sflag:s22] =	dma.local [hbm:s5], s20  }
0x9e: {  	_ =	swait.ge [sflag:s22], s20  }
0x9f: {  	s4 =	ssub.s32 $0x0, s20;
	[sflag:s22] =	ssyncset.done $0x0  }
0xa0: {  	[sflag:s22] =	ssyncadd.s32 s4;
	_ =	sdelay $0x1  }
0xa1: {  	s23 =	simm.s32 $0x1B8B  }
0xa2: {  	_ =	swait.ge [sflag:s23], $0x1  }
0xa3: {  	[sflag:s23] =	ssyncset.done $0x0  }
0xa4: {  	s25 =	simm.s32 $0x1B8E;
	s24 =	sld [smem:$0x3FFE];
	[sflag:s23] =	ssyncadd.s32 $0xFFFFFFFF  }
0xa5: {  	s26 =	simm.s32 $execute0_lowered;
	[smem:$0x3FD2] =	sst s25  }
0xa6: {  	s5 =	sshll.u32 s26, $0x1;
	_ =	strace $0x80000049;
	[dreg:$0x1] =	wrdreg $0xFFFFFFFF  }
0xa7: {  	s28 =	simm.s32 $_size_execute0_lowered;
	s3 =	sadd.s32 s3, s5;
	[dreg:$0x0] =	wrdreg $0x0  }
0xa8: {  	s5 =	sshll.u32 s28, $0x1;
	[dreg:$0x2] =	wrdreg s3  }
0xa9: {  	[dreg:$0x3] =	wrdreg s5  }
0xaa: {  	[dreg:$0x4] =	wrdreg $0xC0  }
0xab: {  	_ =	task [dreg:s7], $0x5FFFF  }
0xac: {  	[dreg:$0x1] =	wrdreg $0xFFFFFFFF  }
0xad: {  	[dreg:$0x0] =	wrdreg $0x60  }
0xae: {  	[dreg:$0x2] =	wrdreg s2  }
0xaf: {  	[dreg:$0x3] =	wrdreg s24  }
0xb0: {  	[dreg:$0x4] =	wrdreg $0xBC000  }
0xb1: {  	[dreg:$0x5] =	wrdreg $0x9  }
0xb2: {  	_ =	task.clear_ibuf [dreg:s7], $0x6FFFF;
	_ =	strace $0x90000049  }
0xb3: {  	s29 =	simm.s32 $0x9;
	_ =	strace $0x8000004B  }
0xb4: {  	_ =	swait.ge [sflag:s29], $0x1  }
0xb5: {  	[sflag:s29] =	ssyncadd.s32 $0xFFFFFFFF  }
0xb6: {  	_ =	strace $0x9000004B  }
0xb7: {  	_ =	sfence  }
0xb8: {  	s30 =	sld [smem:$0x0];
	_ =	sdelay $0x2  }
0xb9: {  	s31 =	sshll.u32 s1, $0xD;
	s1 =	sshrl.u32 s1, $0x2  }
0xba: {  	s3 =	sand.u32 $0x4000, s31;
	s1 =	sadd.s32 s1, s30  }
0xbb: {  	s0 =	sor.u32 s3, s0;
	s1 =	sshll.u32 s1, $0x11  }
0xbc: {  	s0 =	sor.u32 s1, s0  }
0xbd: {  	s0 =	sadd.s32 $0x8F2B, s0  }
0xbe: {  	[sflag:s0] =	ssyncadd.remote.s32 $0x1  }
0xbf: {  	_ =	sfence.sel $0xFFFF  }
0xc0: {  	[dreg:$0x0] =	wrdreg $0xFFFFFFFF;
	(pc) =	sbr.abs _section_cstart, $3  }
0xc1: {  	[dreg:$0x1] =	wrdreg $0xFFFFFFFF  }
0xc2: {  	_ =	task.clear_ibuf [dreg:s7], $0x2FFFF;
	_ =	strace $0x9FFFFFFF  }
0xc3: {  	(tm) =	ssettm $0x7FFFFFFF  }
tec
execute0_lowered:
.L_overlay_start_1:
0x0: {  	(tag) =	ssettag $0x1  }
0x1: {  	s0 =	rddreg [dreg:$0x0]  }
0x2: {  	s2 =	rddreg [dreg:$0x1]  }
0x3: {  	s1 =	rddreg [dreg:$0x2]  }
0x4: {  	s3 =	simm.s32 $0x0;
	s4 =	srdreg.scid;
	s11 =	stileid.u32  }
0x5: {  	s29 =	simm.s32 $0xA800;
	s30 =	simm.s32 $0x3;
	s31 =	simm.s32 $0x1400  }
0x6: {  	s12 =	simm.s32 $0x0;
	[smem:$0x7FF] =	sst s3;
	s5 =	sand.u32 $0x1, s4  }
0x7: {  	s13 =	sshll.u32 s11, $0x1;
	s7 =	sadd.s32 $0x2800, s2;
	s8 =	smul.u32 $0x14000, s11  }
0x8: {  	s4 =	sadd.s32 $0xCC00, s2;
	s10 =	sadd.s32 $0xC800, s2;
	s11 =	smul.u32 $0x50000, s11  }
0x9: {  	_ =	strace $0x8000004A;
	s6 =	smul.u32 $0x140000, s5;
	s9 =	sor.u32 s5, s13  }
0xa: {  	[dreg:$0x4] =	wrdreg s10;
	s5 =	ssub.s32 $0x2, s5;
	s14 =	smul.u32 $0x500, s9  }
0xb: {  	s10 =	simm.s32 $0x2700;
	s15 =	smul.u32 $0x2800, s9;
	s16 =	sshrl.u32 s5, $0x1  }
0xc: {  	s19 =	sshrl.u32 s11, $0x2;
	s11 =	simm.s32 $0x2780;
	s6 =	sadd.s32 s8, s6  }
0xd: {  	s5 =	ssub.s32 s5, s16;
	s8 =	simm.s32 $0x1380;
	s6 =	sshrl.u32 s6, $0x3  }
0xe: {  	s17 =	sshrl.u32 s15, $0x3;
	s18 =	sadd.s32 s0, s14;
	s20 =	sadd.s32 s7, s14  }
0xf: {  	s14 =	sadd.s32 s19, s1;
	s22 =	smax.u32 s5, $0x1;
	[dreg:$0x5] =	wrdreg s18  }
0x10: {  	s5 =	simm.s32 $0x1;
	s2 =	sadd.s32 s6, s2;
	[dreg:$0x6] =	wrdreg s20  }
0x11: {  	s6 =	sadd.s32 $0x280, s17;
	[dreg:$0x9] =	wrdreg s22;
	s23 =	sadd.s32 $0x1400, s14  }
0x12: {  	s24 =	sadd.s32 $0x2800, s14;
	s25 =	sadd.s32 $0x3C00, s14;
	s26 =	sadd.s32 $0x5000, s14  }
0x13: {  	s16 =	sadd.s32 $0x6400, s14;
	s17 =	sadd.s32 $0x7800, s14;
	s18 =	sadd.s32 $0x8C00, s14  }
0x14: {  	s19 =	sadd.s32 $0xA000, s14;
	s20 =	sadd.s32 $0xB400, s14;
	[dreg:$0xa] =	wrdreg s23  }
0x15: {  	s22 =	sadd.s32 $0xDC00, s14;
	s28 =	sadd.s32 $0x12C00, s14;
	[dreg:$0xb] =	wrdreg s24  }
0x16: {  	s0 =	sadd.s32 s0, s6;
	s21 =	sadd.s32 s7, s6;
	[dreg:$0xc] =	wrdreg s25  }
0x17: {  	[dreg:$0xd] =	wrdreg s26;
	s23 =	sadd.s32 $0xF000, s14;
	s24 =	sadd.s32 $0x10400, s14  }
0x18: {  	s25 =	sadd.s32 $0x34C00, s2;
	s26 =	sadd.s32 $0x11800, s14;
	s2 =	simm.s32 $0x2800  }
0x19: {  	s6 =	simm.s32 $0x6800;
	s7 =	simm.s32 $0x2;
	[dreg:$0x7] =	wrdreg s0  }
0x1a: {  	[dreg:$0x8] =	wrdreg s21;
	s21 =	sadd.s32 $0xC800, s14;
	s0 =	simm.s32 $0x80  }
.LBB2_1:
0x1b: {  	s9 =	rddreg [dreg:$0x4]  }
0x1c: {  	[tilespmem:s29], [sflag:$0x3] =	stream.linear.gather [hbm4b:s9+s3], $0x1400, $0x38;
	[tilespmem:$0x1FC00] =	vst v63  }
0x1d: {  	_ =	swait.ge [sflag:s30], $0x1400  }
0x1e: {  	[sflag:s30] =	ssyncset.done $0x0  }
0x1f: {  	[sflag:s30] =	ssyncadd.s32 $0xFFFFEC00  }
0x20: {  	[spmem:s14] =	stream.linear.scatter [tilespmem:s29], [sflag:$0x3], $0x1400, $0x38;
	[tilespmem:$0x1FC00] =	vst v63  }
0x21: {  	_ =	swait.ge [sflag:s30], $0x1400  }
0x22: {  	[sflag:s30] =	ssyncset.done $0x0  }
0x23: {  	s13 =	rddreg [dreg:$0xa];
	[sflag:s30] =	ssyncadd.s32 $0xFFFFEC00  }
0x24: {  	[spmem:s13] =	stream.linear.scatter [tilespmem:s29], [sflag:$0x3], $0x1400, $0x38;
	[tilespmem:$0x1FC00] =	vst v63  }
0x25: {  	_ =	swait.ge [sflag:s30], $0x1400  }
0x26: {  	[sflag:s30] =	ssyncset.done $0x0  }
0x27: {  	s15 =	rddreg [dreg:$0xb];
	[sflag:s30] =	ssyncadd.s32 $0xFFFFEC00  }
0x28: {  	[spmem:s15] =	stream.linear.scatter [tilespmem:s29], [sflag:$0x3], $0x1400, $0x38;
	[tilespmem:$0x1FC00] =	vst v63  }
0x29: {  	_ =	swait.ge [sflag:s30], $0x1400  }
0x2a: {  	[sflag:s30] =	ssyncset.done $0x0  }
0x2b: {  	s13 =	rddreg [dreg:$0xc];
	[sflag:s30] =	ssyncadd.s32 $0xFFFFEC00  }
0x2c: {  	[spmem:s13] =	stream.linear.scatter [tilespmem:s29], [sflag:$0x3], $0x1400, $0x38;
	[tilespmem:$0x1FC00] =	vst v63  }
0x2d: {  	_ =	swait.ge [sflag:s30], $0x1400  }
0x2e: {  	[sflag:s30] =	ssyncset.done $0x0  }
0x2f: {  	s15 =	rddreg [dreg:$0xd];
	[sflag:s30] =	ssyncadd.s32 $0xFFFFEC00  }
0x30: {  	[spmem:s15] =	stream.linear.scatter [tilespmem:s29], [sflag:$0x3], $0x1400, $0x38;
	[tilespmem:$0x1FC00] =	vst v63  }
0x31: {  	_ =	swait.ge [sflag:s30], $0x1400  }
0x32: {  	[sflag:s30] =	ssyncset.done $0x0  }
0x33: {  	[sflag:s30] =	ssyncadd.s32 $0xFFFFEC00  }
0x34: {  	[spmem:s16] =	stream.linear.scatter [tilespmem:s29], [sflag:$0x3], $0x1400, $0x38;
	[tilespmem:$0x1FC00] =	vst v63  }
0x35: {  	_ =	swait.ge [sflag:s30], $0x1400  }
0x36: {  	[sflag:s30] =	ssyncset.done $0x0  }
0x37: {  	[sflag:s30] =	ssyncadd.s32 $0xFFFFEC00  }
0x38: {  	[spmem:s17] =	stream.linear.scatter [tilespmem:s29], [sflag:$0x3], $0x1400, $0x38;
	[tilespmem:$0x1FC00] =	vst v63  }
0x39: {  	_ =	swait.ge [sflag:s30], $0x1400  }
0x3a: {  	[sflag:s30] =	ssyncset.done $0x0  }
0x3b: {  	[sflag:s30] =	ssyncadd.s32 $0xFFFFEC00  }
0x3c: {  	[spmem:s18] =	stream.linear.scatter [tilespmem:s29], [sflag:$0x3], $0x1400, $0x38;
	[tilespmem:$0x1FC00] =	vst v63  }
0x3d: {  	_ =	swait.ge [sflag:s30], $0x1400  }
0x3e: {  	[sflag:s30] =	ssyncset.done $0x0  }
0x3f: {  	[sflag:s30] =	ssyncadd.s32 $0xFFFFEC00  }
0x40: {  	[spmem:s19] =	stream.linear.scatter [tilespmem:s29], [sflag:$0x3], $0x1400, $0x38;
	[tilespmem:$0x1FC00] =	vst v63  }
0x41: {  	_ =	swait.ge [sflag:s30], $0x1400  }
0x42: {  	[sflag:s30] =	ssyncset.done $0x0  }
0x43: {  	[sflag:s30] =	ssyncadd.s32 $0xFFFFEC00  }
0x44: {  	[spmem:s20] =	stream.linear.scatter [tilespmem:s29], [sflag:$0x3], $0x1400, $0x38;
	[tilespmem:$0x1FC00] =	vst v63  }
0x45: {  	_ =	swait.ge [sflag:s30], $0x1400  }
0x46: {  	[sflag:s30] =	ssyncset.done $0x0  }
0x47: {  	[sflag:s30] =	ssyncadd.s32 $0xFFFFEC00  }
0x48: {  	[spmem:s21] =	stream.linear.scatter [tilespmem:s29], [sflag:$0x3], $0x1400, $0x38;
	[tilespmem:$0x1FC00] =	vst v63  }
0x49: {  	_ =	swait.ge [sflag:s30], $0x1400  }
0x4a: {  	[sflag:s30] =	ssyncset.done $0x0  }
0x4b: {  	[sflag:s30] =	ssyncadd.s32 $0xFFFFEC00  }
0x4c: {  	[spmem:s22] =	stream.linear.scatter [tilespmem:s29], [sflag:$0x3], $0x1400, $0x38;
	[tilespmem:$0x1FC00] =	vst v63  }
0x4d: {  	_ =	swait.ge [sflag:s30], $0x1400  }
0x4e: {  	[sflag:s30] =	ssyncset.done $0x0  }
0x4f: {  	[sflag:s30] =	ssyncadd.s32 $0xFFFFEC00  }
0x50: {  	[spmem:s23] =	stream.linear.scatter [tilespmem:s29], [sflag:$0x3], $0x1400, $0x38;
	[tilespmem:$0x1FC00] =	vst v63  }
0x51: {  	_ =	swait.ge [sflag:s30], $0x1400  }
0x52: {  	[sflag:s30] =	ssyncset.done $0x0  }
0x53: {  	[sflag:s30] =	ssyncadd.s32 $0xFFFFEC00  }
0x54: {  	[spmem:s24] =	stream.linear.scatter [tilespmem:s29], [sflag:$0x3], $0x1400, $0x38;
	[tilespmem:$0x1FC00] =	vst v63  }
0x55: {  	_ =	swait.ge [sflag:s30], $0x1400  }
0x56: {  	[sflag:s30] =	ssyncset.done $0x0  }
0x57: {  	[sflag:s30] =	ssyncadd.s32 $0xFFFFEC00  }
0x58: {  	[spmem:s26] =	stream.linear.scatter [tilespmem:s29], [sflag:$0x3], $0x1400, $0x38;
	[tilespmem:$0x1FC00] =	vst v63  }
0x59: {  	_ =	swait.ge [sflag:s30], $0x1400  }
0x5a: {  	[sflag:s30] =	ssyncset.done $0x0  }
0x5b: {  	[sflag:s30] =	ssyncadd.s32 $0xFFFFEC00  }
0x5c: {  	[spmem:s28] =	stream.linear.scatter [tilespmem:s29], [sflag:$0x3], $0x1400, $0x38;
	[tilespmem:$0x1FC00] =	vst v63  }
0x5d: {  	_ =	swait.ge [sflag:s30], $0x1400  }
0x5e: {  	[sflag:s30] =	ssyncset.done $0x0  }
0x5f: {  	[sflag:s30] =	ssyncadd.s32 $0xFFFFEC00  }
0x60: {  	[bflag:$0x0] =	sbarrier.arrive $0xFFFF  }
0x61: {  	s13 =	rddreg [dreg:$0x5]  }
0x62: {  	[tilespmem:s3], [sflag:$0x3] =	stream.linear.gather [hbm4b:s13+s3], $0x1400, $0x38;
	[tilespmem:$0x1FC00] =	vst v63  }
0x63: {  	_ =	swait.ge [sflag:s30], $0x1400  }
0x64: {  	[sflag:s30] =	ssyncset.done $0x0  }
0x65: {  	s15 =	rddreg [dreg:$0x6];
	[sflag:s30] =	ssyncadd.s32 $0xFFFFEC00  }
0x66: {  	[tilespmem:s31], [sflag:$0x3] =	stream.linear.gather [hbm4b:s15+s3], $0x1400, $0x38;
	[tilespmem:$0x1FC00] =	vst v63  }
0x67: {  	_ =	swait.ge [sflag:s30], $0x1400  }
0x68: {  	[sflag:s30] =	ssyncset.done $0x0  }
0x69: {  	[sflag:s30] =	ssyncadd.s32 $0xFFFFEC00  }
0x6a: {  	[tilespmem:s2], [sflag:$0x1] =	stream.indirect.gather [hbm4b:s4+s0], $0x80, s3, s0, $0xb8;
	[tilespmem:$0x1FC00] =	vst v63  }
0x6b: {  	_ =	swait.ge [sflag:s5], $0x4000  }
0x6c: {  	[sflag:s5] =	ssyncset.done $0x0  }
0x6d: {  	s13 =	simm.s32 $0x80;
	[sflag:s5] =	ssyncadd.s32 $0xFFFFC000  }
0x6e: {  	[tilespmem:s6], [sflag:$0x2] =	stream.indirect.gather [hbm4b:s4+s0], $0x80, s13, s0, $0xb8;
	[tilespmem:$0x1FC00] =	vst v63  }
0x6f: {  	s15 =	simm.s32 $0x1400  }
0x70: {  	[spmem:s1] =	stream.indirect.scatter.add.f32 [tilespmem:s2], [sflag:$0x3], $0x80, s15, s0, $0xb8;
	[tilespmem:$0x1FC00] =	vst v63  }
0x71: {  	_ =	swait.ge [sflag:s30], $0x4000  }
0x72: {  	[sflag:s30] =	ssyncset.done $0x0  }
0x73: {  	[sflag:s30] =	ssyncadd.s32 $0xFFFFC000  }
0x74: {  	_ =	swait.ge [sflag:s7], $0x4000  }
0x75: {  	[sflag:s7] =	ssyncset.done $0x0  }
0x76: {  	s13 =	simm.s32 $0x100;
	[sflag:s7] =	ssyncadd.s32 $0xFFFFC000  }
0x77: {  	[tilespmem:s2], [sflag:$0x1] =	stream.indirect.gather [hbm4b:s4+s0], $0x80, s13, s0, $0xb8;
	[tilespmem:$0x1FC00] =	vst v63  }
0x78: {  	s15 =	simm.s32 $0x1480  }
0x79: {  	[spmem:s1] =	stream.indirect.scatter.add.f32 [tilespmem:s6], [sflag:$0x3], $0x80, s15, s0, $0xb8;
	[tilespmem:$0x1FC00] =	vst v63  }
0x7a: {  	_ =	swait.ge [sflag:s30], $0x4000  }
0x7b: {  	s13 =	simm.s32 $0x400;
	[sflag:s30] =	ssyncset.done $0x0  }
.LBB2_2:
0x7c: {  	p0 =	sne.s32 s13, $0x4800  }
0x7d: {  	[sflag:s30] =	ssyncadd.s32 $0xFFFFC000;
	s9 =	smov.u32 s13;
	s13 =	sadd.s32 $0x400, s13  }
0x7e: {  	_ = 	snop  }
0x7f: {  	_ =	swait.ge [sflag:s5], $0x4000  }
0x80: {  	s9 =	sshra.s32 s9, $0x2;
	[sflag:s5] =	ssyncset.done $0x0  }
0x81: {  	s15 =	sadd.s32 $0x80, s9;
	[sflag:s5] =	ssyncadd.s32 $0xFFFFC000  }
0x82: {  	[tilespmem:s6], [sflag:$0x2] =	stream.indirect.gather [hbm4b:s4+s0], $0x80, s15, s0, $0xb8;
	[tilespmem:$0x1FC00] =	vst v63  }
0x83: {  	s15 =	sadd.s32 $0x1400, s9  }
0x84: {  	[spmem:s1] =	stream.indirect.scatter.add.f32 [tilespmem:s2], [sflag:$0x3], $0x80, s15, s0, $0xb8;
	[tilespmem:$0x1FC00] =	vst v63  }
0x85: {  	_ =	swait.ge [sflag:s30], $0x4000  }
0x86: {  	[sflag:s30] =	ssyncset.done $0x0  }
0x87: {  	[sflag:s30] =	ssyncadd.s32 $0xFFFFC000  }
0x88: {  	_ =	swait.ge [sflag:s7], $0x4000  }
0x89: {  	[sflag:s7] =	ssyncset.done $0x0  }
0x8a: {  	s15 =	sadd.s32 $0x100, s9;
	[sflag:s7] =	ssyncadd.s32 $0xFFFFC000  }
0x8b: {  	[tilespmem:s2], [sflag:$0x1] =	stream.indirect.gather [hbm4b:s4+s0], $0x80, s15, s0, $0xb8;
	[tilespmem:$0x1FC00] =	vst v63  }
.Ltmp0:
0x8c: {  	_ = 	snop;
	(pc) =	sbr.rel @p0 .LBB2_2-.Ltmp0, $4  }
0x8d: {  	s9 =	sadd.s32 $0x1480, s9  }
0x8e: {  	[spmem:s1] =	stream.indirect.scatter.add.f32 [tilespmem:s6], [sflag:$0x3], $0x80, s9, s0, $0xb8;
	[tilespmem:$0x1FC00] =	vst v63  }
0x8f: {  	_ =	swait.ge [sflag:s30], $0x4000  }
0x90: {  	[sflag:s30] =	ssyncset.done $0x0  }
0x91: {  	[sflag:s30] =	ssyncadd.s32 $0xFFFFC000  }
0x92: {  	_ =	swait.ge [sflag:s5], $0x4000  }
0x93: {  	[sflag:s5] =	ssyncset.done $0x0  }
0x94: {  	[sflag:s5] =	ssyncadd.s32 $0xFFFFC000  }
0x95: {  	[tilespmem:s6], [sflag:$0x2] =	stream.indirect.gather [hbm4b:s4+s0], $0x80, s8, s0, $0xb8;
	[tilespmem:$0x1FC00] =	vst v63  }
0x96: {  	_ = 	snop  }
0x97: {  	[spmem:s1] =	stream.indirect.scatter.add.f32 [tilespmem:s2], [sflag:$0x3], $0x80, s10, s0, $0xb8;
	[tilespmem:$0x1FC00] =	vst v63  }
0x98: {  	_ =	swait.ge [sflag:s30], $0x4000  }
0x99: {  	[sflag:s30] =	ssyncset.done $0x0  }
0x9a: {  	[sflag:s30] =	ssyncadd.s32 $0xFFFFC000  }
0x9b: {  	_ =	swait.ge [sflag:s7], $0x4000  }
0x9c: {  	[sflag:s7] =	ssyncset.done $0x0  }
0x9d: {  	[sflag:s7] =	ssyncadd.s32 $0xFFFFC000  }
0x9e: {  	[tilespmem:s2], [sflag:$0x1] =	stream.indirect.gather [hbm4b:s4+s0], $0x80, s8, s0, $0xb8;
	[tilespmem:$0x1FC00] =	vst v63  }
0x9f: {  	_ = 	snop  }
0xa0: {  	[spmem:s1] =	stream.indirect.scatter.add.f32 [tilespmem:s6], [sflag:$0x3], $0x80, s11, s0, $0xb8;
	[tilespmem:$0x1FC00] =	vst v63  }
0xa1: {  	_ =	swait.ge [sflag:s30], $0x4000  }
0xa2: {  	[sflag:s30] =	ssyncset.done $0x0  }
0xa3: {  	[sflag:s30] =	ssyncadd.s32 $0xFFFFC000  }
0xa4: {  	_ =	swait.ge [sflag:s5], $0x4000  }
0xa5: {  	[sflag:s5] =	ssyncset.done $0x0  }
0xa6: {  	s9 =	simm.s32 $0x0;
	s13 =	rddreg [dreg:$0x7];
	[sflag:s5] =	ssyncadd.s32 $0xFFFFC000  }
0xa7: {  	[tilespmem:s9], [sflag:$0x3] =	stream.linear.gather [hbm4b:s13+s9], $0x1400, $0x38;
	[tilespmem:$0x1FC00] =	vst v63  }
0xa8: {  	_ =	swait.ge [sflag:s30], $0x1400  }
0xa9: {  	[sflag:s30] =	ssyncset.done $0x0  }
0xaa: {  	s15 =	rddreg [dreg:$0x8];
	[sflag:s30] =	ssyncadd.s32 $0xFFFFEC00  }
0xab: {  	[tilespmem:s31], [sflag:$0x3] =	stream.linear.gather [hbm4b:s15+s9], $0x1400, $0x38;
	[tilespmem:$0x1FC00] =	vst v63  }
0xac: {  	_ =	swait.ge [sflag:s30], $0x1400  }
0xad: {  	[sflag:s30] =	ssyncset.done $0x0  }
0xae: {  	[sflag:s30] =	ssyncadd.s32 $0xFFFFEC00  }
0xaf: {  	[tilespmem:s2], [sflag:$0x1] =	stream.indirect.gather [hbm4b:s4+s0], $0x80, s9, s0, $0xb8;
	[tilespmem:$0x1FC00] =	vst v63  }
0xb0: {  	_ =	swait.ge [sflag:s5], $0x4000  }
0xb1: {  	[sflag:s5] =	ssyncset.done $0x0  }
0xb2: {  	s13 =	simm.s32 $0x80;
	[sflag:s5] =	ssyncadd.s32 $0xFFFFC000  }
0xb3: {  	[tilespmem:s6], [sflag:$0x2] =	stream.indirect.gather [hbm4b:s4+s0], $0x80, s13, s0, $0xb8;
	[tilespmem:$0x1FC00] =	vst v63  }
0xb4: {  	s15 =	simm.s32 $0x1400  }
0xb5: {  	[spmem:s1] =	stream.indirect.scatter.add.f32 [tilespmem:s2], [sflag:$0x3], $0x80, s15, s0, $0xb8;
	[tilespmem:$0x1FC00] =	vst v63  }
0xb6: {  	_ =	swait.ge [sflag:s30], $0x4000  }
0xb7: {  	[sflag:s30] =	ssyncset.done $0x0  }
0xb8: {  	[sflag:s30] =	ssyncadd.s32 $0xFFFFC000  }
0xb9: {  	_ =	swait.ge [sflag:s7], $0x4000  }
0xba: {  	[sflag:s7] =	ssyncset.done $0x0  }
0xbb: {  	s13 =	simm.s32 $0x100;
	[sflag:s7] =	ssyncadd.s32 $0xFFFFC000  }
0xbc: {  	[tilespmem:s2], [sflag:$0x1] =	stream.indirect.gather [hbm4b:s4+s0], $0x80, s13, s0, $0xb8;
	[tilespmem:$0x1FC00] =	vst v63  }
0xbd: {  	s15 =	simm.s32 $0x1480  }
0xbe: {  	[spmem:s1] =	stream.indirect.scatter.add.f32 [tilespmem:s6], [sflag:$0x3], $0x80, s15, s0, $0xb8;
	[tilespmem:$0x1FC00] =	vst v63  }
0xbf: {  	_ =	swait.ge [sflag:s30], $0x4000  }
0xc0: {  	s13 =	simm.s32 $0x400;
	[sflag:s30] =	ssyncset.done $0x0  }
.LBB2_4:
0xc1: {  	p0 =	sne.s32 s13, $0x4800  }
0xc2: {  	[sflag:s30] =	ssyncadd.s32 $0xFFFFC000;
	s9 =	smov.u32 s13;
	s13 =	sadd.s32 $0x400, s13  }
0xc3: {  	_ = 	snop  }
0xc4: {  	_ =	swait.ge [sflag:s5], $0x4000  }
0xc5: {  	s9 =	sshra.s32 s9, $0x2;
	[sflag:s5] =	ssyncset.done $0x0  }
0xc6: {  	s15 =	sadd.s32 $0x80, s9;
	[sflag:s5] =	ssyncadd.s32 $0xFFFFC000  }
0xc7: {  	[tilespmem:s6], [sflag:$0x2] =	stream.indirect.gather [hbm4b:s4+s0], $0x80, s15, s0, $0xb8;
	[tilespmem:$0x1FC00] =	vst v63  }
0xc8: {  	s15 =	sadd.s32 $0x1400, s9  }
0xc9: {  	[spmem:s1] =	stream.indirect.scatter.add.f32 [tilespmem:s2], [sflag:$0x3], $0x80, s15, s0, $0xb8;
	[tilespmem:$0x1FC00] =	vst v63  }
0xca: {  	_ =	swait.ge [sflag:s30], $0x4000  }
0xcb: {  	[sflag:s30] =	ssyncset.done $0x0  }
0xcc: {  	[sflag:s30] =	ssyncadd.s32 $0xFFFFC000  }
0xcd: {  	_ =	swait.ge [sflag:s7], $0x4000  }
0xce: {  	[sflag:s7] =	ssyncset.done $0x0  }
0xcf: {  	s15 =	sadd.s32 $0x100, s9;
	[sflag:s7] =	ssyncadd.s32 $0xFFFFC000  }
0xd0: {  	[tilespmem:s2], [sflag:$0x1] =	stream.indirect.gather [hbm4b:s4+s0], $0x80, s15, s0, $0xb8;
	[tilespmem:$0x1FC00] =	vst v63  }
.Ltmp1:
0xd1: {  	_ = 	snop;
	(pc) =	sbr.rel @p0 .LBB2_4-.Ltmp1, $4  }
0xd2: {  	s9 =	sadd.s32 $0x1480, s9  }
0xd3: {  	[spmem:s1] =	stream.indirect.scatter.add.f32 [tilespmem:s6], [sflag:$0x3], $0x80, s9, s0, $0xb8;
	[tilespmem:$0x1FC00] =	vst v63  }
0xd4: {  	_ =	swait.ge [sflag:s30], $0x4000  }
0xd5: {  	[sflag:s30] =	ssyncset.done $0x0  }
0xd6: {  	[sflag:s30] =	ssyncadd.s32 $0xFFFFC000  }
0xd7: {  	_ =	swait.ge [sflag:s5], $0x4000  }
0xd8: {  	[sflag:s5] =	ssyncset.done $0x0  }
0xd9: {  	[sflag:s5] =	ssyncadd.s32 $0xFFFFC000  }
0xda: {  	[tilespmem:s6], [sflag:$0x2] =	stream.indirect.gather [hbm4b:s4+s0], $0x80, s8, s0, $0xb8;
	[tilespmem:$0x1FC00] =	vst v63  }
0xdb: {  	_ = 	snop  }
0xdc: {  	[spmem:s1] =	stream.indirect.scatter.add.f32 [tilespmem:s2], [sflag:$0x3], $0x80, s10, s0, $0xb8;
	[tilespmem:$0x1FC00] =	vst v63  }
0xdd: {  	_ =	swait.ge [sflag:s30], $0x4000  }
0xde: {  	[sflag:s30] =	ssyncset.done $0x0  }
0xdf: {  	[sflag:s30] =	ssyncadd.s32 $0xFFFFC000  }
0xe0: {  	_ =	swait.ge [sflag:s7], $0x4000  }
0xe1: {  	[sflag:s7] =	ssyncset.done $0x0  }
0xe2: {  	[sflag:s7] =	ssyncadd.s32 $0xFFFFC000  }
0xe3: {  	[tilespmem:s2], [sflag:$0x1] =	stream.indirect.gather [hbm4b:s4+s0], $0x80, s8, s0, $0xb8;
	[tilespmem:$0x1FC00] =	vst v63  }
0xe4: {  	_ = 	snop  }
0xe5: {  	[spmem:s1] =	stream.indirect.scatter.add.f32 [tilespmem:s6], [sflag:$0x3], $0x80, s11, s0, $0xb8;
	[tilespmem:$0x1FC00] =	vst v63  }
0xe6: {  	_ =	swait.ge [sflag:s30], $0x4000  }
0xe7: {  	[sflag:s30] =	ssyncset.done $0x0  }
0xe8: {  	[sflag:s30] =	ssyncadd.s32 $0xFFFFC000  }
0xe9: {  	_ =	swait.ge [sflag:s5], $0x4000  }
0xea: {  	[sflag:s5] =	ssyncset.done $0x0  }
0xeb: {  	[sflag:s5] =	ssyncadd.s32 $0xFFFFC000  }
0xec: {  	[bflag:$0x0] =	sbarrier.arrive $0xFFFF  }
0xed: {  	[tilespmem:s29], [sflag:$0x3] =	stream.linear.gather [spmem:s14], $0x1400, $0x38;
	[tilespmem:$0x1FC00] =	vst v63  }
0xee: {  	_ =	swait.ge [sflag:s30], $0x1400  }
0xef: {  	[sflag:s30] =	ssyncset.done $0x0  }
0xf0: {  	s9 =	sadd.s32 $0x0, s25;
	[sflag:s30] =	ssyncadd.s32 $0xFFFFEC00  }
0xf1: {  	[hbm4b:s9+s3] =	stream.linear.scatter [tilespmem:s29], [sflag:$0x3], $0x1400, $0x38;
	[tilespmem:$0x1FC00] =	vst v63  }
0xf2: {  	_ =	swait.ge [sflag:s30], $0x1400  }
0xf3: {  	s13 =	simm.s32 $0x280;
	s9 =	smov.u32 s14;
	[sflag:s30] =	ssyncset.done $0x0  }
.LBB2_6:
0xf4: {  	p0 =	sne.s32 s13, $0x2580;
	[sflag:s30] =	ssyncadd.s32 $0xFFFFEC00;
	s9 =	sadd.s32 $0x1400, s9  }
0xf5: {  	[tilespmem:s29], [sflag:$0x3] =	stream.linear.gather [spmem:s9], $0x1400, $0x38;
	[tilespmem:$0x1FC00] =	vst v63  }
0xf6: {  	s15 =	smov.u32 s13;
	s13 =	sadd.s32 $0x280, s13;
	_ =	swait.ge [sflag:s30], $0x1400  }
.Ltmp2:
0xf7: {  	[sflag:s30] =	ssyncset.done $0x0;
	(pc) =	sbr.rel @p0 .LBB2_6-.Ltmp2, $4  }
0xf8: {  	s15 =	sadd.s32 s15, s25;
	[sflag:s30] =	ssyncadd.s32 $0xFFFFEC00  }
0xf9: {  	[hbm4b:s15+s3] =	stream.linear.scatter [tilespmem:s29], [sflag:$0x3], $0x1400, $0x38;
	[tilespmem:$0x1FC00] =	vst v63  }
0xfa: {  	_ =	swait.ge [sflag:s30], $0x1400  }
0xfb: {  	[sflag:s30] =	ssyncset.done $0x0  }
0xfc: {  	s12 =	sadd.s32 $0x1, s12;
	s9 =	rddreg [dreg:$0x9]  }
0xfd: {  	p0 =	sne.s32 s12, s9  }
.Ltmp3:
0xfe: {  	_ = 	snop;
	(pc) =	sbr.rel @p0 .LBB2_1-.Ltmp3, $2  }
0xff: {  	_ =	sdelay $0x2  }
0x100: {  	[sflag:s30] =	ssyncadd.s32 $0xFFFFEC00  }
0x101: {  	_ =	sfence.sel $0x180000  }
0x102: {  	[bflag:$0x0] =	sbarrier.arrive $0xFFFF  }
0x103: {  	_ =	strace $0x9000004A  }
0x104: {  	s0 =	stileid.u32;
	[bflag:$0x2] =	sbarrier.arrive $0xFFFF  }
0x105: {  	p0 =	sne.s32 s0, $0x0;
	s0 =	rddreg [dreg:$0x3]  }
0x106: {  	s0 =	sadd.s32 @!p0 $0x100000, s0  }
0x107: {  	[sflag:s0] =	ssyncadd.tile.s32 @!p0 $0x1;
	_ =	shalt  }
.Lfunc_end2:
_tile_overlayer_lowered:
.L_overlay_start_2:
0x108: {  	(tag) =	ssettag $0x2  }
0x109: {  	s0 =	rddreg [dreg:$0x0];
	s2 =	stileid.u32  }
0x10a: {  	s1 =	rddreg [dreg:$0x1];
	p0 =	sne.s32 s2, $0x0  }
0x10b: {  	s3 =	rddreg [dreg:$0x2];
	[bflag:$0x3] =	sbarrier.arrive $0xFFFF;
	s2 =	simm.s32 @!p0 $0x1C03  }
0x10c: {  	[timem:s3], [sflag:s2] =	dma.local @!p0 [hbm:s0], s1  }
0x10d: {  	s0 =	simm.s32 @!p0 $0x3  }
0x10e: {  	_ =	swait.ge @!p0 [sflag:s0], s1  }
0x10f: {  	s1 =	ssub.s32 @!p0 $0x0, s1;
	[sflag:s0] =	ssyncset.done @!p0 $0x0  }
0x110: {  	[sflag:s0] =	ssyncadd.s32 @!p0 s1  }
0x111: {  	[bflag:$0x3] =	sbarrier.arrive $0xFFFF  }
0x112: {  	_ =	shalt  }

// kernel: kernel.16.cloned.1.call-start
scs
__scs_entry_jumppad:
0x0: {  	(pc) =	sbr.rel $0x88, $3  }
0x1: {  	(tag) =	ssettag $0x0;
	lr =	simm.s32 $0x1  }
0x2: {  	[smem:$0x3F99] =	sst lr;
	_ =	strace $0xD0000000  }
0x3: {  	_ = 	snop  }
0x4: {  	_ = 	snop  }
0x5: {  	_ = 	snop  }
0x6: {  	_ = 	snop  }
0x7: {  	_ = 	snop  }
__scs_overlays_trampoline_lowered:
0x8: {  	[smem:$0x3FA8] =	sst s0  }
0x9: {  	[smem:$0x3FA9] =	sst s1  }
0xa: {  	[smem:$0x3FAA] =	sst s2  }
0xb: {  	[smem:$0x3FAB] =	sst s3  }
0xc: {  	[smem:$0x3FAC] =	sst s4  }
0xd: {  	[smem:$0x3FAD] =	sst s5  }
0xe: {  	[smem:$0x3FAE] =	sst s6  }
0xf: {  	[smem:$0x3FAF] =	sst s7  }
0x10: {  	[smem:$0x3FB0] =	sst s8  }
0x11: {  	[smem:$0x3FB1] =	sst s9;
	s0 =	simm.s32 @!p0 $0x0  }
0x12: {  	s1 =	sld [smem:$0x3F97];
	s0 =	simm.s32 @p0 $0x1  }
0x13: {  	[smem:$0x3FB2] =	sst s0;
	s0 =	simm.s32 @!p1 $0x0  }
0x14: {  	s2 =	sld [smem:$0x3F96];
	s0 =	simm.s32 @p1 $0x1  }
0x15: {  	[smem:$0x3FB3] =	sst s0;
	s0 =	simm.s32 @!p2 $0x0  }
0x16: {  	s3 =	sld [smem:$0x3FDB];
	s0 =	simm.s32 @p2 $0x1  }
0x17: {  	s4 =	simm.s32 $0x1BF5;
	[smem:$0x3FB5] =	sst s0  }
0x18: {  	s0 =	sld [smem:$0x3F98];
	_ =	swait.ge [sflag:s4], $0x0  }
0x19: {  	s7 =	sld [smem:$0x3F99]  }
0x1a: {  	s8 =	sadd.s32 $0xFFFFE003, lr  }
0x1b: {  	s9 =	sadd.s32 $0xFFFFFEF7, lr;
	s5 =	simm.s32 $0xFFFFFFFF;
	p2 =	slt.u32 s8, $0xFFFFF086  }
0x1c: {  	p1 =	slt.u32 s9, $0xF7A;
	s5 =	simm.s32 @!p2 $0x0  }
0x1d: {  	s5 =	simm.s32 @p1 $0x1;
	p0 =	seq.s32 s7, s2  }
0x1e: {  	s7 =	smul.u32 @!p0 $0xF7A, s2;
	p2 =	seq.s32 @!p0 s5, $0x0  }
0x1f: {  	s9 =	smul.u32 $0xF7A, s1;
	s8 =	simm.s32 @!p0 $0x1BF5;
	p2 =	por !p2, p0  }
0x20: {  	[sflag:s8] =	ssyncset.s32 @!p0 $0xFFFFF086;
	s6 =	sadd.s32 @!p0 s3, s7;
	s7 =	simm.s32 @!p0 $0x108  }
0x21: {  	s3 =	sadd.s32 s3, s9;
	s6 =	sadd.s32 @!p0 $0x88, s6;
	s7 =	simm.s32 @p2 $0x1082  }
0x22: {  	[simem:s7], [sflag:s8] =	dma.local @!p0 [hbm:s6], $0xF7A  }
0x23: {  	s9 =	sor.u32 $0xD0000000, s2;
	s6 =	simm.s32 $0x108;
	_ =	swait.ge @!p0 [sflag:s8], $0x0  }
0x24: {  	s3 =	sadd.s32 $0x88, s3;
	s6 =	simm.s32 @!p1 $0x1082;
	[sflag:s4] =	ssyncset.s32 $0xFFFFF086  }
0x25: {  	[simem:s6], [sflag:s4] =	dma.local [hbm:s3], $0xF7A  }
0x26: {  	[smem:$0x3F99] =	sst s1;
	(tag) =	ssettag s2;
	_ =	strace s9  }
0x27: {  	s1 =	sld [smem:$0x3FA9]  }
0x28: {  	s2 =	sld [smem:$0x3FAA]  }
0x29: {  	s4 =	sld [smem:$0x3FAC]  }
0x2a: {  	p0 =	seq.s32 s5, $0x0;
	s5 =	sld [smem:$0x3FAD]  }
0x2b: {  	s6 =	sld [smem:$0x3FAE]  }
0x2c: {  	s7 =	sld [smem:$0x3FAF]  }
0x2d: {  	s3 =	simm.s32 $0x108;
	s8 =	sld [smem:$0x3FB0]  }
0x2e: {  	s3 =	simm.s32 @!p0 $0x1082;
	s9 =	sld [smem:$0x3FB1]  }
0x2f: {  	lr =	sadd.s32 s0, s3;
	s0 =	sld [smem:$0x3FA8]  }
0x30: {  	s3 =	sld [smem:$0x3FAB]  }
0x31: {  	[smem:$0x3FB4] =	sst s10  }
0x32: {  	s10 =	sld [smem:$0x3FB2];
	_ =	sdelay $0x3  }
0x33: {  	p0 =	seq.s32 s10, $0x1;
	s10 =	sld [smem:$0x3FB4];
	_ =	sdelay $0x3  }
0x34: {  	[smem:$0x3FB4] =	sst s10  }
0x35: {  	s10 =	sld [smem:$0x3FB3];
	_ =	sdelay $0x3  }
0x36: {  	p1 =	seq.s32 s10, $0x1;
	s10 =	sld [smem:$0x3FB4];
	_ =	sdelay $0x3  }
0x37: {  	[smem:$0x3FB4] =	sst s10  }
0x38: {  	s10 =	sld [smem:$0x3FB5]  }
0x39: {  	_ = 	snop;
	(pc) =	sbr.ind lr, $3  }
0x3a: {  	_ = 	snop  }
0x3b: {  	_ = 	snop  }
0x3c: {  	p2 =	seq.s32 s10, $0x1;
	s10 =	sld [smem:$0x3FB4]  }
0x3d: {  	_ =	shalt  }
0x3e: {  	_ =	shalt  }
0x3f: {  	_ =	shalt  }
0x40: {  	_ =	shalt  }
0x41: {  	_ =	shalt  }
0x42: {  	_ =	shalt  }
0x43: {  	_ =	shalt  }
0x44: {  	_ =	shalt  }
0x45: {  	_ =	shalt  }
0x46: {  	_ =	shalt  }
0x47: {  	_ =	shalt  }
0x48: {  	_ =	shalt  }
0x49: {  	_ =	shalt  }
0x4a: {  	_ =	shalt  }
0x4b: {  	_ =	shalt  }
0x4c: {  	_ =	shalt  }
0x4d: {  	_ =	shalt  }
0x4e: {  	_ =	shalt  }
0x4f: {  	_ =	shalt  }
0x50: {  	_ =	shalt  }
0x51: {  	_ =	shalt  }
0x52: {  	_ =	shalt  }
0x53: {  	_ =	shalt  }
0x54: {  	_ =	shalt  }
0x55: {  	_ =	shalt  }
0x56: {  	_ =	shalt  }
0x57: {  	_ =	shalt  }
0x58: {  	_ =	shalt  }
0x59: {  	_ =	shalt  }
0x5a: {  	_ =	shalt  }
0x5b: {  	_ =	shalt  }
0x5c: {  	_ =	shalt  }
0x5d: {  	_ =	shalt  }
0x5e: {  	_ =	shalt  }
0x5f: {  	_ =	shalt  }
0x60: {  	_ =	shalt  }
0x61: {  	_ =	shalt  }
0x62: {  	_ =	shalt  }
0x63: {  	_ =	shalt  }
0x64: {  	_ =	shalt  }
0x65: {  	_ =	shalt  }
0x66: {  	_ =	shalt  }
0x67: {  	_ =	shalt  }
0x68: {  	_ =	shalt  }
0x69: {  	_ =	shalt  }
0x6a: {  	_ =	shalt  }
0x6b: {  	_ =	shalt  }
0x6c: {  	_ =	shalt  }
0x6d: {  	_ =	shalt  }
0x6e: {  	_ =	shalt  }
0x6f: {  	_ =	shalt  }
0x70: {  	_ =	shalt  }
0x71: {  	_ =	shalt  }
0x72: {  	_ =	shalt  }
0x73: {  	_ =	shalt  }
0x74: {  	_ =	shalt  }
0x75: {  	_ =	shalt  }
0x76: {  	_ =	shalt  }
0x77: {  	_ =	shalt  }
0x78: {  	_ =	shalt  }
0x79: {  	_ =	shalt  }
0x7a: {  	_ =	shalt  }
0x7b: {  	_ =	shalt  }
0x7c: {  	_ =	shalt  }
0x7d: {  	_ =	shalt  }
0x7e: {  	_ =	shalt  }
0x7f: {  	_ =	shalt  }
0x80: {  	_ =	shalt  }
0x81: {  	_ =	shalt  }
0x82: {  	_ =	shalt  }
0x83: {  	_ =	shalt  }
0x84: {  	_ =	shalt  }
0x85: {  	_ =	shalt  }
0x86: {  	_ =	shalt  }
0x87: {  	_ =	shalt  }
.Lfunc_end0:
.L_simem_size_0:
called_computation.2_lowered:
.L_overlay_start_0:
0x88: {  	s2 =	sld [smem:$0x3FD9]  }
0x89: {  	s3 =	sld [smem:$0x3FFE];
	_ =	sdelay $0x1  }
0x8a: {  	s1 =	srdreg.scid  }
0x8b: {  	s0 =	sand.u32 $0x1, s1  }
0x8c: {  	s17 =	sshll.u32 s0, $0xA;
	s2 =	sadd.s32 s3, s2  }
0x8d: {  	s2 =	sadd.s32 s2, s17  }
0x8e: {  	[smem:$0x3FC0] =	sst s2  }
0x8f: {  	_ = 	snop  }
0x90: {  	s2 =	sld [smem:$0x3FD0];
	(tm) =	ssettm $0x1  }
0x91: {  	s18 =	sld [smem:$0x3FFB];
	_ =	sdelay $0x3  }
0x92: {  	_ =	strace s18  }
0x93: {  	s3 =	sld [smem:$0x3FFC];
	_ =	sdelay $0x3  }
0x94: {  	_ =	strace s3  }
0x95: {  	s3 =	sld [smem:$0x3FFD];
	_ =	sdelay $0x3  }
0x96: {  	_ =	strace s3  }
0x97: {  	_ =	strace $0x8FFFFFFF  }
0x98: {  	s19 =	sld [smem:$0x3FDB];
	_ =	sdelay $0x1  }
0x99: {  	s4 =	simm.s32 $_scs_section_size  }
0x9a: {  	s5 =	simm.s32 $_size__tile_overlayer_lowered;
	s6 =	simm.s32 $_tile_overlayer_lowered  }
0x9b: {  	s22 =	simm.s32 $0x1BFF;
	s21 =	sshll.u32 s6, $0x1;
	s3 =	sadd.s32 s4, s19  }
0x9c: {  	s7 =	simm.s32 $0x0;
	s20 =	sshll.u32 s5, $0x1;
	s5 =	sadd.s32 s21, s3  }
0x9d: {  	[timem:s7], [sflag:s22] =	dma.local [hbm:s5], s20  }
0x9e: {  	_ =	swait.ge [sflag:s22], s20  }
0x9f: {  	s4 =	ssub.s32 $0x0, s20;
	[sflag:s22] =	ssyncset.done $0x0  }
0xa0: {  	[sflag:s22] =	ssyncadd.s32 s4;
	_ =	sdelay $0x1  }
0xa1: {  	s23 =	simm.s32 $0x1B8B  }
0xa2: {  	_ =	swait.ge [sflag:s23], $0x1  }
0xa3: {  	[sflag:s23] =	ssyncset.done $0x0  }
0xa4: {  	s25 =	simm.s32 $0x1B8E;
	s24 =	sld [smem:$0x3FFE];
	[sflag:s23] =	ssyncadd.s32 $0xFFFFFFFF  }
0xa5: {  	s26 =	simm.s32 $execute0_lowered;
	[smem:$0x3FD2] =	sst s25  }
0xa6: {  	s5 =	sshll.u32 s26, $0x1;
	_ =	strace $0x8000004C;
	[dreg:$0x1] =	wrdreg $0xFFFFFFFF  }
0xa7: {  	s28 =	simm.s32 $_size_execute0_lowered;
	s3 =	sadd.s32 s3, s5;
	[dreg:$0x0] =	wrdreg $0x0  }
0xa8: {  	s5 =	sshll.u32 s28, $0x1;
	[dreg:$0x2] =	wrdreg s3  }
0xa9: {  	[dreg:$0x3] =	wrdreg s5  }
0xaa: {  	[dreg:$0x4] =	wrdreg $0xC0  }
0xab: {  	_ =	task [dreg:s7], $0x5FFFF  }
0xac: {  	[dreg:$0x1] =	wrdreg $0xFFFFFFFF  }
0xad: {  	[dreg:$0x0] =	wrdreg $0x60  }
0xae: {  	[dreg:$0x2] =	wrdreg s2  }
0xaf: {  	[dreg:$0x3] =	wrdreg s24  }
0xb0: {  	[dreg:$0x4] =	wrdreg $0xBC000  }
0xb1: {  	[dreg:$0x5] =	wrdreg $0x9  }
0xb2: {  	_ =	task.clear_ibuf [dreg:s7], $0x6FFFF;
	_ =	strace $0x9000004C  }
0xb3: {  	s29 =	simm.s32 $0x9;
	_ =	strace $0x8000004E  }
0xb4: {  	_ =	swait.ge [sflag:s29], $0x1  }
0xb5: {  	[sflag:s29] =	ssyncadd.s32 $0xFFFFFFFF  }
0xb6: {  	_ =	strace $0x9000004E  }
0xb7: {  	_ =	sfence  }
0xb8: {  	s30 =	sld [smem:$0x0];
	_ =	sdelay $0x2  }
0xb9: {  	s31 =	sshll.u32 s1, $0xD;
	s1 =	sshrl.u32 s1, $0x2  }
0xba: {  	s3 =	sand.u32 $0x4000, s31;
	s1 =	sadd.s32 s1, s30  }
0xbb: {  	s0 =	sor.u32 s3, s0;
	s1 =	sshll.u32 s1, $0x11  }
0xbc: {  	s0 =	sor.u32 s1, s0  }
0xbd: {  	s0 =	sadd.s32 $0x8F2B, s0  }
0xbe: {  	[sflag:s0] =	ssyncadd.remote.s32 $0x1  }
0xbf: {  	_ =	sfence.sel $0xFFFF  }
0xc0: {  	[dreg:$0x0] =	wrdreg $0xFFFFFFFF;
	(pc) =	sbr.abs _section_cstart, $3  }
0xc1: {  	[dreg:$0x1] =	wrdreg $0xFFFFFFFF  }
0xc2: {  	_ =	task.clear_ibuf [dreg:s7], $0x2FFFF;
	_ =	strace $0x9FFFFFFF  }
0xc3: {  	(tm) =	ssettm $0x7FFFFFFF  }
tec
execute0_lowered:
.L_overlay_start_1:
0x0: {  	(tag) =	ssettag $0x1  }
0x1: {  	s0 =	rddreg [dreg:$0x0]  }
0x2: {  	s2 =	rddreg [dreg:$0x1]  }
0x3: {  	s1 =	rddreg [dreg:$0x2]  }
0x4: {  	s3 =	simm.s32 $0x0;
	s4 =	srdreg.scid;
	s11 =	stileid.u32  }
0x5: {  	s29 =	simm.s32 $0xA800;
	s30 =	simm.s32 $0x3;
	s31 =	simm.s32 $0x1400  }
0x6: {  	s12 =	simm.s32 $0x0;
	[smem:$0x7FF] =	sst s3;
	s5 =	sand.u32 $0x1, s4  }
0x7: {  	s13 =	sshll.u32 s11, $0x1;
	s7 =	sadd.s32 $0x2800, s2;
	s8 =	smul.u32 $0x14000, s11  }
0x8: {  	s4 =	sadd.s32 $0xCC00, s2;
	s10 =	sadd.s32 $0xC800, s2;
	s11 =	smul.u32 $0x50000, s11  }
0x9: {  	_ =	strace $0x8000004D;
	s6 =	smul.u32 $0x140000, s5;
	s9 =	sor.u32 s5, s13  }
0xa: {  	[dreg:$0x4] =	wrdreg s10;
	s5 =	ssub.s32 $0x2, s5;
	s14 =	smul.u32 $0x500, s9  }
0xb: {  	s10 =	simm.s32 $0x2700;
	s15 =	smul.u32 $0x2800, s9;
	s16 =	sshrl.u32 s5, $0x1  }
0xc: {  	s19 =	sshrl.u32 s11, $0x2;
	s11 =	simm.s32 $0x2780;
	s6 =	sadd.s32 s8, s6  }
0xd: {  	s5 =	ssub.s32 s5, s16;
	s8 =	simm.s32 $0x1380;
	s6 =	sshrl.u32 s6, $0x3  }
0xe: {  	s17 =	sshrl.u32 s15, $0x3;
	s18 =	sadd.s32 s0, s14;
	s20 =	sadd.s32 s7, s14  }
0xf: {  	s14 =	sadd.s32 s19, s1;
	s22 =	smax.u32 s5, $0x1;
	[dreg:$0x5] =	wrdreg s18  }
0x10: {  	s5 =	simm.s32 $0x1;
	s2 =	sadd.s32 s6, s2;
	[dreg:$0x6] =	wrdreg s20  }
0x11: {  	s6 =	sadd.s32 $0x280, s17;
	[dreg:$0x9] =	wrdreg s22;
	s23 =	sadd.s32 $0x1400, s14  }
0x12: {  	s24 =	sadd.s32 $0x2800, s14;
	s25 =	sadd.s32 $0x3C00, s14;
	s26 =	sadd.s32 $0x5000, s14  }
0x13: {  	s16 =	sadd.s32 $0x6400, s14;
	s17 =	sadd.s32 $0x7800, s14;
	s18 =	sadd.s32 $0x8C00, s14  }
0x14: {  	s19 =	sadd.s32 $0xA000, s14;
	s20 =	sadd.s32 $0xB400, s14;
	[dreg:$0xa] =	wrdreg s23  }
0x15: {  	s22 =	sadd.s32 $0xDC00, s14;
	s28 =	sadd.s32 $0x12C00, s14;
	[dreg:$0xb] =	wrdreg s24  }
0x16: {  	s0 =	sadd.s32 s0, s6;
	s21 =	sadd.s32 s7, s6;
	[dreg:$0xc] =	wrdreg s25  }
0x17: {  	[dreg:$0xd] =	wrdreg s26;
	s23 =	sadd.s32 $0xF000, s14;
	s24 =	sadd.s32 $0x10400, s14  }
0x18: {  	s25 =	sadd.s32 $0x34C00, s2;
	s26 =	sadd.s32 $0x11800, s14;
	s2 =	simm.s32 $0x2800  }
0x19: {  	s6 =	simm.s32 $0x6800;
	s7 =	simm.s32 $0x2;
	[dreg:$0x7] =	wrdreg s0  }
0x1a: {  	[dreg:$0x8] =	wrdreg s21;
	s21 =	sadd.s32 $0xC800, s14;
	s0 =	simm.s32 $0x80  }
.LBB2_1:
0x1b: {  	s9 =	rddreg [dreg:$0x4]  }
0x1c: {  	[tilespmem:s29], [sflag:$0x3] =	stream.linear.gather [hbm4b:s9+s3], $0x1400, $0x38;
	[tilespmem:$0x1FC00] =	vst v63  }
0x1d: {  	_ =	swait.ge [sflag:s30], $0x1400  }
0x1e: {  	[sflag:s30] =	ssyncset.done $0x0  }
0x1f: {  	[sflag:s30] =	ssyncadd.s32 $0xFFFFEC00  }
0x20: {  	[spmem:s14] =	stream.linear.scatter [tilespmem:s29], [sflag:$0x3], $0x1400, $0x38;
	[tilespmem:$0x1FC00] =	vst v63  }
0x21: {  	_ =	swait.ge [sflag:s30], $0x1400  }
0x22: {  	[sflag:s30] =	ssyncset.done $0x0  }
0x23: {  	s13 =	rddreg [dreg:$0xa];
	[sflag:s30] =	ssyncadd.s32 $0xFFFFEC00  }
0x24: {  	[spmem:s13] =	stream.linear.scatter [tilespmem:s29], [sflag:$0x3], $0x1400, $0x38;
	[tilespmem:$0x1FC00] =	vst v63  }
0x25: {  	_ =	swait.ge [sflag:s30], $0x1400  }
0x26: {  	[sflag:s30] =	ssyncset.done $0x0  }
0x27: {  	s15 =	rddreg [dreg:$0xb];
	[sflag:s30] =	ssyncadd.s32 $0xFFFFEC00  }
0x28: {  	[spmem:s15] =	stream.linear.scatter [tilespmem:s29], [sflag:$0x3], $0x1400, $0x38;
	[tilespmem:$0x1FC00] =	vst v63  }
0x29: {  	_ =	swait.ge [sflag:s30], $0x1400  }
0x2a: {  	[sflag:s30] =	ssyncset.done $0x0  }
0x2b: {  	s13 =	rddreg [dreg:$0xc];
	[sflag:s30] =	ssyncadd.s32 $0xFFFFEC00  }
0x2c: {  	[spmem:s13] =	stream.linear.scatter [tilespmem:s29], [sflag:$0x3], $0x1400, $0x38;
	[tilespmem:$0x1FC00] =	vst v63  }
0x2d: {  	_ =	swait.ge [sflag:s30], $0x1400  }
0x2e: {  	[sflag:s30] =	ssyncset.done $0x0  }
0x2f: {  	s15 =	rddreg [dreg:$0xd];
	[sflag:s30] =	ssyncadd.s32 $0xFFFFEC00  }
0x30: {  	[spmem:s15] =	stream.linear.scatter [tilespmem:s29], [sflag:$0x3], $0x1400, $0x38;
	[tilespmem:$0x1FC00] =	vst v63  }
0x31: {  	_ =	swait.ge [sflag:s30], $0x1400  }
0x32: {  	[sflag:s30] =	ssyncset.done $0x0  }
0x33: {  	[sflag:s30] =	ssyncadd.s32 $0xFFFFEC00  }
0x34: {  	[spmem:s16] =	stream.linear.scatter [tilespmem:s29], [sflag:$0x3], $0x1400, $0x38;
	[tilespmem:$0x1FC00] =	vst v63  }
0x35: {  	_ =	swait.ge [sflag:s30], $0x1400  }
0x36: {  	[sflag:s30] =	ssyncset.done $0x0  }
0x37: {  	[sflag:s30] =	ssyncadd.s32 $0xFFFFEC00  }
0x38: {  	[spmem:s17] =	stream.linear.scatter [tilespmem:s29], [sflag:$0x3], $0x1400, $0x38;
	[tilespmem:$0x1FC00] =	vst v63  }
0x39: {  	_ =	swait.ge [sflag:s30], $0x1400  }
0x3a: {  	[sflag:s30] =	ssyncset.done $0x0  }
0x3b: {  	[sflag:s30] =	ssyncadd.s32 $0xFFFFEC00  }
0x3c: {  	[spmem:s18] =	stream.linear.scatter [tilespmem:s29], [sflag:$0x3], $0x1400, $0x38;
	[tilespmem:$0x1FC00] =	vst v63  }
0x3d: {  	_ =	swait.ge [sflag:s30], $0x1400  }
0x3e: {  	[sflag:s30] =	ssyncset.done $0x0  }
0x3f: {  	[sflag:s30] =	ssyncadd.s32 $0xFFFFEC00  }
0x40: {  	[spmem:s19] =	stream.linear.scatter [tilespmem:s29], [sflag:$0x3], $0x1400, $0x38;
	[tilespmem:$0x1FC00] =	vst v63  }
0x41: {  	_ =	swait.ge [sflag:s30], $0x1400  }
0x42: {  	[sflag:s30] =	ssyncset.done $0x0  }
0x43: {  	[sflag:s30] =	ssyncadd.s32 $0xFFFFEC00  }
0x44: {  	[spmem:s20] =	stream.linear.scatter [tilespmem:s29], [sflag:$0x3], $0x1400, $0x38;
	[tilespmem:$0x1FC00] =	vst v63  }
0x45: {  	_ =	swait.ge [sflag:s30], $0x1400  }
0x46: {  	[sflag:s30] =	ssyncset.done $0x0  }
0x47: {  	[sflag:s30] =	ssyncadd.s32 $0xFFFFEC00  }
0x48: {  	[spmem:s21] =	stream.linear.scatter [tilespmem:s29], [sflag:$0x3], $0x1400, $0x38;
	[tilespmem:$0x1FC00] =	vst v63  }
0x49: {  	_ =	swait.ge [sflag:s30], $0x1400  }
0x4a: {  	[sflag:s30] =	ssyncset.done $0x0  }
0x4b: {  	[sflag:s30] =	ssyncadd.s32 $0xFFFFEC00  }
0x4c: {  	[spmem:s22] =	stream.linear.scatter [tilespmem:s29], [sflag:$0x3], $0x1400, $0x38;
	[tilespmem:$0x1FC00] =	vst v63  }
0x4d: {  	_ =	swait.ge [sflag:s30], $0x1400  }
0x4e: {  	[sflag:s30] =	ssyncset.done $0x0  }
0x4f: {  	[sflag:s30] =	ssyncadd.s32 $0xFFFFEC00  }
0x50: {  	[spmem:s23] =	stream.linear.scatter [tilespmem:s29], [sflag:$0x3], $0x1400, $0x38;
	[tilespmem:$0x1FC00] =	vst v63  }
0x51: {  	_ =	swait.ge [sflag:s30], $0x1400  }
0x52: {  	[sflag:s30] =	ssyncset.done $0x0  }
0x53: {  	[sflag:s30] =	ssyncadd.s32 $0xFFFFEC00  }
0x54: {  	[spmem:s24] =	stream.linear.scatter [tilespmem:s29], [sflag:$0x3], $0x1400, $0x38;
	[tilespmem:$0x1FC00] =	vst v63  }
0x55: {  	_ =	swait.ge [sflag:s30], $0x1400  }
0x56: {  	[sflag:s30] =	ssyncset.done $0x0  }
0x57: {  	[sflag:s30] =	ssyncadd.s32 $0xFFFFEC00  }
0x58: {  	[spmem:s26] =	stream.linear.scatter [tilespmem:s29], [sflag:$0x3], $0x1400, $0x38;
	[tilespmem:$0x1FC00] =	vst v63  }
0x59: {  	_ =	swait.ge [sflag:s30], $0x1400  }
0x5a: {  	[sflag:s30] =	ssyncset.done $0x0  }
0x5b: {  	[sflag:s30] =	ssyncadd.s32 $0xFFFFEC00  }
0x5c: {  	[spmem:s28] =	stream.linear.scatter [tilespmem:s29], [sflag:$0x3], $0x1400, $0x38;
	[tilespmem:$0x1FC00] =	vst v63  }
0x5d: {  	_ =	swait.ge [sflag:s30], $0x1400  }
0x5e: {  	[sflag:s30] =	ssyncset.done $0x0  }
0x5f: {  	[sflag:s30] =	ssyncadd.s32 $0xFFFFEC00  }
0x60: {  	[bflag:$0x0] =	sbarrier.arrive $0xFFFF  }
0x61: {  	s13 =	rddreg [dreg:$0x5]  }
0x62: {  	[tilespmem:s3], [sflag:$0x3] =	stream.linear.gather [hbm4b:s13+s3], $0x1400, $0x38;
	[tilespmem:$0x1FC00] =	vst v63  }
0x63: {  	_ =	swait.ge [sflag:s30], $0x1400  }
0x64: {  	[sflag:s30] =	ssyncset.done $0x0  }
0x65: {  	s15 =	rddreg [dreg:$0x6];
	[sflag:s30] =	ssyncadd.s32 $0xFFFFEC00  }
0x66: {  	[tilespmem:s31], [sflag:$0x3] =	stream.linear.gather [hbm4b:s15+s3], $0x1400, $0x38;
	[tilespmem:$0x1FC00] =	vst v63  }
0x67: {  	_ =	swait.ge [sflag:s30], $0x1400  }
0x68: {  	[sflag:s30] =	ssyncset.done $0x0  }
0x69: {  	[sflag:s30] =	ssyncadd.s32 $0xFFFFEC00  }
0x6a: {  	[tilespmem:s2], [sflag:$0x1] =	stream.indirect.gather [hbm4b:s4+s0], $0x80, s3, s0, $0xb8;
	[tilespmem:$0x1FC00] =	vst v63  }
0x6b: {  	_ =	swait.ge [sflag:s5], $0x4000  }
0x6c: {  	[sflag:s5] =	ssyncset.done $0x0  }
0x6d: {  	s13 =	simm.s32 $0x80;
	[sflag:s5] =	ssyncadd.s32 $0xFFFFC000  }
0x6e: {  	[tilespmem:s6], [sflag:$0x2] =	stream.indirect.gather [hbm4b:s4+s0], $0x80, s13, s0, $0xb8;
	[tilespmem:$0x1FC00] =	vst v63  }
0x6f: {  	s15 =	simm.s32 $0x1400  }
0x70: {  	[spmem:s1] =	stream.indirect.scatter.add.f32 [tilespmem:s2], [sflag:$0x3], $0x80, s15, s0, $0xb8;
	[tilespmem:$0x1FC00] =	vst v63  }
0x71: {  	_ =	swait.ge [sflag:s30], $0x4000  }
0x72: {  	[sflag:s30] =	ssyncset.done $0x0  }
0x73: {  	[sflag:s30] =	ssyncadd.s32 $0xFFFFC000  }
0x74: {  	_ =	swait.ge [sflag:s7], $0x4000  }
0x75: {  	[sflag:s7] =	ssyncset.done $0x0  }
0x76: {  	s13 =	simm.s32 $0x100;
	[sflag:s7] =	ssyncadd.s32 $0xFFFFC000  }
0x77: {  	[tilespmem:s2], [sflag:$0x1] =	stream.indirect.gather [hbm4b:s4+s0], $0x80, s13, s0, $0xb8;
	[tilespmem:$0x1FC00] =	vst v63  }
0x78: {  	s15 =	simm.s32 $0x1480  }
0x79: {  	[spmem:s1] =	stream.indirect.scatter.add.f32 [tilespmem:s6], [sflag:$0x3], $0x80, s15, s0, $0xb8;
	[tilespmem:$0x1FC00] =	vst v63  }
0x7a: {  	_ =	swait.ge [sflag:s30], $0x4000  }
0x7b: {  	s13 =	simm.s32 $0x400;
	[sflag:s30] =	ssyncset.done $0x0  }
.LBB2_2:
0x7c: {  	p0 =	sne.s32 s13, $0x4800  }
0x7d: {  	[sflag:s30] =	ssyncadd.s32 $0xFFFFC000;
	s9 =	smov.u32 s13;
	s13 =	sadd.s32 $0x400, s13  }
0x7e: {  	_ = 	snop  }
0x7f: {  	_ =	swait.ge [sflag:s5], $0x4000  }
0x80: {  	s9 =	sshra.s32 s9, $0x2;
	[sflag:s5] =	ssyncset.done $0x0  }
0x81: {  	s15 =	sadd.s32 $0x80, s9;
	[sflag:s5] =	ssyncadd.s32 $0xFFFFC000  }
0x82: {  	[tilespmem:s6], [sflag:$0x2] =	stream.indirect.gather [hbm4b:s4+s0], $0x80, s15, s0, $0xb8;
	[tilespmem:$0x1FC00] =	vst v63  }
0x83: {  	s15 =	sadd.s32 $0x1400, s9  }
0x84: {  	[spmem:s1] =	stream.indirect.scatter.add.f32 [tilespmem:s2], [sflag:$0x3], $0x80, s15, s0, $0xb8;
	[tilespmem:$0x1FC00] =	vst v63  }
0x85: {  	_ =	swait.ge [sflag:s30], $0x4000  }
0x86: {  	[sflag:s30] =	ssyncset.done $0x0  }
0x87: {  	[sflag:s30] =	ssyncadd.s32 $0xFFFFC000  }
0x88: {  	_ =	swait.ge [sflag:s7], $0x4000  }
0x89: {  	[sflag:s7] =	ssyncset.done $0x0  }
0x8a: {  	s15 =	sadd.s32 $0x100, s9;
	[sflag:s7] =	ssyncadd.s32 $0xFFFFC000  }
0x8b: {  	[tilespmem:s2], [sflag:$0x1] =	stream.indirect.gather [hbm4b:s4+s0], $0x80, s15, s0, $0xb8;
	[tilespmem:$0x1FC00] =	vst v63  }
.Ltmp0:
0x8c: {  	_ = 	snop;
	(pc) =	sbr.rel @p0 .LBB2_2-.Ltmp0, $4  }
0x8d: {  	s9 =	sadd.s32 $0x1480, s9  }
0x8e: {  	[spmem:s1] =	stream.indirect.scatter.add.f32 [tilespmem:s6], [sflag:$0x3], $0x80, s9, s0, $0xb8;
	[tilespmem:$0x1FC00] =	vst v63  }
0x8f: {  	_ =	swait.ge [sflag:s30], $0x4000  }
0x90: {  	[sflag:s30] =	ssyncset.done $0x0  }
0x91: {  	[sflag:s30] =	ssyncadd.s32 $0xFFFFC000  }
0x92: {  	_ =	swait.ge [sflag:s5], $0x4000  }
0x93: {  	[sflag:s5] =	ssyncset.done $0x0  }
0x94: {  	[sflag:s5] =	ssyncadd.s32 $0xFFFFC000  }
0x95: {  	[tilespmem:s6], [sflag:$0x2] =	stream.indirect.gather [hbm4b:s4+s0], $0x80, s8, s0, $0xb8;
	[tilespmem:$0x1FC00] =	vst v63  }
0x96: {  	_ = 	snop  }
0x97: {  	[spmem:s1] =	stream.indirect.scatter.add.f32 [tilespmem:s2], [sflag:$0x3], $0x80, s10, s0, $0xb8;
	[tilespmem:$0x1FC00] =	vst v63  }
0x98: {  	_ =	swait.ge [sflag:s30], $0x4000  }
0x99: {  	[sflag:s30] =	ssyncset.done $0x0  }
0x9a: {  	[sflag:s30] =	ssyncadd.s32 $0xFFFFC000  }
0x9b: {  	_ =	swait.ge [sflag:s7], $0x4000  }
0x9c: {  	[sflag:s7] =	ssyncset.done $0x0  }
0x9d: {  	[sflag:s7] =	ssyncadd.s32 $0xFFFFC000  }
0x9e: {  	[tilespmem:s2], [sflag:$0x1] =	stream.indirect.gather [hbm4b:s4+s0], $0x80, s8, s0, $0xb8;
	[tilespmem:$0x1FC00] =	vst v63  }
0x9f: {  	_ = 	snop  }
0xa0: {  	[spmem:s1] =	stream.indirect.scatter.add.f32 [tilespmem:s6], [sflag:$0x3], $0x80, s11, s0, $0xb8;
	[tilespmem:$0x1FC00] =	vst v63  }
0xa1: {  	_ =	swait.ge [sflag:s30], $0x4000  }
0xa2: {  	[sflag:s30] =	ssyncset.done $0x0  }
0xa3: {  	[sflag:s30] =	ssyncadd.s32 $0xFFFFC000  }
0xa4: {  	_ =	swait.ge [sflag:s5], $0x4000  }
0xa5: {  	[sflag:s5] =	ssyncset.done $0x0  }
0xa6: {  	s9 =	simm.s32 $0x0;
	s13 =	rddreg [dreg:$0x7];
	[sflag:s5] =	ssyncadd.s32 $0xFFFFC000  }
0xa7: {  	[tilespmem:s9], [sflag:$0x3] =	stream.linear.gather [hbm4b:s13+s9], $0x1400, $0x38;
	[tilespmem:$0x1FC00] =	vst v63  }
0xa8: {  	_ =	swait.ge [sflag:s30], $0x1400  }
0xa9: {  	[sflag:s30] =	ssyncset.done $0x0  }
0xaa: {  	s15 =	rddreg [dreg:$0x8];
	[sflag:s30] =	ssyncadd.s32 $0xFFFFEC00  }
0xab: {  	[tilespmem:s31], [sflag:$0x3] =	stream.linear.gather [hbm4b:s15+s9], $0x1400, $0x38;
	[tilespmem:$0x1FC00] =	vst v63  }
0xac: {  	_ =	swait.ge [sflag:s30], $0x1400  }
0xad: {  	[sflag:s30] =	ssyncset.done $0x0  }
0xae: {  	[sflag:s30] =	ssyncadd.s32 $0xFFFFEC00  }
0xaf: {  	[tilespmem:s2], [sflag:$0x1] =	stream.indirect.gather [hbm4b:s4+s0], $0x80, s9, s0, $0xb8;
	[tilespmem:$0x1FC00] =	vst v63  }
0xb0: {  	_ =	swait.ge [sflag:s5], $0x4000  }
0xb1: {  	[sflag:s5] =	ssyncset.done $0x0  }
0xb2: {  	s13 =	simm.s32 $0x80;
	[sflag:s5] =	ssyncadd.s32 $0xFFFFC000  }
0xb3: {  	[tilespmem:s6], [sflag:$0x2] =	stream.indirect.gather [hbm4b:s4+s0], $0x80, s13, s0, $0xb8;
	[tilespmem:$0x1FC00] =	vst v63  }
0xb4: {  	s15 =	simm.s32 $0x1400  }
0xb5: {  	[spmem:s1] =	stream.indirect.scatter.add.f32 [tilespmem:s2], [sflag:$0x3], $0x80, s15, s0, $0xb8;
	[tilespmem:$0x1FC00] =	vst v63  }
0xb6: {  	_ =	swait.ge [sflag:s30], $0x4000  }
0xb7: {  	[sflag:s30] =	ssyncset.done $0x0  }
0xb8: {  	[sflag:s30] =	ssyncadd.s32 $0xFFFFC000  }
0xb9: {  	_ =	swait.ge [sflag:s7], $0x4000  }
0xba: {  	[sflag:s7] =	ssyncset.done $0x0  }
0xbb: {  	s13 =	simm.s32 $0x100;
	[sflag:s7] =	ssyncadd.s32 $0xFFFFC000  }
0xbc: {  	[tilespmem:s2], [sflag:$0x1] =	stream.indirect.gather [hbm4b:s4+s0], $0x80, s13, s0, $0xb8;
	[tilespmem:$0x1FC00] =	vst v63  }
0xbd: {  	s15 =	simm.s32 $0x1480  }
0xbe: {  	[spmem:s1] =	stream.indirect.scatter.add.f32 [tilespmem:s6], [sflag:$0x3], $0x80, s15, s0, $0xb8;
	[tilespmem:$0x1FC00] =	vst v63  }
0xbf: {  	_ =	swait.ge [sflag:s30], $0x4000  }
0xc0: {  	s13 =	simm.s32 $0x400;
	[sflag:s30] =	ssyncset.done $0x0  }
.LBB2_4:
0xc1: {  	p0 =	sne.s32 s13, $0x4800  }
0xc2: {  	[sflag:s30] =	ssyncadd.s32 $0xFFFFC000;
	s9 =	smov.u32 s13;
	s13 =	sadd.s32 $0x400, s13  }
0xc3: {  	_ = 	snop  }
0xc4: {  	_ =	swait.ge [sflag:s5], $0x4000  }
0xc5: {  	s9 =	sshra.s32 s9, $0x2;
	[sflag:s5] =	ssyncset.done $0x0  }
0xc6: {  	s15 =	sadd.s32 $0x80, s9;
	[sflag:s5] =	ssyncadd.s32 $0xFFFFC000  }
0xc7: {  	[tilespmem:s6], [sflag:$0x2] =	stream.indirect.gather [hbm4b:s4+s0], $0x80, s15, s0, $0xb8;
	[tilespmem:$0x1FC00] =	vst v63  }
0xc8: {  	s15 =	sadd.s32 $0x1400, s9  }
0xc9: {  	[spmem:s1] =	stream.indirect.scatter.add.f32 [tilespmem:s2], [sflag:$0x3], $0x80, s15, s0, $0xb8;
	[tilespmem:$0x1FC00] =	vst v63  }
0xca: {  	_ =	swait.ge [sflag:s30], $0x4000  }
0xcb: {  	[sflag:s30] =	ssyncset.done $0x0  }
0xcc: {  	[sflag:s30] =	ssyncadd.s32 $0xFFFFC000  }
0xcd: {  	_ =	swait.ge [sflag:s7], $0x4000  }
0xce: {  	[sflag:s7] =	ssyncset.done $0x0  }
0xcf: {  	s15 =	sadd.s32 $0x100, s9;
	[sflag:s7] =	ssyncadd.s32 $0xFFFFC000  }
0xd0: {  	[tilespmem:s2], [sflag:$0x1] =	stream.indirect.gather [hbm4b:s4+s0], $0x80, s15, s0, $0xb8;
	[tilespmem:$0x1FC00] =	vst v63  }
.Ltmp1:
0xd1: {  	_ = 	snop;
	(pc) =	sbr.rel @p0 .LBB2_4-.Ltmp1, $4  }
0xd2: {  	s9 =	sadd.s32 $0x1480, s9  }
0xd3: {  	[spmem:s1] =	stream.indirect.scatter.add.f32 [tilespmem:s6], [sflag:$0x3], $0x80, s9, s0, $0xb8;
	[tilespmem:$0x1FC00] =	vst v63  }
0xd4: {  	_ =	swait.ge [sflag:s30], $0x4000  }
0xd5: {  	[sflag:s30] =	ssyncset.done $0x0  }
0xd6: {  	[sflag:s30] =	ssyncadd.s32 $0xFFFFC000  }
0xd7: {  	_ =	swait.ge [sflag:s5], $0x4000  }
0xd8: {  	[sflag:s5] =	ssyncset.done $0x0  }
0xd9: {  	[sflag:s5] =	ssyncadd.s32 $0xFFFFC000  }
0xda: {  	[tilespmem:s6], [sflag:$0x2] =	stream.indirect.gather [hbm4b:s4+s0], $0x80, s8, s0, $0xb8;
	[tilespmem:$0x1FC00] =	vst v63  }
0xdb: {  	_ = 	snop  }
0xdc: {  	[spmem:s1] =	stream.indirect.scatter.add.f32 [tilespmem:s2], [sflag:$0x3], $0x80, s10, s0, $0xb8;
	[tilespmem:$0x1FC00] =	vst v63  }
0xdd: {  	_ =	swait.ge [sflag:s30], $0x4000  }
0xde: {  	[sflag:s30] =	ssyncset.done $0x0  }
0xdf: {  	[sflag:s30] =	ssyncadd.s32 $0xFFFFC000  }
0xe0: {  	_ =	swait.ge [sflag:s7], $0x4000  }
0xe1: {  	[sflag:s7] =	ssyncset.done $0x0  }
0xe2: {  	[sflag:s7] =	ssyncadd.s32 $0xFFFFC000  }
0xe3: {  	[tilespmem:s2], [sflag:$0x1] =	stream.indirect.gather [hbm4b:s4+s0], $0x80, s8, s0, $0xb8;
	[tilespmem:$0x1FC00] =	vst v63  }
0xe4: {  	_ = 	snop  }
0xe5: {  	[spmem:s1] =	stream.indirect.scatter.add.f32 [tilespmem:s6], [sflag:$0x3], $0x80, s11, s0, $0xb8;
	[tilespmem:$0x1FC00] =	vst v63  }
0xe6: {  	_ =	swait.ge [sflag:s30], $0x4000  }
0xe7: {  	[sflag:s30] =	ssyncset.done $0x0  }
0xe8: {  	[sflag:s30] =	ssyncadd.s32 $0xFFFFC000  }
0xe9: {  	_ =	swait.ge [sflag:s5], $0x4000  }
0xea: {  	[sflag:s5] =	ssyncset.done $0x0  }
0xeb: {  	[sflag:s5] =	ssyncadd.s32 $0xFFFFC000  }
0xec: {  	[bflag:$0x0] =	sbarrier.arrive $0xFFFF  }
0xed: {  	[tilespmem:s29], [sflag:$0x3] =	stream.linear.gather [spmem:s14], $0x1400, $0x38;
	[tilespmem:$0x1FC00] =	vst v63  }
0xee: {  	_ =	swait.ge [sflag:s30], $0x1400  }
0xef: {  	[sflag:s30] =	ssyncset.done $0x0  }
0xf0: {  	s9 =	sadd.s32 $0x0, s25;
	[sflag:s30] =	ssyncadd.s32 $0xFFFFEC00  }
0xf1: {  	[hbm4b:s9+s3] =	stream.linear.scatter [tilespmem:s29], [sflag:$0x3], $0x1400, $0x38;
	[tilespmem:$0x1FC00] =	vst v63  }
0xf2: {  	_ =	swait.ge [sflag:s30], $0x1400  }
0xf3: {  	s13 =	simm.s32 $0x280;
	s9 =	smov.u32 s14;
	[sflag:s30] =	ssyncset.done $0x0  }
.LBB2_6:
0xf4: {  	p0 =	sne.s32 s13, $0x2580;
	[sflag:s30] =	ssyncadd.s32 $0xFFFFEC00;
	s9 =	sadd.s32 $0x1400, s9  }
0xf5: {  	[tilespmem:s29], [sflag:$0x3] =	stream.linear.gather [spmem:s9], $0x1400, $0x38;
	[tilespmem:$0x1FC00] =	vst v63  }
0xf6: {  	s15 =	smov.u32 s13;
	s13 =	sadd.s32 $0x280, s13;
	_ =	swait.ge [sflag:s30], $0x1400  }
.Ltmp2:
0xf7: {  	[sflag:s30] =	ssyncset.done $0x0;
	(pc) =	sbr.rel @p0 .LBB2_6-.Ltmp2, $4  }
0xf8: {  	s15 =	sadd.s32 s15, s25;
	[sflag:s30] =	ssyncadd.s32 $0xFFFFEC00  }
0xf9: {  	[hbm4b:s15+s3] =	stream.linear.scatter [tilespmem:s29], [sflag:$0x3], $0x1400, $0x38;
	[tilespmem:$0x1FC00] =	vst v63  }
0xfa: {  	_ =	swait.ge [sflag:s30], $0x1400  }
0xfb: {  	[sflag:s30] =	ssyncset.done $0x0  }
0xfc: {  	s12 =	sadd.s32 $0x1, s12;
	s9 =	rddreg [dreg:$0x9]  }
0xfd: {  	p0 =	sne.s32 s12, s9  }
.Ltmp3:
0xfe: {  	_ = 	snop;
	(pc) =	sbr.rel @p0 .LBB2_1-.Ltmp3, $2  }
0xff: {  	_ =	sdelay $0x2  }
0x100: {  	[sflag:s30] =	ssyncadd.s32 $0xFFFFEC00  }
0x101: {  	_ =	sfence.sel $0x180000  }
0x102: {  	[bflag:$0x0] =	sbarrier.arrive $0xFFFF  }
0x103: {  	_ =	strace $0x9000004D  }
0x104: {  	s0 =	stileid.u32;
	[bflag:$0x2] =	sbarrier.arrive $0xFFFF  }
0x105: {  	p0 =	sne.s32 s0, $0x0;
	s0 =	rddreg [dreg:$0x3]  }
0x106: {  	s0 =	sadd.s32 @!p0 $0x100000, s0  }
0x107: {  	[sflag:s0] =	ssyncadd.tile.s32 @!p0 $0x1;
	_ =	shalt  }
.Lfunc_end2:
_tile_overlayer_lowered:
.L_overlay_start_2:
0x108: {  	(tag) =	ssettag $0x2  }
0x109: {  	s0 =	rddreg [dreg:$0x0];
	s2 =	stileid.u32  }
0x10a: {  	s1 =	rddreg [dreg:$0x1];
	p0 =	sne.s32 s2, $0x0  }
0x10b: {  	s3 =	rddreg [dreg:$0x2];
	[bflag:$0x3] =	sbarrier.arrive $0xFFFF;
	s2 =	simm.s32 @!p0 $0x1C03  }
0x10c: {  	[timem:s3], [sflag:s2] =	dma.local @!p0 [hbm:s0], s1  }
0x10d: {  	s0 =	simm.s32 @!p0 $0x3  }
0x10e: {  	_ =	swait.ge @!p0 [sflag:s0], s1  }
0x10f: {  	s1 =	ssub.s32 @!p0 $0x0, s1;
	[sflag:s0] =	ssyncset.done @!p0 $0x0  }
0x110: {  	[sflag:s0] =	ssyncadd.s32 @!p0 s1  }
0x111: {  	[bflag:$0x3] =	sbarrier.arrive $0xFFFF  }
0x112: {  	_ =	shalt  }

// kernel: kernel.19.cloned.1.call-start
scs
__scs_entry_jumppad:
0x0: {  	(pc) =	sbr.rel $0x88, $3  }
0x1: {  	(tag) =	ssettag $0x0;
	lr =	simm.s32 $0x1  }
0x2: {  	[smem:$0x3F99] =	sst lr;
	_ =	strace $0xD0000000  }
0x3: {  	_ = 	snop  }
0x4: {  	_ = 	snop  }
0x5: {  	_ = 	snop  }
0x6: {  	_ = 	snop  }
0x7: {  	_ = 	snop  }
__scs_overlays_trampoline_lowered:
0x8: {  	[smem:$0x3FA8] =	sst s0  }
0x9: {  	[smem:$0x3FA9] =	sst s1  }
0xa: {  	[smem:$0x3FAA] =	sst s2  }
0xb: {  	[smem:$0x3FAB] =	sst s3  }
0xc: {  	[smem:$0x3FAC] =	sst s4  }
0xd: {  	[smem:$0x3FAD] =	sst s5  }
0xe: {  	[smem:$0x3FAE] =	sst s6  }
0xf: {  	[smem:$0x3FAF] =	sst s7  }
0x10: {  	[smem:$0x3FB0] =	sst s8  }
0x11: {  	[smem:$0x3FB1] =	sst s9;
	s0 =	simm.s32 @!p0 $0x0  }
0x12: {  	s1 =	sld [smem:$0x3F97];
	s0 =	simm.s32 @p0 $0x1  }
0x13: {  	[smem:$0x3FB2] =	sst s0;
	s0 =	simm.s32 @!p1 $0x0  }
0x14: {  	s2 =	sld [smem:$0x3F96];
	s0 =	simm.s32 @p1 $0x1  }
0x15: {  	[smem:$0x3FB3] =	sst s0;
	s0 =	simm.s32 @!p2 $0x0  }
0x16: {  	s3 =	sld [smem:$0x3FDB];
	s0 =	simm.s32 @p2 $0x1  }
0x17: {  	s4 =	simm.s32 $0x1BF5;
	[smem:$0x3FB5] =	sst s0  }
0x18: {  	s0 =	sld [smem:$0x3F98];
	_ =	swait.ge [sflag:s4], $0x0  }
0x19: {  	s7 =	sld [smem:$0x3F99]  }
0x1a: {  	s8 =	sadd.s32 $0xFFFFE003, lr  }
0x1b: {  	s9 =	sadd.s32 $0xFFFFFEF7, lr;
	s5 =	simm.s32 $0xFFFFFFFF;
	p2 =	slt.u32 s8, $0xFFFFF086  }
0x1c: {  	p1 =	slt.u32 s9, $0xF7A;
	s5 =	simm.s32 @!p2 $0x0  }
0x1d: {  	s5 =	simm.s32 @p1 $0x1;
	p0 =	seq.s32 s7, s2  }
0x1e: {  	s7 =	smul.u32 @!p0 $0xF7A, s2;
	p2 =	seq.s32 @!p0 s5, $0x0  }
0x1f: {  	s9 =	smul.u32 $0xF7A, s1;
	s8 =	simm.s32 @!p0 $0x1BF5;
	p2 =	por !p2, p0  }
0x20: {  	[sflag:s8] =	ssyncset.s32 @!p0 $0xFFFFF086;
	s6 =	sadd.s32 @!p0 s3, s7;
	s7 =	simm.s32 @!p0 $0x108  }
0x21: {  	s3 =	sadd.s32 s3, s9;
	s6 =	sadd.s32 @!p0 $0x88, s6;
	s7 =	simm.s32 @p2 $0x1082  }
0x22: {  	[simem:s7], [sflag:s8] =	dma.local @!p0 [hbm:s6], $0xF7A  }
0x23: {  	s9 =	sor.u32 $0xD0000000, s2;
	s6 =	simm.s32 $0x108;
	_ =	swait.ge @!p0 [sflag:s8], $0x0  }
0x24: {  	s3 =	sadd.s32 $0x88, s3;
	s6 =	simm.s32 @!p1 $0x1082;
	[sflag:s4] =	ssyncset.s32 $0xFFFFF086  }
0x25: {  	[simem:s6], [sflag:s4] =	dma.local [hbm:s3], $0xF7A  }
0x26: {  	[smem:$0x3F99] =	sst s1;
	(tag) =	ssettag s2;
	_ =	strace s9  }
0x27: {  	s1 =	sld [smem:$0x3FA9]  }
0x28: {  	s2 =	sld [smem:$0x3FAA]  }
0x29: {  	s4 =	sld [smem:$0x3FAC]  }
0x2a: {  	p0 =	seq.s32 s5, $0x0;
	s5 =	sld [smem:$0x3FAD]  }
0x2b: {  	s6 =	sld [smem:$0x3FAE]  }
0x2c: {  	s7 =	sld [smem:$0x3FAF]  }
0x2d: {  	s3 =	simm.s32 $0x108;
	s8 =	sld [smem:$0x3FB0]  }
0x2e: {  	s3 =	simm.s32 @!p0 $0x1082;
	s9 =	sld [smem:$0x3FB1]  }
0x2f: {  	lr =	sadd.s32 s0, s3;
	s0 =	sld [smem:$0x3FA8]  }
0x30: {  	s3 =	sld [smem:$0x3FAB]  }
0x31: {  	[smem:$0x3FB4] =	sst s10  }
0x32: {  	s10 =	sld [smem:$0x3FB2];
	_ =	sdelay $0x3  }
0x33: {  	p0 =	seq.s32 s10, $0x1;
	s10 =	sld [smem:$0x3FB4];
	_ =	sdelay $0x3  }
0x34: {  	[smem:$0x3FB4] =	sst s10  }
0x35: {  	s10 =	sld [smem:$0x3FB3];
	_ =	sdelay $0x3  }
0x36: {  	p1 =	seq.s32 s10, $0x1;
	s10 =	sld [smem:$0x3FB4];
	_ =	sdelay $0x3  }
0x37: {  	[smem:$0x3FB4] =	sst s10  }
0x38: {  	s10 =	sld [smem:$0x3FB5]  }
0x39: {  	_ = 	snop;
	(pc) =	sbr.ind lr, $3  }
0x3a: {  	_ = 	snop  }
0x3b: {  	_ = 	snop  }
0x3c: {  	p2 =	seq.s32 s10, $0x1;
	s10 =	sld [smem:$0x3FB4]  }
0x3d: {  	_ =	shalt  }
0x3e: {  	_ =	shalt  }
0x3f: {  	_ =	shalt  }
0x40: {  	_ =	shalt  }
0x41: {  	_ =	shalt  }
0x42: {  	_ =	shalt  }
0x43: {  	_ =	shalt  }
0x44: {  	_ =	shalt  }
0x45: {  	_ =	shalt  }
0x46: {  	_ =	shalt  }
0x47: {  	_ =	shalt  }
0x48: {  	_ =	shalt  }
0x49: {  	_ =	shalt  }
0x4a: {  	_ =	shalt  }
0x4b: {  	_ =	shalt  }
0x4c: {  	_ =	shalt  }
0x4d: {  	_ =	shalt  }
0x4e: {  	_ =	shalt  }
0x4f: {  	_ =	shalt  }
0x50: {  	_ =	shalt  }
0x51: {  	_ =	shalt  }
0x52: {  	_ =	shalt  }
0x53: {  	_ =	shalt  }
0x54: {  	_ =	shalt  }
0x55: {  	_ =	shalt  }
0x56: {  	_ =	shalt  }
0x57: {  	_ =	shalt  }
0x58: {  	_ =	shalt  }
0x59: {  	_ =	shalt  }
0x5a: {  	_ =	shalt  }
0x5b: {  	_ =	shalt  }
0x5c: {  	_ =	shalt  }
0x5d: {  	_ =	shalt  }
0x5e: {  	_ =	shalt  }
0x5f: {  	_ =	shalt  }
0x60: {  	_ =	shalt  }
0x61: {  	_ =	shalt  }
0x62: {  	_ =	shalt  }
0x63: {  	_ =	shalt  }
0x64: {  	_ =	shalt  }
0x65: {  	_ =	shalt  }
0x66: {  	_ =	shalt  }
0x67: {  	_ =	shalt  }
0x68: {  	_ =	shalt  }
0x69: {  	_ =	shalt  }
0x6a: {  	_ =	shalt  }
0x6b: {  	_ =	shalt  }
0x6c: {  	_ =	shalt  }
0x6d: {  	_ =	shalt  }
0x6e: {  	_ =	shalt  }
0x6f: {  	_ =	shalt  }
0x70: {  	_ =	shalt  }
0x71: {  	_ =	shalt  }
0x72: {  	_ =	shalt  }
0x73: {  	_ =	shalt  }
0x74: {  	_ =	shalt  }
0x75: {  	_ =	shalt  }
0x76: {  	_ =	shalt  }
0x77: {  	_ =	shalt  }
0x78: {  	_ =	shalt  }
0x79: {  	_ =	shalt  }
0x7a: {  	_ =	shalt  }
0x7b: {  	_ =	shalt  }
0x7c: {  	_ =	shalt  }
0x7d: {  	_ =	shalt  }
0x7e: {  	_ =	shalt  }
0x7f: {  	_ =	shalt  }
0x80: {  	_ =	shalt  }
0x81: {  	_ =	shalt  }
0x82: {  	_ =	shalt  }
0x83: {  	_ =	shalt  }
0x84: {  	_ =	shalt  }
0x85: {  	_ =	shalt  }
0x86: {  	_ =	shalt  }
0x87: {  	_ =	shalt  }
.Lfunc_end0:
.L_simem_size_0:
called_computation.3_lowered:
.L_overlay_start_0:
0x88: {  	s2 =	sld [smem:$0x3FD9]  }
0x89: {  	s3 =	sld [smem:$0x3FFE];
	_ =	sdelay $0x1  }
0x8a: {  	s1 =	srdreg.scid  }
0x8b: {  	s0 =	sand.u32 $0x1, s1  }
0x8c: {  	s17 =	sshll.u32 s0, $0xA;
	s2 =	sadd.s32 s3, s2  }
0x8d: {  	s2 =	sadd.s32 s2, s17  }
0x8e: {  	[smem:$0x3FC0] =	sst s2  }
0x8f: {  	_ = 	snop  }
0x90: {  	s2 =	sld [smem:$0x3FD0];
	(tm) =	ssettm $0x1  }
0x91: {  	s18 =	sld [smem:$0x3FFB];
	_ =	sdelay $0x3  }
0x92: {  	_ =	strace s18  }
0x93: {  	s3 =	sld [smem:$0x3FFC];
	_ =	sdelay $0x3  }
0x94: {  	_ =	strace s3  }
0x95: {  	s3 =	sld [smem:$0x3FFD];
	_ =	sdelay $0x3  }
0x96: {  	_ =	strace s3  }
0x97: {  	_ =	strace $0x8FFFFFFF  }
0x98: {  	s19 =	sld [smem:$0x3FDB];
	_ =	sdelay $0x1  }
0x99: {  	s4 =	simm.s32 $_scs_section_size  }
0x9a: {  	s5 =	simm.s32 $_size__tile_overlayer_lowered;
	s6 =	simm.s32 $_tile_overlayer_lowered  }
0x9b: {  	s22 =	simm.s32 $0x1BFF;
	s21 =	sshll.u32 s6, $0x1;
	s3 =	sadd.s32 s4, s19  }
0x9c: {  	s7 =	simm.s32 $0x0;
	s20 =	sshll.u32 s5, $0x1;
	s5 =	sadd.s32 s21, s3  }
0x9d: {  	[timem:s7], [sflag:s22] =	dma.local [hbm:s5], s20  }
0x9e: {  	_ =	swait.ge [sflag:s22], s20  }
0x9f: {  	s4 =	ssub.s32 $0x0, s20;
	[sflag:s22] =	ssyncset.done $0x0  }
0xa0: {  	[sflag:s22] =	ssyncadd.s32 s4;
	_ =	sdelay $0x1  }
0xa1: {  	s23 =	simm.s32 $0x1B8B  }
0xa2: {  	_ =	swait.ge [sflag:s23], $0x1  }
0xa3: {  	[sflag:s23] =	ssyncset.done $0x0  }
0xa4: {  	s25 =	simm.s32 $0x1B8E;
	s24 =	sld [smem:$0x3FFE];
	[sflag:s23] =	ssyncadd.s32 $0xFFFFFFFF  }
0xa5: {  	s26 =	simm.s32 $execute0_lowered;
	[smem:$0x3FD2] =	sst s25  }
0xa6: {  	s5 =	sshll.u32 s26, $0x1;
	_ =	strace $0x8000004F;
	[dreg:$0x1] =	wrdreg $0xFFFFFFFF  }
0xa7: {  	s28 =	simm.s32 $_size_execute0_lowered;
	s3 =	sadd.s32 s3, s5;
	[dreg:$0x0] =	wrdreg $0x0  }
0xa8: {  	s5 =	sshll.u32 s28, $0x1;
	[dreg:$0x2] =	wrdreg s3  }
0xa9: {  	[dreg:$0x3] =	wrdreg s5  }
0xaa: {  	[dreg:$0x4] =	wrdreg $0xC0  }
0xab: {  	_ =	task [dreg:s7], $0x5FFFF  }
0xac: {  	[dreg:$0x1] =	wrdreg $0xFFFFFFFF  }
0xad: {  	[dreg:$0x0] =	wrdreg $0x60  }
0xae: {  	[dreg:$0x2] =	wrdreg s2  }
0xaf: {  	[dreg:$0x3] =	wrdreg s24  }
0xb0: {  	[dreg:$0x4] =	wrdreg $0xBC000  }
0xb1: {  	[dreg:$0x5] =	wrdreg $0x9  }
0xb2: {  	_ =	task.clear_ibuf [dreg:s7], $0x6FFFF;
	_ =	strace $0x9000004F  }
0xb3: {  	s29 =	simm.s32 $0x9;
	_ =	strace $0x80000051  }
0xb4: {  	_ =	swait.ge [sflag:s29], $0x1  }
0xb5: {  	[sflag:s29] =	ssyncadd.s32 $0xFFFFFFFF  }
0xb6: {  	_ =	strace $0x90000051  }
0xb7: {  	_ =	sfence  }
0xb8: {  	s30 =	sld [smem:$0x0];
	_ =	sdelay $0x2  }
0xb9: {  	s31 =	sshll.u32 s1, $0xD;
	s1 =	sshrl.u32 s1, $0x2  }
0xba: {  	s3 =	sand.u32 $0x4000, s31;
	s1 =	sadd.s32 s1, s30  }
0xbb: {  	s0 =	sor.u32 s3, s0;
	s1 =	sshll.u32 s1, $0x11  }
0xbc: {  	s0 =	sor.u32 s1, s0  }
0xbd: {  	s0 =	sadd.s32 $0x8F2B, s0  }
0xbe: {  	[sflag:s0] =	ssyncadd.remote.s32 $0x1  }
0xbf: {  	_ =	sfence.sel $0xFFFF  }
0xc0: {  	[dreg:$0x0] =	wrdreg $0xFFFFFFFF;
	(pc) =	sbr.abs _section_cstart, $3  }
0xc1: {  	[dreg:$0x1] =	wrdreg $0xFFFFFFFF  }
0xc2: {  	_ =	task.clear_ibuf [dreg:s7], $0x2FFFF;
	_ =	strace $0x9FFFFFFF  }
0xc3: {  	(tm) =	ssettm $0x7FFFFFFF  }
tec
execute0_lowered:
.L_overlay_start_1:
0x0: {  	(tag) =	ssettag $0x1  }
0x1: {  	s0 =	rddreg [dreg:$0x0]  }
0x2: {  	s2 =	rddreg [dreg:$0x1]  }
0x3: {  	s1 =	rddreg [dreg:$0x2]  }
0x4: {  	s3 =	simm.s32 $0x0;
	s4 =	srdreg.scid;
	s11 =	stileid.u32  }
0x5: {  	s29 =	simm.s32 $0xA800;
	s30 =	simm.s32 $0x3;
	s31 =	simm.s32 $0x1400  }
0x6: {  	s12 =	simm.s32 $0x0;
	[smem:$0x7FF] =	sst s3;
	s5 =	sand.u32 $0x1, s4  }
0x7: {  	s13 =	sshll.u32 s11, $0x1;
	s7 =	sadd.s32 $0x2800, s2;
	s8 =	smul.u32 $0x14000, s11  }
0x8: {  	s4 =	sadd.s32 $0xCC00, s2;
	s10 =	sadd.s32 $0xC800, s2;
	s11 =	smul.u32 $0x50000, s11  }
0x9: {  	_ =	strace $0x80000050;
	s6 =	smul.u32 $0x140000, s5;
	s9 =	sor.u32 s5, s13  }
0xa: {  	[dreg:$0x4] =	wrdreg s10;
	s5 =	ssub.s32 $0x2, s5;
	s14 =	smul.u32 $0x500, s9  }
0xb: {  	s10 =	simm.s32 $0x2700;
	s15 =	smul.u32 $0x2800, s9;
	s16 =	sshrl.u32 s5, $0x1  }
0xc: {  	s19 =	sshrl.u32 s11, $0x2;
	s11 =	simm.s32 $0x2780;
	s6 =	sadd.s32 s8, s6  }
0xd: {  	s5 =	ssub.s32 s5, s16;
	s8 =	simm.s32 $0x1380;
	s6 =	sshrl.u32 s6, $0x3  }
0xe: {  	s17 =	sshrl.u32 s15, $0x3;
	s18 =	sadd.s32 s0, s14;
	s20 =	sadd.s32 s7, s14  }
0xf: {  	s14 =	sadd.s32 s19, s1;
	s22 =	smax.u32 s5, $0x1;
	[dreg:$0x5] =	wrdreg s18  }
0x10: {  	s5 =	simm.s32 $0x1;
	s2 =	sadd.s32 s6, s2;
	[dreg:$0x6] =	wrdreg s20  }
0x11: {  	s6 =	sadd.s32 $0x280, s17;
	[dreg:$0x9] =	wrdreg s22;
	s23 =	sadd.s32 $0x1400, s14  }
0x12: {  	s24 =	sadd.s32 $0x2800, s14;
	s25 =	sadd.s32 $0x3C00, s14;
	s26 =	sadd.s32 $0x5000, s14  }
0x13: {  	s16 =	sadd.s32 $0x6400, s14;
	s17 =	sadd.s32 $0x7800, s14;
	s18 =	sadd.s32 $0x8C00, s14  }
0x14: {  	s19 =	sadd.s32 $0xA000, s14;
	s20 =	sadd.s32 $0xB400, s14;
	[dreg:$0xa] =	wrdreg s23  }
0x15: {  	s22 =	sadd.s32 $0xDC00, s14;
	s28 =	sadd.s32 $0x12C00, s14;
	[dreg:$0xb] =	wrdreg s24  }
0x16: {  	s0 =	sadd.s32 s0, s6;
	s21 =	sadd.s32 s7, s6;
	[dreg:$0xc] =	wrdreg s25  }
0x17: {  	[dreg:$0xd] =	wrdreg s26;
	s23 =	sadd.s32 $0xF000, s14;
	s24 =	sadd.s32 $0x10400, s14  }
0x18: {  	s25 =	sadd.s32 $0x34C00, s2;
	s26 =	sadd.s32 $0x11800, s14;
	s2 =	simm.s32 $0x2800  }
0x19: {  	s6 =	simm.s32 $0x6800;
	s7 =	simm.s32 $0x2;
	[dreg:$0x7] =	wrdreg s0  }
0x1a: {  	[dreg:$0x8] =	wrdreg s21;
	s21 =	sadd.s32 $0xC800, s14;
	s0 =	simm.s32 $0x80  }
.LBB2_1:
0x1b: {  	s9 =	rddreg [dreg:$0x4]  }
0x1c: {  	[tilespmem:s29], [sflag:$0x3] =	stream.linear.gather [hbm4b:s9+s3], $0x1400, $0x38;
	[tilespmem:$0x1FC00] =	vst v63  }
0x1d: {  	_ =	swait.ge [sflag:s30], $0x1400  }
0x1e: {  	[sflag:s30] =	ssyncset.done $0x0  }
0x1f: {  	[sflag:s30] =	ssyncadd.s32 $0xFFFFEC00  }
0x20: {  	[spmem:s14] =	stream.linear.scatter [tilespmem:s29], [sflag:$0x3], $0x1400, $0x38;
	[tilespmem:$0x1FC00] =	vst v63  }
0x21: {  	_ =	swait.ge [sflag:s30], $0x1400  }
0x22: {  	[sflag:s30] =	ssyncset.done $0x0  }
0x23: {  	s13 =	rddreg [dreg:$0xa];
	[sflag:s30] =	ssyncadd.s32 $0xFFFFEC00  }
0x24: {  	[spmem:s13] =	stream.linear.scatter [tilespmem:s29], [sflag:$0x3], $0x1400, $0x38;
	[tilespmem:$0x1FC00] =	vst v63  }
0x25: {  	_ =	swait.ge [sflag:s30], $0x1400  }
0x26: {  	[sflag:s30] =	ssyncset.done $0x0  }
0x27: {  	s15 =	rddreg [dreg:$0xb];
	[sflag:s30] =	ssyncadd.s32 $0xFFFFEC00  }
0x28: {  	[spmem:s15] =	stream.linear.scatter [tilespmem:s29], [sflag:$0x3], $0x1400, $0x38;
	[tilespmem:$0x1FC00] =	vst v63  }
0x29: {  	_ =	swait.ge [sflag:s30], $0x1400  }
0x2a: {  	[sflag:s30] =	ssyncset.done $0x0  }
0x2b: {  	s13 =	rddreg [dreg:$0xc];
	[sflag:s30] =	ssyncadd.s32 $0xFFFFEC00  }
0x2c: {  	[spmem:s13] =	stream.linear.scatter [tilespmem:s29], [sflag:$0x3], $0x1400, $0x38;
	[tilespmem:$0x1FC00] =	vst v63  }
0x2d: {  	_ =	swait.ge [sflag:s30], $0x1400  }
0x2e: {  	[sflag:s30] =	ssyncset.done $0x0  }
0x2f: {  	s15 =	rddreg [dreg:$0xd];
	[sflag:s30] =	ssyncadd.s32 $0xFFFFEC00  }
0x30: {  	[spmem:s15] =	stream.linear.scatter [tilespmem:s29], [sflag:$0x3], $0x1400, $0x38;
	[tilespmem:$0x1FC00] =	vst v63  }
0x31: {  	_ =	swait.ge [sflag:s30], $0x1400  }
0x32: {  	[sflag:s30] =	ssyncset.done $0x0  }
0x33: {  	[sflag:s30] =	ssyncadd.s32 $0xFFFFEC00  }
0x34: {  	[spmem:s16] =	stream.linear.scatter [tilespmem:s29], [sflag:$0x3], $0x1400, $0x38;
	[tilespmem:$0x1FC00] =	vst v63  }
0x35: {  	_ =	swait.ge [sflag:s30], $0x1400  }
0x36: {  	[sflag:s30] =	ssyncset.done $0x0  }
0x37: {  	[sflag:s30] =	ssyncadd.s32 $0xFFFFEC00  }
0x38: {  	[spmem:s17] =	stream.linear.scatter [tilespmem:s29], [sflag:$0x3], $0x1400, $0x38;
	[tilespmem:$0x1FC00] =	vst v63  }
0x39: {  	_ =	swait.ge [sflag:s30], $0x1400  }
0x3a: {  	[sflag:s30] =	ssyncset.done $0x0  }
0x3b: {  	[sflag:s30] =	ssyncadd.s32 $0xFFFFEC00  }
0x3c: {  	[spmem:s18] =	stream.linear.scatter [tilespmem:s29], [sflag:$0x3], $0x1400, $0x38;
	[tilespmem:$0x1FC00] =	vst v63  }
0x3d: {  	_ =	swait.ge [sflag:s30], $0x1400  }
0x3e: {  	[sflag:s30] =	ssyncset.done $0x0  }
0x3f: {  	[sflag:s30] =	ssyncadd.s32 $0xFFFFEC00  }
0x40: {  	[spmem:s19] =	stream.linear.scatter [tilespmem:s29], [sflag:$0x3], $0x1400, $0x38;
	[tilespmem:$0x1FC00] =	vst v63  }
0x41: {  	_ =	swait.ge [sflag:s30], $0x1400  }
0x42: {  	[sflag:s30] =	ssyncset.done $0x0  }
0x43: {  	[sflag:s30] =	ssyncadd.s32 $0xFFFFEC00  }
0x44: {  	[spmem:s20] =	stream.linear.scatter [tilespmem:s29], [sflag:$0x3], $0x1400, $0x38;
	[tilespmem:$0x1FC00] =	vst v63  }
0x45: {  	_ =	swait.ge [sflag:s30], $0x1400  }
0x46: {  	[sflag:s30] =	ssyncset.done $0x0  }
0x47: {  	[sflag:s30] =	ssyncadd.s32 $0xFFFFEC00  }
0x48: {  	[spmem:s21] =	stream.linear.scatter [tilespmem:s29], [sflag:$0x3], $0x1400, $0x38;
	[tilespmem:$0x1FC00] =	vst v63  }
0x49: {  	_ =	swait.ge [sflag:s30], $0x1400  }
0x4a: {  	[sflag:s30] =	ssyncset.done $0x0  }
0x4b: {  	[sflag:s30] =	ssyncadd.s32 $0xFFFFEC00  }
0x4c: {  	[spmem:s22] =	stream.linear.scatter [tilespmem:s29], [sflag:$0x3], $0x1400, $0x38;
	[tilespmem:$0x1FC00] =	vst v63  }
0x4d: {  	_ =	swait.ge [sflag:s30], $0x1400  }
0x4e: {  	[sflag:s30] =	ssyncset.done $0x0  }
0x4f: {  	[sflag:s30] =	ssyncadd.s32 $0xFFFFEC00  }
0x50: {  	[spmem:s23] =	stream.linear.scatter [tilespmem:s29], [sflag:$0x3], $0x1400, $0x38;
	[tilespmem:$0x1FC00] =	vst v63  }
0x51: {  	_ =	swait.ge [sflag:s30], $0x1400  }
0x52: {  	[sflag:s30] =	ssyncset.done $0x0  }
0x53: {  	[sflag:s30] =	ssyncadd.s32 $0xFFFFEC00  }
0x54: {  	[spmem:s24] =	stream.linear.scatter [tilespmem:s29], [sflag:$0x3], $0x1400, $0x38;
	[tilespmem:$0x1FC00] =	vst v63  }
0x55: {  	_ =	swait.ge [sflag:s30], $0x1400  }
0x56: {  	[sflag:s30] =	ssyncset.done $0x0  }
0x57: {  	[sflag:s30] =	ssyncadd.s32 $0xFFFFEC00  }
0x58: {  	[spmem:s26] =	stream.linear.scatter [tilespmem:s29], [sflag:$0x3], $0x1400, $0x38;
	[tilespmem:$0x1FC00] =	vst v63  }
0x59: {  	_ =	swait.ge [sflag:s30], $0x1400  }
0x5a: {  	[sflag:s30] =	ssyncset.done $0x0  }
0x5b: {  	[sflag:s30] =	ssyncadd.s32 $0xFFFFEC00  }
0x5c: {  	[spmem:s28] =	stream.linear.scatter [tilespmem:s29], [sflag:$0x3], $0x1400, $0x38;
	[tilespmem:$0x1FC00] =	vst v63  }
0x5d: {  	_ =	swait.ge [sflag:s30], $0x1400  }
0x5e: {  	[sflag:s30] =	ssyncset.done $0x0  }
0x5f: {  	[sflag:s30] =	ssyncadd.s32 $0xFFFFEC00  }
0x60: {  	[bflag:$0x0] =	sbarrier.arrive $0xFFFF  }
0x61: {  	s13 =	rddreg [dreg:$0x5]  }
0x62: {  	[tilespmem:s3], [sflag:$0x3] =	stream.linear.gather [hbm4b:s13+s3], $0x1400, $0x38;
	[tilespmem:$0x1FC00] =	vst v63  }
0x63: {  	_ =	swait.ge [sflag:s30], $0x1400  }
0x64: {  	[sflag:s30] =	ssyncset.done $0x0  }
0x65: {  	s15 =	rddreg [dreg:$0x6];
	[sflag:s30] =	ssyncadd.s32 $0xFFFFEC00  }
0x66: {  	[tilespmem:s31], [sflag:$0x3] =	stream.linear.gather [hbm4b:s15+s3], $0x1400, $0x38;
	[tilespmem:$0x1FC00] =	vst v63  }
0x67: {  	_ =	swait.ge [sflag:s30], $0x1400  }
0x68: {  	[sflag:s30] =	ssyncset.done $0x0  }
0x69: {  	[sflag:s30] =	ssyncadd.s32 $0xFFFFEC00  }
0x6a: {  	[tilespmem:s2], [sflag:$0x1] =	stream.indirect.gather [hbm4b:s4+s0], $0x80, s3, s0, $0xb8;
	[tilespmem:$0x1FC00] =	vst v63  }
0x6b: {  	_ =	swait.ge [sflag:s5], $0x4000  }
0x6c: {  	[sflag:s5] =	ssyncset.done $0x0  }
0x6d: {  	s13 =	simm.s32 $0x80;
	[sflag:s5] =	ssyncadd.s32 $0xFFFFC000  }
0x6e: {  	[tilespmem:s6], [sflag:$0x2] =	stream.indirect.gather [hbm4b:s4+s0], $0x80, s13, s0, $0xb8;
	[tilespmem:$0x1FC00] =	vst v63  }
0x6f: {  	s15 =	simm.s32 $0x1400  }
0x70: {  	[spmem:s1] =	stream.indirect.scatter.add.f32 [tilespmem:s2], [sflag:$0x3], $0x80, s15, s0, $0xb8;
	[tilespmem:$0x1FC00] =	vst v63  }
0x71: {  	_ =	swait.ge [sflag:s30], $0x4000  }
0x72: {  	[sflag:s30] =	ssyncset.done $0x0  }
0x73: {  	[sflag:s30] =	ssyncadd.s32 $0xFFFFC000  }
0x74: {  	_ =	swait.ge [sflag:s7], $0x4000  }
0x75: {  	[sflag:s7] =	ssyncset.done $0x0  }
0x76: {  	s13 =	simm.s32 $0x100;
	[sflag:s7] =	ssyncadd.s32 $0xFFFFC000  }
0x77: {  	[tilespmem:s2], [sflag:$0x1] =	stream.indirect.gather [hbm4b:s4+s0], $0x80, s13, s0, $0xb8;
	[tilespmem:$0x1FC00] =	vst v63  }
0x78: {  	s15 =	simm.s32 $0x1480  }
0x79: {  	[spmem:s1] =	stream.indirect.scatter.add.f32 [tilespmem:s6], [sflag:$0x3], $0x80, s15, s0, $0xb8;
	[tilespmem:$0x1FC00] =	vst v63  }
0x7a: {  	_ =	swait.ge [sflag:s30], $0x4000  }
0x7b: {  	s13 =	simm.s32 $0x400;
	[sflag:s30] =	ssyncset.done $0x0  }
.LBB2_2:
0x7c: {  	p0 =	sne.s32 s13, $0x4800  }
0x7d: {  	[sflag:s30] =	ssyncadd.s32 $0xFFFFC000;
	s9 =	smov.u32 s13;
	s13 =	sadd.s32 $0x400, s13  }
0x7e: {  	_ = 	snop  }
0x7f: {  	_ =	swait.ge [sflag:s5], $0x4000  }
0x80: {  	s9 =	sshra.s32 s9, $0x2;
	[sflag:s5] =	ssyncset.done $0x0  }
0x81: {  	s15 =	sadd.s32 $0x80, s9;
	[sflag:s5] =	ssyncadd.s32 $0xFFFFC000  }
0x82: {  	[tilespmem:s6], [sflag:$0x2] =	stream.indirect.gather [hbm4b:s4+s0], $0x80, s15, s0, $0xb8;
	[tilespmem:$0x1FC00] =	vst v63  }
0x83: {  	s15 =	sadd.s32 $0x1400, s9  }
0x84: {  	[spmem:s1] =	stream.indirect.scatter.add.f32 [tilespmem:s2], [sflag:$0x3], $0x80, s15, s0, $0xb8;
	[tilespmem:$0x1FC00] =	vst v63  }
0x85: {  	_ =	swait.ge [sflag:s30], $0x4000  }
0x86: {  	[sflag:s30] =	ssyncset.done $0x0  }
0x87: {  	[sflag:s30] =	ssyncadd.s32 $0xFFFFC000  }
0x88: {  	_ =	swait.ge [sflag:s7], $0x4000  }
0x89: {  	[sflag:s7] =	ssyncset.done $0x0  }
0x8a: {  	s15 =	sadd.s32 $0x100, s9;
	[sflag:s7] =	ssyncadd.s32 $0xFFFFC000  }
0x8b: {  	[tilespmem:s2], [sflag:$0x1] =	stream.indirect.gather [hbm4b:s4+s0], $0x80, s15, s0, $0xb8;
	[tilespmem:$0x1FC00] =	vst v63  }
.Ltmp0:
0x8c: {  	_ = 	snop;
	(pc) =	sbr.rel @p0 .LBB2_2-.Ltmp0, $4  }
0x8d: {  	s9 =	sadd.s32 $0x1480, s9  }
0x8e: {  	[spmem:s1] =	stream.indirect.scatter.add.f32 [tilespmem:s6], [sflag:$0x3], $0x80, s9, s0, $0xb8;
	[tilespmem:$0x1FC00] =	vst v63  }
0x8f: {  	_ =	swait.ge [sflag:s30], $0x4000  }
0x90: {  	[sflag:s30] =	ssyncset.done $0x0  }
0x91: {  	[sflag:s30] =	ssyncadd.s32 $0xFFFFC000  }
0x92: {  	_ =	swait.ge [sflag:s5], $0x4000  }
0x93: {  	[sflag:s5] =	ssyncset.done $0x0  }
0x94: {  	[sflag:s5] =	ssyncadd.s32 $0xFFFFC000  }
0x95: {  	[tilespmem:s6], [sflag:$0x2] =	stream.indirect.gather [hbm4b:s4+s0], $0x80, s8, s0, $0xb8;
	[tilespmem:$0x1FC00] =	vst v63  }
0x96: {  	_ = 	snop  }
0x97: {  	[spmem:s1] =	stream.indirect.scatter.add.f32 [tilespmem:s2], [sflag:$0x3], $0x80, s10, s0, $0xb8;
	[tilespmem:$0x1FC00] =	vst v63  }
0x98: {  	_ =	swait.ge [sflag:s30], $0x4000  }
0x99: {  	[sflag:s30] =	ssyncset.done $0x0  }
0x9a: {  	[sflag:s30] =	ssyncadd.s32 $0xFFFFC000  }
0x9b: {  	_ =	swait.ge [sflag:s7], $0x4000  }
0x9c: {  	[sflag:s7] =	ssyncset.done $0x0  }
0x9d: {  	[sflag:s7] =	ssyncadd.s32 $0xFFFFC000  }
0x9e: {  	[tilespmem:s2], [sflag:$0x1] =	stream.indirect.gather [hbm4b:s4+s0], $0x80, s8, s0, $0xb8;
	[tilespmem:$0x1FC00] =	vst v63  }
0x9f: {  	_ = 	snop  }
0xa0: {  	[spmem:s1] =	stream.indirect.scatter.add.f32 [tilespmem:s6], [sflag:$0x3], $0x80, s11, s0, $0xb8;
	[tilespmem:$0x1FC00] =	vst v63  }
0xa1: {  	_ =	swait.ge [sflag:s30], $0x4000  }
0xa2: {  	[sflag:s30] =	ssyncset.done $0x0  }
0xa3: {  	[sflag:s30] =	ssyncadd.s32 $0xFFFFC000  }
0xa4: {  	_ =	swait.ge [sflag:s5], $0x4000  }
0xa5: {  	[sflag:s5] =	ssyncset.done $0x0  }
0xa6: {  	s9 =	simm.s32 $0x0;
	s13 =	rddreg [dreg:$0x7];
	[sflag:s5] =	ssyncadd.s32 $0xFFFFC000  }
0xa7: {  	[tilespmem:s9], [sflag:$0x3] =	stream.linear.gather [hbm4b:s13+s9], $0x1400, $0x38;
	[tilespmem:$0x1FC00] =	vst v63  }
0xa8: {  	_ =	swait.ge [sflag:s30], $0x1400  }
0xa9: {  	[sflag:s30] =	ssyncset.done $0x0  }
0xaa: {  	s15 =	rddreg [dreg:$0x8];
	[sflag:s30] =	ssyncadd.s32 $0xFFFFEC00  }
0xab: {  	[tilespmem:s31], [sflag:$0x3] =	stream.linear.gather [hbm4b:s15+s9], $0x1400, $0x38;
	[tilespmem:$0x1FC00] =	vst v63  }
0xac: {  	_ =	swait.ge [sflag:s30], $0x1400  }
0xad: {  	[sflag:s30] =	ssyncset.done $0x0  }
0xae: {  	[sflag:s30] =	ssyncadd.s32 $0xFFFFEC00  }
0xaf: {  	[tilespmem:s2], [sflag:$0x1] =	stream.indirect.gather [hbm4b:s4+s0], $0x80, s9, s0, $0xb8;
	[tilespmem:$0x1FC00] =	vst v63  }
0xb0: {  	_ =	swait.ge [sflag:s5], $0x4000  }
0xb1: {  	[sflag:s5] =	ssyncset.done $0x0  }
0xb2: {  	s13 =	simm.s32 $0x80;
	[sflag:s5] =	ssyncadd.s32 $0xFFFFC000  }
0xb3: {  	[tilespmem:s6], [sflag:$0x2] =	stream.indirect.gather [hbm4b:s4+s0], $0x80, s13, s0, $0xb8;
	[tilespmem:$0x1FC00] =	vst v63  }
0xb4: {  	s15 =	simm.s32 $0x1400  }
0xb5: {  	[spmem:s1] =	stream.indirect.scatter.add.f32 [tilespmem:s2], [sflag:$0x3], $0x80, s15, s0, $0xb8;
	[tilespmem:$0x1FC00] =	vst v63  }
0xb6: {  	_ =	swait.ge [sflag:s30], $0x4000  }
0xb7: {  	[sflag:s30] =	ssyncset.done $0x0  }
0xb8: {  	[sflag:s30] =	ssyncadd.s32 $0xFFFFC000  }
0xb9: {  	_ =	swait.ge [sflag:s7], $0x4000  }
0xba: {  	[sflag:s7] =	ssyncset.done $0x0  }
0xbb: {  	s13 =	simm.s32 $0x100;
	[sflag:s7] =	ssyncadd.s32 $0xFFFFC000  }
0xbc: {  	[tilespmem:s2], [sflag:$0x1] =	stream.indirect.gather [hbm4b:s4+s0], $0x80, s13, s0, $0xb8;
	[tilespmem:$0x1FC00] =	vst v63  }
0xbd: {  	s15 =	simm.s32 $0x1480  }
0xbe: {  	[spmem:s1] =	stream.indirect.scatter.add.f32 [tilespmem:s6], [sflag:$0x3], $0x80, s15, s0, $0xb8;
	[tilespmem:$0x1FC00] =	vst v63  }
0xbf: {  	_ =	swait.ge [sflag:s30], $0x4000  }
0xc0: {  	s13 =	simm.s32 $0x400;
	[sflag:s30] =	ssyncset.done $0x0  }
.LBB2_4:
0xc1: {  	p0 =	sne.s32 s13, $0x4800  }
0xc2: {  	[sflag:s30] =	ssyncadd.s32 $0xFFFFC000;
	s9 =	smov.u32 s13;
	s13 =	sadd.s32 $0x400, s13  }
0xc3: {  	_ = 	snop  }
0xc4: {  	_ =	swait.ge [sflag:s5], $0x4000  }
0xc5: {  	s9 =	sshra.s32 s9, $0x2;
	[sflag:s5] =	ssyncset.done $0x0  }
0xc6: {  	s15 =	sadd.s32 $0x80, s9;
	[sflag:s5] =	ssyncadd.s32 $0xFFFFC000  }
0xc7: {  	[tilespmem:s6], [sflag:$0x2] =	stream.indirect.gather [hbm4b:s4+s0], $0x80, s15, s0, $0xb8;
	[tilespmem:$0x1FC00] =	vst v63  }
0xc8: {  	s15 =	sadd.s32 $0x1400, s9  }
0xc9: {  	[spmem:s1] =	stream.indirect.scatter.add.f32 [tilespmem:s2], [sflag:$0x3], $0x80, s15, s0, $0xb8;
	[tilespmem:$0x1FC00] =	vst v63  }
0xca: {  	_ =	swait.ge [sflag:s30], $0x4000  }
0xcb: {  	[sflag:s30] =	ssyncset.done $0x0  }
0xcc: {  	[sflag:s30] =	ssyncadd.s32 $0xFFFFC000  }
0xcd: {  	_ =	swait.ge [sflag:s7], $0x4000  }
0xce: {  	[sflag:s7] =	ssyncset.done $0x0  }
0xcf: {  	s15 =	sadd.s32 $0x100, s9;
	[sflag:s7] =	ssyncadd.s32 $0xFFFFC000  }
0xd0: {  	[tilespmem:s2], [sflag:$0x1] =	stream.indirect.gather [hbm4b:s4+s0], $0x80, s15, s0, $0xb8;
	[tilespmem:$0x1FC00] =	vst v63  }
.Ltmp1:
0xd1: {  	_ = 	snop;
	(pc) =	sbr.rel @p0 .LBB2_4-.Ltmp1, $4  }
0xd2: {  	s9 =	sadd.s32 $0x1480, s9  }
0xd3: {  	[spmem:s1] =	stream.indirect.scatter.add.f32 [tilespmem:s6], [sflag:$0x3], $0x80, s9, s0, $0xb8;
	[tilespmem:$0x1FC00] =	vst v63  }
0xd4: {  	_ =	swait.ge [sflag:s30], $0x4000  }
0xd5: {  	[sflag:s30] =	ssyncset.done $0x0  }
0xd6: {  	[sflag:s30] =	ssyncadd.s32 $0xFFFFC000  }
0xd7: {  	_ =	swait.ge [sflag:s5], $0x4000  }
0xd8: {  	[sflag:s5] =	ssyncset.done $0x0  }
0xd9: {  	[sflag:s5] =	ssyncadd.s32 $0xFFFFC000  }
0xda: {  	[tilespmem:s6], [sflag:$0x2] =	stream.indirect.gather [hbm4b:s4+s0], $0x80, s8, s0, $0xb8;
	[tilespmem:$0x1FC00] =	vst v63  }
0xdb: {  	_ = 	snop  }
0xdc: {  	[spmem:s1] =	stream.indirect.scatter.add.f32 [tilespmem:s2], [sflag:$0x3], $0x80, s10, s0, $0xb8;
	[tilespmem:$0x1FC00] =	vst v63  }
0xdd: {  	_ =	swait.ge [sflag:s30], $0x4000  }
0xde: {  	[sflag:s30] =	ssyncset.done $0x0  }
0xdf: {  	[sflag:s30] =	ssyncadd.s32 $0xFFFFC000  }
0xe0: {  	_ =	swait.ge [sflag:s7], $0x4000  }
0xe1: {  	[sflag:s7] =	ssyncset.done $0x0  }
0xe2: {  	[sflag:s7] =	ssyncadd.s32 $0xFFFFC000  }
0xe3: {  	[tilespmem:s2], [sflag:$0x1] =	stream.indirect.gather [hbm4b:s4+s0], $0x80, s8, s0, $0xb8;
	[tilespmem:$0x1FC00] =	vst v63  }
0xe4: {  	_ = 	snop  }
0xe5: {  	[spmem:s1] =	stream.indirect.scatter.add.f32 [tilespmem:s6], [sflag:$0x3], $0x80, s11, s0, $0xb8;
	[tilespmem:$0x1FC00] =	vst v63  }
0xe6: {  	_ =	swait.ge [sflag:s30], $0x4000  }
0xe7: {  	[sflag:s30] =	ssyncset.done $0x0  }
0xe8: {  	[sflag:s30] =	ssyncadd.s32 $0xFFFFC000  }
0xe9: {  	_ =	swait.ge [sflag:s5], $0x4000  }
0xea: {  	[sflag:s5] =	ssyncset.done $0x0  }
0xeb: {  	[sflag:s5] =	ssyncadd.s32 $0xFFFFC000  }
0xec: {  	[bflag:$0x0] =	sbarrier.arrive $0xFFFF  }
0xed: {  	[tilespmem:s29], [sflag:$0x3] =	stream.linear.gather [spmem:s14], $0x1400, $0x38;
	[tilespmem:$0x1FC00] =	vst v63  }
0xee: {  	_ =	swait.ge [sflag:s30], $0x1400  }
0xef: {  	[sflag:s30] =	ssyncset.done $0x0  }
0xf0: {  	s9 =	sadd.s32 $0x0, s25;
	[sflag:s30] =	ssyncadd.s32 $0xFFFFEC00  }
0xf1: {  	[hbm4b:s9+s3] =	stream.linear.scatter [tilespmem:s29], [sflag:$0x3], $0x1400, $0x38;
	[tilespmem:$0x1FC00] =	vst v63  }
0xf2: {  	_ =	swait.ge [sflag:s30], $0x1400  }
0xf3: {  	s13 =	simm.s32 $0x280;
	s9 =	smov.u32 s14;
	[sflag:s30] =	ssyncset.done $0x0  }
.LBB2_6:
0xf4: {  	p0 =	sne.s32 s13, $0x2580;
	[sflag:s30] =	ssyncadd.s32 $0xFFFFEC00;
	s9 =	sadd.s32 $0x1400, s9  }
0xf5: {  	[tilespmem:s29], [sflag:$0x3] =	stream.linear.gather [spmem:s9], $0x1400, $0x38;
	[tilespmem:$0x1FC00] =	vst v63  }
0xf6: {  	s15 =	smov.u32 s13;
	s13 =	sadd.s32 $0x280, s13;
	_ =	swait.ge [sflag:s30], $0x1400  }
.Ltmp2:
0xf7: {  	[sflag:s30] =	ssyncset.done $0x0;
	(pc) =	sbr.rel @p0 .LBB2_6-.Ltmp2, $4  }
0xf8: {  	s15 =	sadd.s32 s15, s25;
	[sflag:s30] =	ssyncadd.s32 $0xFFFFEC00  }
0xf9: {  	[hbm4b:s15+s3] =	stream.linear.scatter [tilespmem:s29], [sflag:$0x3], $0x1400, $0x38;
	[tilespmem:$0x1FC00] =	vst v63  }
0xfa: {  	_ =	swait.ge [sflag:s30], $0x1400  }
0xfb: {  	[sflag:s30] =	ssyncset.done $0x0  }
0xfc: {  	s12 =	sadd.s32 $0x1, s12;
	s9 =	rddreg [dreg:$0x9]  }
0xfd: {  	p0 =	sne.s32 s12, s9  }
.Ltmp3:
0xfe: {  	_ = 	snop;
	(pc) =	sbr.rel @p0 .LBB2_1-.Ltmp3, $2  }
0xff: {  	_ =	sdelay $0x2  }
0x100: {  	[sflag:s30] =	ssyncadd.s32 $0xFFFFEC00  }
0x101: {  	_ =	sfence.sel $0x180000  }
0x102: {  	[bflag:$0x0] =	sbarrier.arrive $0xFFFF  }
0x103: {  	_ =	strace $0x90000050  }
0x104: {  	s0 =	stileid.u32;
	[bflag:$0x2] =	sbarrier.arrive $0xFFFF  }
0x105: {  	p0 =	sne.s32 s0, $0x0;
	s0 =	rddreg [dreg:$0x3]  }
0x106: {  	s0 =	sadd.s32 @!p0 $0x100000, s0  }
0x107: {  	[sflag:s0] =	ssyncadd.tile.s32 @!p0 $0x1;
	_ =	shalt  }
.Lfunc_end2:
_tile_overlayer_lowered:
.L_overlay_start_2:
0x108: {  	(tag) =	ssettag $0x2  }
0x109: {  	s0 =	rddreg [dreg:$0x0];
	s2 =	stileid.u32  }
0x10a: {  	s1 =	rddreg [dreg:$0x1];
	p0 =	sne.s32 s2, $0x0  }
0x10b: {  	s3 =	rddreg [dreg:$0x2];
	[bflag:$0x3] =	sbarrier.arrive $0xFFFF;
	s2 =	simm.s32 @!p0 $0x1C03  }
0x10c: {  	[timem:s3], [sflag:s2] =	dma.local @!p0 [hbm:s0], s1  }
0x10d: {  	s0 =	simm.s32 @!p0 $0x3  }
0x10e: {  	_ =	swait.ge @!p0 [sflag:s0], s1  }
0x10f: {  	s1 =	ssub.s32 @!p0 $0x0, s1;
	[sflag:s0] =	ssyncset.done @!p0 $0x0  }
0x110: {  	[sflag:s0] =	ssyncadd.s32 @!p0 s1  }
0x111: {  	[bflag:$0x3] =	sbarrier.arrive $0xFFFF  }
0x112: {  	_ =	shalt  }

</sc_bundles>
